<compile_context>
chip_gen: v7x
topology: tpu7x:2x2x1
jax: 0.10.2.dev20260603
libtpu: 0.0.44.dev20260713+nightly
codegen_flags: <defaults>
</compile_context>

<pallas_src>
import functools

import jax
import jax.numpy as jnp
from jax import lax
from jax.experimental import pallas as pl
from jax.experimental.pallas import tpu as pltpu
from jax.experimental.pallas import tpu_sc as plsc

N = 10000
D = 128
H = 64
G = 128
C = 10
E = 320000

NC = 2
NS = 16
NW = NC * NS
CH = 128
CPW = 80
E_PAD = NW * CPW * CH
NACC = 10112
RPT = NACC // NS
ZB = 79

BLK = 1000
NBLK = N // BLK


def _sc_segment_sum(p, src3, dst3):
    mesh = plsc.VectorSubcoreMesh(core_axis_name="c", subcore_axis_name="s")

    @functools.partial(
        pl.kernel,
        out_type=jax.ShapeDtypeStruct((NC, NACC, H), jnp.float32),
        mesh=mesh,
        scratch_types=[
            pltpu.VMEM((CPW, CH), jnp.int32),
            pltpu.VMEM((CPW, CH), jnp.int32),
            pltpu.VMEM((CH, H), jnp.float32),
            pltpu.VMEM((CH, H), jnp.float32),
            pltpu.VMEM((ZB, H), jnp.float32),
            pltpu.VMEM_SHARED((NACC, H), jnp.float32),
            pltpu.SemaphoreType.DMA,
            pltpu.SemaphoreType.DMA,
        ],
        compiler_params=pltpu.CompilerParams(use_tc_tiling_on_sc=False),
    )
    def agg(p_hbm, src_hbm, dst_hbm, out_hbm,
            src_v, dst_v, rows_a, rows_b, zbuf, acc, sem_a, sem_b):
        c = lax.axis_index("c")
        s = lax.axis_index("s")
        wid = c * NS + s

        pltpu.sync_copy(src_hbm.at[wid], src_v)
        pltpu.sync_copy(dst_hbm.at[wid], dst_v)

        def _zrow(i, _):
            for l in range(H // 16):
                zbuf[i, pl.ds(l * 16, 16)] = jnp.zeros((16,), jnp.float32)
            return 0
        lax.fori_loop(0, ZB, _zrow, 0)
        base = s * RPT
        for r in range(RPT // ZB):
            pltpu.sync_copy(zbuf, acc.at[pl.ds(base + r * ZB, ZB)])
        plsc.subcore_barrier()

        pltpu.async_copy(p_hbm.at[src_v.at[0]], rows_a, sem_a)

        def _pair(t, _):
            j = 2 * t
            pltpu.async_copy(p_hbm.at[src_v.at[j + 1]], rows_b, sem_b)
            pltpu.make_async_copy(p_hbm.at[src_v.at[0]], rows_a, sem_a).wait()
            pltpu.sync_copy(rows_a, acc.at[dst_v.at[j]], add=True)

            @pl.when(j + 2 < CPW)
            def _():
                pltpu.async_copy(p_hbm.at[src_v.at[j + 2]], rows_a, sem_a)

            pltpu.make_async_copy(p_hbm.at[src_v.at[0]], rows_b, sem_b).wait()
            pltpu.sync_copy(rows_b, acc.at[dst_v.at[j + 1]], add=True)
            return 0

        lax.fori_loop(0, CPW // 2, _pair, 0)
        plsc.subcore_barrier()

        pltpu.sync_copy(acc.at[pl.ds(base, RPT)],
                        out_hbm.at[c, pl.ds(base, RPT)])

    return agg(p, src3, dst3)


def _proj_body(x_ref, w_ref, o_ref):
    o_ref[...] = jnp.dot(x_ref[...], w_ref[...],
                         preferred_element_type=jnp.float32)


def _tc_project(x, w):
    d_in = x.shape[1]
    return pl.pallas_call(
        _proj_body,
        grid=(NBLK,),
        in_specs=[
            pl.BlockSpec((BLK, d_in), lambda i: (i, 0)),
            pl.BlockSpec((d_in, H), lambda i: (0, 0)),
        ],
        out_specs=pl.BlockSpec((BLK, H), lambda i: (i, 0)),
        out_shape=jax.ShapeDtypeStruct((N, H), jnp.float32),
    )(x, w)


def _mlp_core(pa_ref, pb_ref, p_ref, eps_ref, b1_ref, w2_ref, b2_ref,
              g_ref, be_ref):
    h1 = pa_ref[...] + pb_ref[...] + eps_ref[0, 0] * p_ref[...] + b1_ref[...]
    h1 = jnp.maximum(h1, 0.0)
    h2 = jnp.dot(h1, w2_ref[...], preferred_element_type=jnp.float32)
    h2 = jnp.maximum(h2 + b2_ref[...], 0.0)
    return jnp.maximum(h2 * g_ref[...] + be_ref[...], 0.0)


def _mlp_body(pa_ref, pb_ref, p_ref, eps_ref, b1_ref, w2_ref, b2_ref,
              g_ref, be_ref, w1n_ref, xn_ref, pn_ref):
    xn = _mlp_core(pa_ref, pb_ref, p_ref, eps_ref, b1_ref, w2_ref, b2_ref,
                   g_ref, be_ref)
    xn_ref[...] = xn
    pn_ref[...] = jnp.dot(xn, w1n_ref[...], preferred_element_type=jnp.float32)


def _mlp_pool_body(pa_ref, pb_ref, p_ref, eps_ref, b1_ref, w2_ref, b2_ref,
                   g_ref, be_ref, batch_ref, xn_ref, pooled_ref):
    xn = _mlp_core(pa_ref, pb_ref, p_ref, eps_ref, b1_ref, w2_ref, b2_ref,
                   g_ref, be_ref)
    xn_ref[...] = xn
    b = batch_ref[0, 0, :]
    oh = (b[None, :] == lax.broadcasted_iota(jnp.int32, (G, BLK), 0))
    oh = oh.astype(jnp.float32)
    aug = jnp.concatenate(
        [xn, jnp.ones((BLK, 1), jnp.float32)], axis=1)

    @pl.when(pl.program_id(0) == 0)
    def _():
        pooled_ref[...] = jnp.zeros_like(pooled_ref)

    pooled_ref[...] += jnp.dot(oh, aug, preferred_element_type=jnp.float32)


def _row_specs(d_in):
    return [
        pl.BlockSpec((BLK, d_in), lambda i: (i, 0)),
        pl.BlockSpec((BLK, d_in), lambda i: (i, 0)),
        pl.BlockSpec((BLK, d_in), lambda i: (i, 0)),
        pl.BlockSpec((1, 1), lambda i: (0, 0)),
        pl.BlockSpec((1, H), lambda i: (0, 0)),
        pl.BlockSpec((H, H), lambda i: (0, 0)),
        pl.BlockSpec((1, H), lambda i: (0, 0)),
        pl.BlockSpec((1, H), lambda i: (0, 0)),
        pl.BlockSpec((1, H), lambda i: (0, 0)),
    ]


def _tc_mlp(parts, p, cp, w1n):
    return pl.pallas_call(
        _mlp_body,
        grid=(NBLK,),
        in_specs=_row_specs(H) + [pl.BlockSpec((H, H), lambda i: (0, 0))],
        out_specs=[
            pl.BlockSpec((BLK, H), lambda i: (i, 0)),
            pl.BlockSpec((BLK, H), lambda i: (i, 0)),
        ],
        out_shape=[
            jax.ShapeDtypeStruct((N, H), jnp.float32),
            jax.ShapeDtypeStruct((N, H), jnp.float32),
        ],
    )(parts[0], parts[1], p,
      (1.0 + cp['eps']).reshape(1, 1), cp['b1'].reshape(1, H), cp['W2'],
      cp['b2'].reshape(1, H), cp['gamma'].reshape(1, H),
      cp['beta'].reshape(1, H), w1n)


def _tc_mlp_pool(parts, p, cp, batch2d):
    return pl.pallas_call(
        _mlp_pool_body,
        grid=(NBLK,),
        in_specs=_row_specs(H) + [pl.BlockSpec((1, 1, BLK),
                                               lambda i: (i, 0, 0))],
        out_specs=[
            pl.BlockSpec((BLK, H), lambda i: (i, 0)),
            pl.BlockSpec((G, H + 1), lambda i: (0, 0)),
        ],
        out_shape=[
            jax.ShapeDtypeStruct((N, H), jnp.float32),
            jax.ShapeDtypeStruct((G, H + 1), jnp.float32),
        ],
    )(parts[0], parts[1], p,
      (1.0 + cp['eps']).reshape(1, 1), cp['b1'].reshape(1, H), cp['W2'],
      cp['b2'].reshape(1, H), cp['gamma'].reshape(1, H),
      cp['beta'].reshape(1, H), batch2d)


def _heads_body(pooled_ref, w1a_ref, b1a_ref, w2a_ref, b2a_ref,
                w1b_ref, b1b_ref, w2b_ref, b2b_ref,
                h_ref, ya_ref, yb_ref):
    sums = pooled_ref[:, :H]
    cnt = pooled_ref[:, H:H + 1]
    h = sums / jnp.maximum(cnt, 1.0)
    h_ref[...] = h
    za = jnp.maximum(jnp.dot(h, w1a_ref[...],
                             preferred_element_type=jnp.float32)
                     + b1a_ref[...], 0.0)
    ya_ref[...] = jnp.dot(za, w2a_ref[...],
                          preferred_element_type=jnp.float32) + b2a_ref[...]
    zb = jnp.maximum(jnp.dot(h, w1b_ref[...],
                             preferred_element_type=jnp.float32)
                     + b1b_ref[...], 0.0)
    yb_ref[...] = jnp.dot(zb, w2b_ref[...],
                          preferred_element_type=jnp.float32) + b2b_ref[...]


def _tc_heads(pooled, lin1, lin2):
    return pl.pallas_call(
        _heads_body,
        out_shape=[
            jax.ShapeDtypeStruct((G, H), jnp.float32),
            jax.ShapeDtypeStruct((G, C), jnp.float32),
            jax.ShapeDtypeStruct((G, C), jnp.float32),
        ],
    )(pooled,
      lin1[0]['W'], lin1[0]['b'].reshape(1, H),
      lin2[0]['W'], lin2[0]['b'].reshape(1, C),
      lin1[1]['W'], lin1[1]['b'].reshape(1, H),
      lin2[1]['W'], lin2[1]['b'].reshape(1, C))


def kernel(x, edge_index, batch, params):
    pad = E_PAD - E
    pad_i = jnp.arange(pad, dtype=jnp.int32)
    src3 = jnp.concatenate([edge_index[0], pad_i % N]).reshape(NW, CPW, CH)
    dst3 = jnp.concatenate([edge_index[1], N + pad_i % (NACC - N)]
                           ).reshape(NW, CPW, CH)
    batch2d = batch.reshape(NBLK, 1, BLK)

    convs = params['convs']
    p = _tc_project(x, convs[0]['W1'])
    xss = []
    for i in range(3):
        parts = _sc_segment_sum(p, src3, dst3)
        if i < 2:
            xn, p = _tc_mlp(parts, p, convs[i], convs[i + 1]['W1'])
        else:
            xn, pooled = _tc_mlp_pool(parts, p, convs[i], batch2d)
        xss.append(xn)

    h, y0, y1 = _tc_heads(pooled, params['lin1'], params['lin2'])
    return (edge_index, xss[0], xss[1], xss[2], h, h, y0, y1)

# --- scband reference (transcript-rebuilt; emitter-appended) ---
"""Pipeline reference for scband-mhead-gin-20040317403500 (READ-ONLY COPY).

The authoritative reference and input builder live on the scoring server;
editing this copy changes nothing except your own understanding.
"""

import jax, jax.numpy as jnp
import numpy as np

N = 10000
E = 320000
D = 128
H = 64
C = 10
G = 128
NE = 2

def _mlp_params(key, d_in, d_out):
    k1, k2 = jax.random.split(key)
    return {
        'W1': jax.random.normal(k1, (d_in, d_out), dtype=jnp.float32) / np.sqrt(d_in),
        'b1': jnp.zeros((d_out,), dtype=jnp.float32),
        'W2': jax.random.normal(k2, (d_out, d_out), dtype=jnp.float32) / np.sqrt(d_out),
        'b2': jnp.zeros((d_out,), dtype=jnp.float32),
        'gamma': jnp.ones((d_out,), dtype=jnp.float32),
        'beta': jnp.zeros((d_out,), dtype=jnp.float32),
        'eps': jnp.zeros((), dtype=jnp.float32),
    }

def setup_inputs(seed: int = 0):
    key = jax.random.key(seed)
    ks = jax.random.split(key, 16)
    x = jax.random.normal(ks[0], (N, D), dtype=jnp.float32)
    edge_index = jax.random.randint(ks[1], (2, E), 0, N, dtype=jnp.int32)
    batch = jnp.sort(jax.random.randint(ks[2], (N,), 0, G, dtype=jnp.int32))
    params = {
        'convs': [_mlp_params(ks[3], D, H), _mlp_params(ks[4], H, H), _mlp_params(ks[5], H, H)],
        'lin1': [{'W': jax.random.normal(ks[6 + i], (H, H), dtype=jnp.float32) / np.sqrt(H), 'b': jnp.zeros((H,), jnp.float32)} for i in range(NE)],
        'lin2': [{'W': jax.random.normal(ks[8 + i], (H, C), dtype=jnp.float32) / np.sqrt(H), 'b': jnp.zeros((C,), jnp.float32)} for i in range(NE)],
    }
    return {'x': x, 'edge_index': edge_index, 'batch': batch, 'params': params}

def _gin_conv(x, edge_index, p):
    src = edge_index[0]
    dst = edge_index[1]
    agg = jax.ops.segment_sum(x[src], dst, num_segments=x.shape[0])
    out = agg + (1.0 + p['eps']) * x
    h = jnp.maximum(out @ p['W1'] + p['b1'], 0.0)
    h = jnp.maximum(h @ p['W2'] + p['b2'], 0.0)
    return h * p['gamma'] + p['beta']

def _forward(x, edge_index, batch, params):
    xss = []
    h_node = jnp.maximum(_gin_conv(x, edge_index, params['convs'][0]), 0.0)
    xss.append(h_node)
    h = None
    for i in range(1, 3):
        h_node = jnp.maximum(_gin_conv(h_node, edge_index, params['convs'][i]), 0.0)
        xss.append(h_node)
        sums = jax.ops.segment_sum(h_node, batch, num_segments=G)
        cnt = jax.ops.segment_sum(jnp.ones((h_node.shape[0],), jnp.float32), batch, num_segments=G)
        h = sums / jnp.clip(cnt, 1.0)[:, None]
    hs = []
    ys = []
    for j in range(NE):
        z = jnp.maximum(h @ params['lin1'][j]['W'] + params['lin1'][j]['b'], 0.0)
        y = z @ params['lin2'][j]['W'] + params['lin2'][j]['b']
        hs.append(h)
        ys.append(y)
    return xss, hs, ys

def reference(x, edge_index, batch, params):
    xss, hs, ys = _forward(x, edge_index, batch, params)
    return (edge_index, xss[0], xss[1], xss[2], hs[0], hs[1], ys[0], ys[1])

if __name__ == "__main__":
    import jax
    _d = setup_inputs()
    print(jax.jit(kernel)(*tuple(_d.values())))

</pallas_src>

<mosaic_0001>
#map = affine_map<(d0, d1) -> (0, 0)>
#map1 = affine_map<(d0, d1) -> (0, 0, 0)>
module attributes {stable_mosaic.version = 14 : i64} {
  func.func @agg(%arg0: i32, %arg1: i32, %arg2: memref<10000x64xf32, #tpu.memory_space<hbm>>, %arg3: memref<32x80x128xi32, #tpu.memory_space<hbm>>, %arg4: memref<32x80x128xi32, #tpu.memory_space<hbm>>, %arg5: memref<2x10112x64xf32, #tpu.memory_space<hbm>>, %arg6: memref<80x128xi32, #tpu.memory_space<vmem>>, %arg7: memref<80x128xi32, #tpu.memory_space<vmem>>, %arg8: memref<128x64xf32, #tpu.memory_space<vmem>>, %arg9: memref<128x64xf32, #tpu.memory_space<vmem>>, %arg10: memref<79x64xf32, #tpu.memory_space<vmem>>, %arg11: memref<10112x64xf32, #tpu.memory_space<vmem_shared>>, %arg12: memref<!tpu.dma_semaphore, #tpu.memory_space<semaphore_mem>>, %arg13: memref<!tpu.dma_semaphore, #tpu.memory_space<semaphore_mem>>) attributes {dimension_semantics = [#tpu.dimension_semantics<core_parallel>, #tpu.dimension_semantics<subcore_parallel>], iteration_bounds = array<i64: 2, 16>, scalar_prefetch = 0 : i64, scratch_operands = 8 : i64, tpu.core_type = #tpu.core_type<sc_vector_subcore>, window_params = [{transform_indices = #map}, {transform_indices = #map1}, {transform_indices = #map1}, {transform_indices = #map1}]} {
    %mul3A = arith.constant 16 : i32
    %mul3A_0 = arith.muli %arg0, %mul3A : i32
    %add3A = arith.addi %mul3A_0, %arg1 : i32
    "tpu.region"() ({
      %run_scoped3A = tpu.sem_alloc : memref<!tpu.dma_semaphore, #tpu.memory_space<semaphore_mem>>
      %dma_start3A_39 = arith.constant 0 : i32
      %dma_start3A_40 = arith.constant 0 : i32
      %dma_start3A_41 = tpu.memref_slice %arg3[%add3A, %dma_start3A_39, %dma_start3A_40] : memref<32x80x128xi32, #tpu.memory_space<hbm>> -> memref<1x80x128xi32, #tpu.memory_space<hbm>>
      %dma_start3A_42 = tpu.memref_squeeze %dma_start3A_41 : memref<1x80x128xi32, #tpu.memory_space<hbm>> -> memref<80x128xi32, #tpu.memory_space<hbm>>
      %dma_start3A_43 = arith.constant 0 : i32
      %dma_start3A_44 = arith.constant 0 : i32
      %dma_start3A_45 = tpu.memref_slice %arg3[%add3A, %dma_start3A_43, %dma_start3A_44] : memref<32x80x128xi32, #tpu.memory_space<hbm>> -> memref<1x80x128xi32, #tpu.memory_space<hbm>>
      %dma_start3A_46 = tpu.memref_squeeze %dma_start3A_45 : memref<1x80x128xi32, #tpu.memory_space<hbm>> -> memref<80x128xi32, #tpu.memory_space<hbm>>
      tpu.enqueue_dma source(%dma_start3A_46 : memref<80x128xi32, #tpu.memory_space<hbm>>) target(%arg6 : memref<80x128xi32, #tpu.memory_space<vmem>>) target_semaphore(%run_scoped3A : memref<!tpu.dma_semaphore, #tpu.memory_space<semaphore_mem>>)
      %dma_wait3A = arith.constant 0 : i32
      %dma_wait3A_47 = arith.constant 0 : i32
      %dma_wait3A_48 = tpu.memref_slice %arg3[%add3A, %dma_wait3A, %dma_wait3A_47] : memref<32x80x128xi32, #tpu.memory_space<hbm>> -> memref<1x80x128xi32, #tpu.memory_space<hbm>>
      %dma_wait3A_49 = tpu.memref_squeeze %dma_wait3A_48 : memref<1x80x128xi32, #tpu.memory_space<hbm>> -> memref<80x128xi32, #tpu.memory_space<hbm>>
      %dma_wait3A_50 = arith.constant 0 : i32
      %dma_wait3A_51 = arith.constant 0 : i32
      %dma_wait3A_52 = tpu.memref_slice %arg3[%add3A, %dma_wait3A_50, %dma_wait3A_51] : memref<32x80x128xi32, #tpu.memory_space<hbm>> -> memref<1x80x128xi32, #tpu.memory_space<hbm>>
      %dma_wait3A_53 = tpu.memref_squeeze %dma_wait3A_52 : memref<1x80x128xi32, #tpu.memory_space<hbm>> -> memref<80x128xi32, #tpu.memory_space<hbm>>
      tpu.wait_dma2 semaphore(%run_scoped3A : memref<!tpu.dma_semaphore, #tpu.memory_space<semaphore_mem>>) src(%dma_wait3A_53 : memref<80x128xi32, #tpu.memory_space<hbm>>) dst(%arg6 : memref<80x128xi32, #tpu.memory_space<vmem>>)
      tpu.yield
    }) : () -> ()
    "tpu.region"() ({
      %run_scoped3A = tpu.sem_alloc : memref<!tpu.dma_semaphore, #tpu.memory_space<semaphore_mem>>
      %dma_start3A_39 = arith.constant 0 : i32
      %dma_start3A_40 = arith.constant 0 : i32
      %dma_start3A_41 = tpu.memref_slice %arg4[%add3A, %dma_start3A_39, %dma_start3A_40] : memref<32x80x128xi32, #tpu.memory_space<hbm>> -> memref<1x80x128xi32, #tpu.memory_space<hbm>>
      %dma_start3A_42 = tpu.memref_squeeze %dma_start3A_41 : memref<1x80x128xi32, #tpu.memory_space<hbm>> -> memref<80x128xi32, #tpu.memory_space<hbm>>
      %dma_start3A_43 = arith.constant 0 : i32
      %dma_start3A_44 = arith.constant 0 : i32
      %dma_start3A_45 = tpu.memref_slice %arg4[%add3A, %dma_start3A_43, %dma_start3A_44] : memref<32x80x128xi32, #tpu.memory_space<hbm>> -> memref<1x80x128xi32, #tpu.memory_space<hbm>>
      %dma_start3A_46 = tpu.memref_squeeze %dma_start3A_45 : memref<1x80x128xi32, #tpu.memory_space<hbm>> -> memref<80x128xi32, #tpu.memory_space<hbm>>
      tpu.enqueue_dma source(%dma_start3A_46 : memref<80x128xi32, #tpu.memory_space<hbm>>) target(%arg7 : memref<80x128xi32, #tpu.memory_space<vmem>>) target_semaphore(%run_scoped3A : memref<!tpu.dma_semaphore, #tpu.memory_space<semaphore_mem>>)
      %dma_wait3A = arith.constant 0 : i32
      %dma_wait3A_47 = arith.constant 0 : i32
      %dma_wait3A_48 = tpu.memref_slice %arg4[%add3A, %dma_wait3A, %dma_wait3A_47] : memref<32x80x128xi32, #tpu.memory_space<hbm>> -> memref<1x80x128xi32, #tpu.memory_space<hbm>>
      %dma_wait3A_49 = tpu.memref_squeeze %dma_wait3A_48 : memref<1x80x128xi32, #tpu.memory_space<hbm>> -> memref<80x128xi32, #tpu.memory_space<hbm>>
      %dma_wait3A_50 = arith.constant 0 : i32
      %dma_wait3A_51 = arith.constant 0 : i32
      %dma_wait3A_52 = tpu.memref_slice %arg4[%add3A, %dma_wait3A_50, %dma_wait3A_51] : memref<32x80x128xi32, #tpu.memory_space<hbm>> -> memref<1x80x128xi32, #tpu.memory_space<hbm>>
      %dma_wait3A_53 = tpu.memref_squeeze %dma_wait3A_52 : memref<1x80x128xi32, #tpu.memory_space<hbm>> -> memref<80x128xi32, #tpu.memory_space<hbm>>
      tpu.wait_dma2 semaphore(%run_scoped3A : memref<!tpu.dma_semaphore, #tpu.memory_space<semaphore_mem>>) src(%dma_wait3A_53 : memref<80x128xi32, #tpu.memory_space<hbm>>) dst(%arg7 : memref<80x128xi32, #tpu.memory_space<vmem>>)
      tpu.yield
    }) : () -> ()
    %scan3A = arith.constant 0 : i32
    %scan3A_1 = arith.constant 0 : i32
    %scan3A_2 = arith.constant 79 : i32
    %scan3A_3 = arith.addi %scan3A_1, %scan3A_2 : i32
    %scan3A_4 = arith.constant 1 : i32
    %scan3A_5 = scf.for %scan3A_39 = %scan3A_1 to %scan3A_3 step %scan3A_4 iter_args(%scan3A_40 = %scan3A) -> (i32)  : i32 {
      %broadcast_in_dim3A = arith.constant 0.000000e+00 : f32
      %broadcast_in_dim3A_41 = vector.broadcast %broadcast_in_dim3A : f32 to vector<16xf32>
      %swap3A = arith.index_cast %scan3A_39 : i32 to index
      %swap3A_42 = arith.constant 0 : index
      %swap3A_43 = tpu.vector_load %arg10[%swap3A, %swap3A_42] {strides = array<i32>} : memref<79x64xf32, #tpu.memory_space<vmem>>, vector<1x16xf32>,
      %swap3A_44 = vector.shape_cast %swap3A_43 : vector<1x16xf32> to vector<16xf32>
      %swap3A_45 = vector.shape_cast %broadcast_in_dim3A_41 : vector<16xf32> to vector<1x16xf32>
      tpu.vector_store %arg10[%swap3A, %swap3A_42], %swap3A_45 {strides = array<i32>} : memref<79x64xf32, #tpu.memory_space<vmem>>, vector<1x16xf32>,
      %broadcast_in_dim3A_46 = arith.constant 0.000000e+00 : f32
      %broadcast_in_dim3A_47 = vector.broadcast %broadcast_in_dim3A_46 : f32 to vector<16xf32>
      %swap3A_48 = arith.index_cast %scan3A_39 : i32 to index
      %swap3A_49 = arith.constant 16 : index
      %swap3A_50 = tpu.vector_load %arg10[%swap3A_48, %swap3A_49] {strides = array<i32>} : memref<79x64xf32, #tpu.memory_space<vmem>>, vector<1x16xf32>,
      %swap3A_51 = vector.shape_cast %swap3A_50 : vector<1x16xf32> to vector<16xf32>
      %swap3A_52 = vector.shape_cast %broadcast_in_dim3A_47 : vector<16xf32> to vector<1x16xf32>
      tpu.vector_store %arg10[%swap3A_48, %swap3A_49], %swap3A_52 {strides = array<i32>} : memref<79x64xf32, #tpu.memory_space<vmem>>, vector<1x16xf32>,
      %broadcast_in_dim3A_53 = arith.constant 0.000000e+00 : f32
      %broadcast_in_dim3A_54 = vector.broadcast %broadcast_in_dim3A_53 : f32 to vector<16xf32>
      %swap3A_55 = arith.index_cast %scan3A_39 : i32 to index
      %swap3A_56 = arith.constant 32 : index
      %swap3A_57 = tpu.vector_load %arg10[%swap3A_55, %swap3A_56] {strides = array<i32>} : memref<79x64xf32, #tpu.memory_space<vmem>>, vector<1x16xf32>,
      %swap3A_58 = vector.shape_cast %swap3A_57 : vector<1x16xf32> to vector<16xf32>
      %swap3A_59 = vector.shape_cast %broadcast_in_dim3A_54 : vector<16xf32> to vector<1x16xf32>
      tpu.vector_store %arg10[%swap3A_55, %swap3A_56], %swap3A_59 {strides = array<i32>} : memref<79x64xf32, #tpu.memory_space<vmem>>, vector<1x16xf32>,
      %broadcast_in_dim3A_60 = arith.constant 0.000000e+00 : f32
      %broadcast_in_dim3A_61 = vector.broadcast %broadcast_in_dim3A_60 : f32 to vector<16xf32>
      %swap3A_62 = arith.index_cast %scan3A_39 : i32 to index
      %swap3A_63 = arith.constant 48 : index
      %swap3A_64 = tpu.vector_load %arg10[%swap3A_62, %swap3A_63] {strides = array<i32>} : memref<79x64xf32, #tpu.memory_space<vmem>>, vector<1x16xf32>,
      %swap3A_65 = vector.shape_cast %swap3A_64 : vector<1x16xf32> to vector<16xf32>
      %swap3A_66 = vector.shape_cast %broadcast_in_dim3A_61 : vector<16xf32> to vector<1x16xf32>
      tpu.vector_store %arg10[%swap3A_62, %swap3A_63], %swap3A_66 {strides = array<i32>} : memref<79x64xf32, #tpu.memory_space<vmem>>, vector<1x16xf32>,
      %scan3A_67 = arith.constant 0 : i32
      scf.yield %scan3A_67 : i32
    }
    %scan3A_6 = arith.constant 79 : i32
    %mul3A_7 = arith.constant 632 : i32
    %mul3A_8 = arith.muli %arg1, %mul3A_7 : i32
    %add3A_9 = arith.constant 0 : i32
    %add3A_10 = arith.addi %mul3A_8, %add3A_9 : i32
    "tpu.region"() ({
      %run_scoped3A = tpu.sem_alloc : memref<!tpu.dma_semaphore, #tpu.memory_space<semaphore_mem>>
      %dma_start3A_39 = arith.constant 0 : i32
      %dma_start3A_40 = tpu.memref_slice %arg11[%add3A_10, %dma_start3A_39] : memref<10112x64xf32, #tpu.memory_space<vmem_shared>> -> memref<79x64xf32, #tpu.memory_space<vmem_shared>>
      %dma_start3A_41 = arith.constant 0 : i32
      %dma_start3A_42 = tpu.memref_slice %arg11[%add3A_10, %dma_start3A_41] : memref<10112x64xf32, #tpu.memory_space<vmem_shared>> -> memref<79x64xf32, #tpu.memory_space<vmem_shared>>
      tpu.enqueue_dma source(%arg10 : memref<79x64xf32, #tpu.memory_space<vmem>>) target(%dma_start3A_42 : memref<79x64xf32, #tpu.memory_space<vmem_shared>>) target_semaphore(%run_scoped3A : memref<!tpu.dma_semaphore, #tpu.memory_space<semaphore_mem>>)
      %dma_wait3A = arith.constant 0 : i32
      %dma_wait3A_43 = tpu.memref_slice %arg11[%add3A_10, %dma_wait3A] : memref<10112x64xf32, #tpu.memory_space<vmem_shared>> -> memref<79x64xf32, #tpu.memory_space<vmem_shared>>
      %dma_wait3A_44 = arith.constant 0 : i32
      %dma_wait3A_45 = tpu.memref_slice %arg11[%add3A_10, %dma_wait3A_44] : memref<10112x64xf32, #tpu.memory_space<vmem_shared>> -> memref<79x64xf32, #tpu.memory_space<vmem_shared>>
      tpu.wait_dma2 semaphore(%run_scoped3A : memref<!tpu.dma_semaphore, #tpu.memory_space<semaphore_mem>>) src(%arg10 : memref<79x64xf32, #tpu.memory_space<vmem>>) dst(%dma_wait3A_45 : memref<79x64xf32, #tpu.memory_space<vmem_shared>>)
      tpu.yield
    }) : () -> ()
    %add3A_11 = arith.constant 79 : i32
    %add3A_12 = arith.addi %mul3A_8, %add3A_11 : i32
    "tpu.region"() ({
      %run_scoped3A = tpu.sem_alloc : memref<!tpu.dma_semaphore, #tpu.memory_space<semaphore_mem>>
      %dma_start3A_39 = arith.constant 0 : i32
      %dma_start3A_40 = tpu.memref_slice %arg11[%add3A_12, %dma_start3A_39] : memref<10112x64xf32, #tpu.memory_space<vmem_shared>> -> memref<79x64xf32, #tpu.memory_space<vmem_shared>>
      %dma_start3A_41 = arith.constant 0 : i32
      %dma_start3A_42 = tpu.memref_slice %arg11[%add3A_12, %dma_start3A_41] : memref<10112x64xf32, #tpu.memory_space<vmem_shared>> -> memref<79x64xf32, #tpu.memory_space<vmem_shared>>
      tpu.enqueue_dma source(%arg10 : memref<79x64xf32, #tpu.memory_space<vmem>>) target(%dma_start3A_42 : memref<79x64xf32, #tpu.memory_space<vmem_shared>>) target_semaphore(%run_scoped3A : memref<!tpu.dma_semaphore, #tpu.memory_space<semaphore_mem>>)
      %dma_wait3A = arith.constant 0 : i32
      %dma_wait3A_43 = tpu.memref_slice %arg11[%add3A_12, %dma_wait3A] : memref<10112x64xf32, #tpu.memory_space<vmem_shared>> -> memref<79x64xf32, #tpu.memory_space<vmem_shared>>
      %dma_wait3A_44 = arith.constant 0 : i32
      %dma_wait3A_45 = tpu.memref_slice %arg11[%add3A_12, %dma_wait3A_44] : memref<10112x64xf32, #tpu.memory_space<vmem_shared>> -> memref<79x64xf32, #tpu.memory_space<vmem_shared>>
      tpu.wait_dma2 semaphore(%run_scoped3A : memref<!tpu.dma_semaphore, #tpu.memory_space<semaphore_mem>>) src(%arg10 : memref<79x64xf32, #tpu.memory_space<vmem>>) dst(%dma_wait3A_45 : memref<79x64xf32, #tpu.memory_space<vmem_shared>>)
      tpu.yield
    }) : () -> ()
    %add3A_13 = arith.constant 158 : i32
    %add3A_14 = arith.addi %mul3A_8, %add3A_13 : i32
    "tpu.region"() ({
      %run_scoped3A = tpu.sem_alloc : memref<!tpu.dma_semaphore, #tpu.memory_space<semaphore_mem>>
      %dma_start3A_39 = arith.constant 0 : i32
      %dma_start3A_40 = tpu.memref_slice %arg11[%add3A_14, %dma_start3A_39] : memref<10112x64xf32, #tpu.memory_space<vmem_shared>> -> memref<79x64xf32, #tpu.memory_space<vmem_shared>>
      %dma_start3A_41 = arith.constant 0 : i32
      %dma_start3A_42 = tpu.memref_slice %arg11[%add3A_14, %dma_start3A_41] : memref<10112x64xf32, #tpu.memory_space<vmem_shared>> -> memref<79x64xf32, #tpu.memory_space<vmem_shared>>
      tpu.enqueue_dma source(%arg10 : memref<79x64xf32, #tpu.memory_space<vmem>>) target(%dma_start3A_42 : memref<79x64xf32, #tpu.memory_space<vmem_shared>>) target_semaphore(%run_scoped3A : memref<!tpu.dma_semaphore, #tpu.memory_space<semaphore_mem>>)
      %dma_wait3A = arith.constant 0 : i32
      %dma_wait3A_43 = tpu.memref_slice %arg11[%add3A_14, %dma_wait3A] : memref<10112x64xf32, #tpu.memory_space<vmem_shared>> -> memref<79x64xf32, #tpu.memory_space<vmem_shared>>
      %dma_wait3A_44 = arith.constant 0 : i32
      %dma_wait3A_45 = tpu.memref_slice %arg11[%add3A_14, %dma_wait3A_44] : memref<10112x64xf32, #tpu.memory_space<vmem_shared>> -> memref<79x64xf32, #tpu.memory_space<vmem_shared>>
      tpu.wait_dma2 semaphore(%run_scoped3A : memref<!tpu.dma_semaphore, #tpu.memory_space<semaphore_mem>>) src(%arg10 : memref<79x64xf32, #tpu.memory_space<vmem>>) dst(%dma_wait3A_45 : memref<79x64xf32, #tpu.memory_space<vmem_shared>>)
      tpu.yield
    }) : () -> ()
    %add3A_15 = arith.constant 237 : i32
    %add3A_16 = arith.addi %mul3A_8, %add3A_15 : i32
    "tpu.region"() ({
      %run_scoped3A = tpu.sem_alloc : memref<!tpu.dma_semaphore, #tpu.memory_space<semaphore_mem>>
      %dma_start3A_39 = arith.constant 0 : i32
      %dma_start3A_40 = tpu.memref_slice %arg11[%add3A_16, %dma_start3A_39] : memref<10112x64xf32, #tpu.memory_space<vmem_shared>> -> memref<79x64xf32, #tpu.memory_space<vmem_shared>>
      %dma_start3A_41 = arith.constant 0 : i32
      %dma_start3A_42 = tpu.memref_slice %arg11[%add3A_16, %dma_start3A_41] : memref<10112x64xf32, #tpu.memory_space<vmem_shared>> -> memref<79x64xf32, #tpu.memory_space<vmem_shared>>
      tpu.enqueue_dma source(%arg10 : memref<79x64xf32, #tpu.memory_space<vmem>>) target(%dma_start3A_42 : memref<79x64xf32, #tpu.memory_space<vmem_shared>>) target_semaphore(%run_scoped3A : memref<!tpu.dma_semaphore, #tpu.memory_space<semaphore_mem>>)
      %dma_wait3A = arith.constant 0 : i32
      %dma_wait3A_43 = tpu.memref_slice %arg11[%add3A_16, %dma_wait3A] : memref<10112x64xf32, #tpu.memory_space<vmem_shared>> -> memref<79x64xf32, #tpu.memory_space<vmem_shared>>
      %dma_wait3A_44 = arith.constant 0 : i32
      %dma_wait3A_45 = tpu.memref_slice %arg11[%add3A_16, %dma_wait3A_44] : memref<10112x64xf32, #tpu.memory_space<vmem_shared>> -> memref<79x64xf32, #tpu.memory_space<vmem_shared>>
      tpu.wait_dma2 semaphore(%run_scoped3A : memref<!tpu.dma_semaphore, #tpu.memory_space<semaphore_mem>>) src(%arg10 : memref<79x64xf32, #tpu.memory_space<vmem>>) dst(%dma_wait3A_45 : memref<79x64xf32, #tpu.memory_space<vmem_shared>>)
      tpu.yield
    }) : () -> ()
    %add3A_17 = arith.constant 316 : i32
    %add3A_18 = arith.addi %mul3A_8, %add3A_17 : i32
    "tpu.region"() ({
      %run_scoped3A = tpu.sem_alloc : memref<!tpu.dma_semaphore, #tpu.memory_space<semaphore_mem>>
      %dma_start3A_39 = arith.constant 0 : i32
      %dma_start3A_40 = tpu.memref_slice %arg11[%add3A_18, %dma_start3A_39] : memref<10112x64xf32, #tpu.memory_space<vmem_shared>> -> memref<79x64xf32, #tpu.memory_space<vmem_shared>>
      %dma_start3A_41 = arith.constant 0 : i32
      %dma_start3A_42 = tpu.memref_slice %arg11[%add3A_18, %dma_start3A_41] : memref<10112x64xf32, #tpu.memory_space<vmem_shared>> -> memref<79x64xf32, #tpu.memory_space<vmem_shared>>
      tpu.enqueue_dma source(%arg10 : memref<79x64xf32, #tpu.memory_space<vmem>>) target(%dma_start3A_42 : memref<79x64xf32, #tpu.memory_space<vmem_shared>>) target_semaphore(%run_scoped3A : memref<!tpu.dma_semaphore, #tpu.memory_space<semaphore_mem>>)
      %dma_wait3A = arith.constant 0 : i32
      %dma_wait3A_43 = tpu.memref_slice %arg11[%add3A_18, %dma_wait3A] : memref<10112x64xf32, #tpu.memory_space<vmem_shared>> -> memref<79x64xf32, #tpu.memory_space<vmem_shared>>
      %dma_wait3A_44 = arith.constant 0 : i32
      %dma_wait3A_45 = tpu.memref_slice %arg11[%add3A_18, %dma_wait3A_44] : memref<10112x64xf32, #tpu.memory_space<vmem_shared>> -> memref<79x64xf32, #tpu.memory_space<vmem_shared>>
      tpu.wait_dma2 semaphore(%run_scoped3A : memref<!tpu.dma_semaphore, #tpu.memory_space<semaphore_mem>>) src(%arg10 : memref<79x64xf32, #tpu.memory_space<vmem>>) dst(%dma_wait3A_45 : memref<79x64xf32, #tpu.memory_space<vmem_shared>>)
      tpu.yield
    }) : () -> ()
    %add3A_19 = arith.constant 395 : i32
    %add3A_20 = arith.addi %mul3A_8, %add3A_19 : i32
    "tpu.region"() ({
      %run_scoped3A = tpu.sem_alloc : memref<!tpu.dma_semaphore, #tpu.memory_space<semaphore_mem>>
      %dma_start3A_39 = arith.constant 0 : i32
      %dma_start3A_40 = tpu.memref_slice %arg11[%add3A_20, %dma_start3A_39] : memref<10112x64xf32, #tpu.memory_space<vmem_shared>> -> memref<79x64xf32, #tpu.memory_space<vmem_shared>>
      %dma_start3A_41 = arith.constant 0 : i32
      %dma_start3A_42 = tpu.memref_slice %arg11[%add3A_20, %dma_start3A_41] : memref<10112x64xf32, #tpu.memory_space<vmem_shared>> -> memref<79x64xf32, #tpu.memory_space<vmem_shared>>
      tpu.enqueue_dma source(%arg10 : memref<79x64xf32, #tpu.memory_space<vmem>>) target(%dma_start3A_42 : memref<79x64xf32, #tpu.memory_space<vmem_shared>>) target_semaphore(%run_scoped3A : memref<!tpu.dma_semaphore, #tpu.memory_space<semaphore_mem>>)
      %dma_wait3A = arith.constant 0 : i32
      %dma_wait3A_43 = tpu.memref_slice %arg11[%add3A_20, %dma_wait3A] : memref<10112x64xf32, #tpu.memory_space<vmem_shared>> -> memref<79x64xf32, #tpu.memory_space<vmem_shared>>
      %dma_wait3A_44 = arith.constant 0 : i32
      %dma_wait3A_45 = tpu.memref_slice %arg11[%add3A_20, %dma_wait3A_44] : memref<10112x64xf32, #tpu.memory_space<vmem_shared>> -> memref<79x64xf32, #tpu.memory_space<vmem_shared>>
      tpu.wait_dma2 semaphore(%run_scoped3A : memref<!tpu.dma_semaphore, #tpu.memory_space<semaphore_mem>>) src(%arg10 : memref<79x64xf32, #tpu.memory_space<vmem>>) dst(%dma_wait3A_45 : memref<79x64xf32, #tpu.memory_space<vmem_shared>>)
      tpu.yield
    }) : () -> ()
    %add3A_21 = arith.constant 474 : i32
    %add3A_22 = arith.addi %mul3A_8, %add3A_21 : i32
    "tpu.region"() ({
      %run_scoped3A = tpu.sem_alloc : memref<!tpu.dma_semaphore, #tpu.memory_space<semaphore_mem>>
      %dma_start3A_39 = arith.constant 0 : i32
      %dma_start3A_40 = tpu.memref_slice %arg11[%add3A_22, %dma_start3A_39] : memref<10112x64xf32, #tpu.memory_space<vmem_shared>> -> memref<79x64xf32, #tpu.memory_space<vmem_shared>>
      %dma_start3A_41 = arith.constant 0 : i32
      %dma_start3A_42 = tpu.memref_slice %arg11[%add3A_22, %dma_start3A_41] : memref<10112x64xf32, #tpu.memory_space<vmem_shared>> -> memref<79x64xf32, #tpu.memory_space<vmem_shared>>
      tpu.enqueue_dma source(%arg10 : memref<79x64xf32, #tpu.memory_space<vmem>>) target(%dma_start3A_42 : memref<79x64xf32, #tpu.memory_space<vmem_shared>>) target_semaphore(%run_scoped3A : memref<!tpu.dma_semaphore, #tpu.memory_space<semaphore_mem>>)
      %dma_wait3A = arith.constant 0 : i32
      %dma_wait3A_43 = tpu.memref_slice %arg11[%add3A_22, %dma_wait3A] : memref<10112x64xf32, #tpu.memory_space<vmem_shared>> -> memref<79x64xf32, #tpu.memory_space<vmem_shared>>
      %dma_wait3A_44 = arith.constant 0 : i32
      %dma_wait3A_45 = tpu.memref_slice %arg11[%add3A_22, %dma_wait3A_44] : memref<10112x64xf32, #tpu.memory_space<vmem_shared>> -> memref<79x64xf32, #tpu.memory_space<vmem_shared>>
      tpu.wait_dma2 semaphore(%run_scoped3A : memref<!tpu.dma_semaphore, #tpu.memory_space<semaphore_mem>>) src(%arg10 : memref<79x64xf32, #tpu.memory_space<vmem>>) dst(%dma_wait3A_45 : memref<79x64xf32, #tpu.memory_space<vmem_shared>>)
      tpu.yield
    }) : () -> ()
    %add3A_23 = arith.constant 553 : i32
    %add3A_24 = arith.addi %mul3A_8, %add3A_23 : i32
    "tpu.region"() ({
      %run_scoped3A = tpu.sem_alloc : memref<!tpu.dma_semaphore, #tpu.memory_space<semaphore_mem>>
      %dma_start3A_39 = arith.constant 0 : i32
      %dma_start3A_40 = tpu.memref_slice %arg11[%add3A_24, %dma_start3A_39] : memref<10112x64xf32, #tpu.memory_space<vmem_shared>> -> memref<79x64xf32, #tpu.memory_space<vmem_shared>>
      %dma_start3A_41 = arith.constant 0 : i32
      %dma_start3A_42 = tpu.memref_slice %arg11[%add3A_24, %dma_start3A_41] : memref<10112x64xf32, #tpu.memory_space<vmem_shared>> -> memref<79x64xf32, #tpu.memory_space<vmem_shared>>
      tpu.enqueue_dma source(%arg10 : memref<79x64xf32, #tpu.memory_space<vmem>>) target(%dma_start3A_42 : memref<79x64xf32, #tpu.memory_space<vmem_shared>>) target_semaphore(%run_scoped3A : memref<!tpu.dma_semaphore, #tpu.memory_space<semaphore_mem>>)
      %dma_wait3A = arith.constant 0 : i32
      %dma_wait3A_43 = tpu.memref_slice %arg11[%add3A_24, %dma_wait3A] : memref<10112x64xf32, #tpu.memory_space<vmem_shared>> -> memref<79x64xf32, #tpu.memory_space<vmem_shared>>
      %dma_wait3A_44 = arith.constant 0 : i32
      %dma_wait3A_45 = tpu.memref_slice %arg11[%add3A_24, %dma_wait3A_44] : memref<10112x64xf32, #tpu.memory_space<vmem_shared>> -> memref<79x64xf32, #tpu.memory_space<vmem_shared>>
      tpu.wait_dma2 semaphore(%run_scoped3A : memref<!tpu.dma_semaphore, #tpu.memory_space<semaphore_mem>>) src(%arg10 : memref<79x64xf32, #tpu.memory_space<vmem>>) dst(%dma_wait3A_45 : memref<79x64xf32, #tpu.memory_space<vmem_shared>>)
      tpu.yield
    }) : () -> ()
    %barrier3A = arith.constant 0 : index
    tpu.barrier barrier_id(%barrier3A)
    %dma_start3A = arith.constant 0 : i32
    %dma_start3A_25 = arith.constant 0 : i32
    %dma_start3A_26 = tpu.memref_slice %arg6[%dma_start3A, %dma_start3A_25] : memref<80x128xi32, #tpu.memory_space<vmem>> -> memref<1x128xi32, #tpu.memory_space<vmem>>
    %dma_start3A_27 = tpu.memref_squeeze %dma_start3A_26 : memref<1x128xi32, #tpu.memory_space<vmem>> -> memref<128xi32, #tpu.memory_space<vmem>>
    %dma_start3A_28 = arith.constant 0 : i32
    %dma_start3A_29 = arith.constant 0 : i32
    %dma_start3A_30 = tpu.memref_slice %arg2[%dma_start3A_28, %dma_start3A_29] : memref<10000x64xf32, #tpu.memory_space<hbm>> -> memref<10000x64xf32, #tpu.memory_space<hbm>>
    tpu.enqueue_indirect_dma source(%dma_start3A_30 : memref<10000x64xf32, #tpu.memory_space<hbm>>) target(%arg8 : memref<128x64xf32, #tpu.memory_space<vmem>>) offsets(%dma_start3A_27 : memref<128xi32, #tpu.memory_space<vmem>>) semaphore(%arg12 : memref<!tpu.dma_semaphore, #tpu.memory_space<semaphore_mem>>)
    %scan3A_31 = arith.constant 0 : i32
    %scan3A_32 = arith.constant 0 : i32
    %scan3A_33 = arith.constant 40 : i32
    %scan3A_34 = arith.addi %scan3A_32, %scan3A_33 : i32
    %scan3A_35 = arith.constant 1 : i32
    %scan3A_36 = scf.for %scan3A_39 = %scan3A_32 to %scan3A_34 step %scan3A_35 iter_args(%scan3A_40 = %scan3A_31) -> (i32)  : i32 {
      %mul3A_41 = arith.constant 2 : i32
      %mul3A_42 = arith.muli %mul3A_41, %scan3A_39 : i32
      %add3A_43 = arith.constant 1 : i32
      %add3A_44 = arith.addi %mul3A_42, %add3A_43 : i32
      %dma_start3A_45 = arith.constant 0 : i32
      %dma_start3A_46 = tpu.memref_slice %arg6[%add3A_44, %dma_start3A_45] : memref<80x128xi32, #tpu.memory_space<vmem>> -> memref<1x128xi32, #tpu.memory_space<vmem>>
      %dma_start3A_47 = tpu.memref_squeeze %dma_start3A_46 : memref<1x128xi32, #tpu.memory_space<vmem>> -> memref<128xi32, #tpu.memory_space<vmem>>
      %dma_start3A_48 = arith.constant 0 : i32
      %dma_start3A_49 = arith.constant 0 : i32
      %dma_start3A_50 = tpu.memref_slice %arg2[%dma_start3A_48, %dma_start3A_49] : memref<10000x64xf32, #tpu.memory_space<hbm>> -> memref<10000x64xf32, #tpu.memory_space<hbm>>
      tpu.enqueue_indirect_dma source(%dma_start3A_50 : memref<10000x64xf32, #tpu.memory_space<hbm>>) target(%arg9 : memref<128x64xf32, #tpu.memory_space<vmem>>) offsets(%dma_start3A_47 : memref<128xi32, #tpu.memory_space<vmem>>) semaphore(%arg13 : memref<!tpu.dma_semaphore, #tpu.memory_space<semaphore_mem>>)
      %dma_wait3A = arith.constant 0 : i32
      %dma_wait3A_51 = arith.constant 0 : i32
      %dma_wait3A_52 = tpu.memref_slice %arg6[%dma_wait3A, %dma_wait3A_51] : memref<80x128xi32, #tpu.memory_space<vmem>> -> memref<1x128xi32, #tpu.memory_space<vmem>>
      %dma_wait3A_53 = tpu.memref_squeeze %dma_wait3A_52 : memref<1x128xi32, #tpu.memory_space<vmem>> -> memref<128xi32, #tpu.memory_space<vmem>>
      %dma_wait3A_54 = arith.constant 0 : i32
      %dma_wait3A_55 = arith.constant 0 : i32
      %dma_wait3A_56 = tpu.memref_slice %arg2[%dma_wait3A_54, %dma_wait3A_55] : memref<10000x64xf32, #tpu.memory_space<hbm>> -> memref<10000x64xf32, #tpu.memory_space<hbm>>
      tpu.wait_indirect_dma semaphore(%arg12 : memref<!tpu.dma_semaphore, #tpu.memory_space<semaphore_mem>>) src(%dma_wait3A_56 : memref<10000x64xf32, #tpu.memory_space<hbm>>) dst(%arg8 : memref<128x64xf32, #tpu.memory_space<vmem>>)
      "tpu.region"() ({
        %run_scoped3A = tpu.sem_alloc : memref<!tpu.dma_semaphore, #tpu.memory_space<semaphore_mem>>
        %dma_start3A_71 = arith.constant 0 : i32
        %dma_start3A_72 = tpu.memref_slice %arg7[%mul3A_42, %dma_start3A_71] : memref<80x128xi32, #tpu.memory_space<vmem>> -> memref<1x128xi32, #tpu.memory_space<vmem>>
        %dma_start3A_73 = tpu.memref_squeeze %dma_start3A_72 : memref<1x128xi32, #tpu.memory_space<vmem>> -> memref<128xi32, #tpu.memory_space<vmem>>
        %dma_start3A_74 = arith.constant 0 : i32
        %dma_start3A_75 = arith.constant 0 : i32
        %dma_start3A_76 = tpu.memref_slice %arg11[%dma_start3A_74, %dma_start3A_75] : memref<10112x64xf32, #tpu.memory_space<vmem_shared>> -> memref<10112x64xf32, #tpu.memory_space<vmem_shared>>
        tpu.enqueue_indirect_dma source(%arg8 : memref<128x64xf32, #tpu.memory_space<vmem>>) target(%dma_start3A_76 : memref<10112x64xf32, #tpu.memory_space<vmem_shared>>) offsets(%dma_start3A_73 : memref<128xi32, #tpu.memory_space<vmem>>) semaphore(%run_scoped3A : memref<!tpu.dma_semaphore, #tpu.memory_space<semaphore_mem>>) {add = true}
        %dma_wait3A_77 = arith.constant 0 : i32
        %dma_wait3A_78 = tpu.memref_slice %arg7[%mul3A_42, %dma_wait3A_77] : memref<80x128xi32, #tpu.memory_space<vmem>> -> memref<1x128xi32, #tpu.memory_space<vmem>>
        %dma_wait3A_79 = tpu.memref_squeeze %dma_wait3A_78 : memref<1x128xi32, #tpu.memory_space<vmem>> -> memref<128xi32, #tpu.memory_space<vmem>>
        %dma_wait3A_80 = arith.constant 0 : i32
        %dma_wait3A_81 = arith.constant 0 : i32
        %dma_wait3A_82 = tpu.memref_slice %arg11[%dma_wait3A_80, %dma_wait3A_81] : memref<10112x64xf32, #tpu.memory_space<vmem_shared>> -> memref<10112x64xf32, #tpu.memory_space<vmem_shared>>
        tpu.wait_indirect_dma semaphore(%run_scoped3A : memref<!tpu.dma_semaphore, #tpu.memory_space<semaphore_mem>>) src(%arg8 : memref<128x64xf32, #tpu.memory_space<vmem>>) dst(%dma_wait3A_82 : memref<10112x64xf32, #tpu.memory_space<vmem_shared>>)
        tpu.yield
      }) : () -> ()
      %add3A_57 = arith.constant 2 : i32
      %add3A_58 = arith.addi %mul3A_42, %add3A_57 : i32
      %lt3A = arith.constant 80 : i32
      %lt3A_59 = arith.cmpi slt, %add3A_58, %lt3A : i32
      %convert_element_type3A = arith.extui %lt3A_59 : i1 to i32
      %cond3A = arith.constant 0 : i32
      %cond3A_60 = arith.cmpi ne, %convert_element_type3A, %cond3A : i32
      scf.if %cond3A_60 {
        %add3A_71 = arith.constant 2 : i32
        %add3A_72 = arith.addi %mul3A_42, %add3A_71 : i32
        %dma_start3A_73 = arith.constant 0 : i32
        %dma_start3A_74 = tpu.memref_slice %arg6[%add3A_72, %dma_start3A_73] : memref<80x128xi32, #tpu.memory_space<vmem>> -> memref<1x128xi32, #tpu.memory_space<vmem>>
        %dma_start3A_75 = tpu.memref_squeeze %dma_start3A_74 : memref<1x128xi32, #tpu.memory_space<vmem>> -> memref<128xi32, #tpu.memory_space<vmem>>
        %dma_start3A_76 = arith.constant 0 : i32
        %dma_start3A_77 = arith.constant 0 : i32
        %dma_start3A_78 = tpu.memref_slice %arg2[%dma_start3A_76, %dma_start3A_77] : memref<10000x64xf32, #tpu.memory_space<hbm>> -> memref<10000x64xf32, #tpu.memory_space<hbm>>
        tpu.enqueue_indirect_dma source(%dma_start3A_78 : memref<10000x64xf32, #tpu.memory_space<hbm>>) target(%arg8 : memref<128x64xf32, #tpu.memory_space<vmem>>) offsets(%dma_start3A_75 : memref<128xi32, #tpu.memory_space<vmem>>) semaphore(%arg12 : memref<!tpu.dma_semaphore, #tpu.memory_space<semaphore_mem>>)
      } else {
      }
      %dma_wait3A_61 = arith.constant 0 : i32
      %dma_wait3A_62 = arith.constant 0 : i32
      %dma_wait3A_63 = tpu.memref_slice %arg6[%dma_wait3A_61, %dma_wait3A_62] : memref<80x128xi32, #tpu.memory_space<vmem>> -> memref<1x128xi32, #tpu.memory_space<vmem>>
      %dma_wait3A_64 = tpu.memref_squeeze %dma_wait3A_63 : memref<1x128xi32, #tpu.memory_space<vmem>> -> memref<128xi32, #tpu.memory_space<vmem>>
      %dma_wait3A_65 = arith.constant 0 : i32
      %dma_wait3A_66 = arith.constant 0 : i32
      %dma_wait3A_67 = tpu.memref_slice %arg2[%dma_wait3A_65, %dma_wait3A_66] : memref<10000x64xf32, #tpu.memory_space<hbm>> -> memref<10000x64xf32, #tpu.memory_space<hbm>>
      tpu.wait_indirect_dma semaphore(%arg13 : memref<!tpu.dma_semaphore, #tpu.memory_space<semaphore_mem>>) src(%dma_wait3A_67 : memref<10000x64xf32, #tpu.memory_space<hbm>>) dst(%arg9 : memref<128x64xf32, #tpu.memory_space<vmem>>)
      %add3A_68 = arith.constant 1 : i32
      %add3A_69 = arith.addi %mul3A_42, %add3A_68 : i32
      "tpu.region"() ({
        %run_scoped3A = tpu.sem_alloc : memref<!tpu.dma_semaphore, #tpu.memory_space<semaphore_mem>>
        %dma_start3A_71 = arith.constant 0 : i32
        %dma_start3A_72 = tpu.memref_slice %arg7[%add3A_69, %dma_start3A_71] : memref<80x128xi32, #tpu.memory_space<vmem>> -> memref<1x128xi32, #tpu.memory_space<vmem>>
        %dma_start3A_73 = tpu.memref_squeeze %dma_start3A_72 : memref<1x128xi32, #tpu.memory_space<vmem>> -> memref<128xi32, #tpu.memory_space<vmem>>
        %dma_start3A_74 = arith.constant 0 : i32
        %dma_start3A_75 = arith.constant 0 : i32
        %dma_start3A_76 = tpu.memref_slice %arg11[%dma_start3A_74, %dma_start3A_75] : memref<10112x64xf32, #tpu.memory_space<vmem_shared>> -> memref<10112x64xf32, #tpu.memory_space<vmem_shared>>
        tpu.enqueue_indirect_dma source(%arg9 : memref<128x64xf32, #tpu.memory_space<vmem>>) target(%dma_start3A_76 : memref<10112x64xf32, #tpu.memory_space<vmem_shared>>) offsets(%dma_start3A_73 : memref<128xi32, #tpu.memory_space<vmem>>) semaphore(%run_scoped3A : memref<!tpu.dma_semaphore, #tpu.memory_space<semaphore_mem>>) {add = true}
        %dma_wait3A_77 = arith.constant 0 : i32
        %dma_wait3A_78 = tpu.memref_slice %arg7[%add3A_69, %dma_wait3A_77] : memref<80x128xi32, #tpu.memory_space<vmem>> -> memref<1x128xi32, #tpu.memory_space<vmem>>
        %dma_wait3A_79 = tpu.memref_squeeze %dma_wait3A_78 : memref<1x128xi32, #tpu.memory_space<vmem>> -> memref<128xi32, #tpu.memory_space<vmem>>
        %dma_wait3A_80 = arith.constant 0 : i32
        %dma_wait3A_81 = arith.constant 0 : i32
        %dma_wait3A_82 = tpu.memref_slice %arg11[%dma_wait3A_80, %dma_wait3A_81] : memref<10112x64xf32, #tpu.memory_space<vmem_shared>> -> memref<10112x64xf32, #tpu.memory_space<vmem_shared>>
        tpu.wait_indirect_dma semaphore(%run_scoped3A : memref<!tpu.dma_semaphore, #tpu.memory_space<semaphore_mem>>) src(%arg9 : memref<128x64xf32, #tpu.memory_space<vmem>>) dst(%dma_wait3A_82 : memref<10112x64xf32, #tpu.memory_space<vmem_shared>>)
        tpu.yield
      }) : () -> ()
      %scan3A_70 = arith.constant 0 : i32
      scf.yield %scan3A_70 : i32
    }
    %scan3A_37 = arith.constant 40 : i32
    %barrier3A_38 = arith.constant 0 : index
    tpu.barrier barrier_id(%barrier3A_38)
    "tpu.region"() ({
      %run_scoped3A = tpu.sem_alloc : memref<!tpu.dma_semaphore, #tpu.memory_space<semaphore_mem>>
      %dma_start3A_39 = arith.constant 0 : i32
      %dma_start3A_40 = tpu.memref_slice %arg5[%arg0, %mul3A_8, %dma_start3A_39] : memref<2x10112x64xf32, #tpu.memory_space<hbm>> -> memref<1x632x64xf32, #tpu.memory_space<hbm>>
      %dma_start3A_41 = tpu.memref_squeeze %dma_start3A_40 : memref<1x632x64xf32, #tpu.memory_space<hbm>> -> memref<632x64xf32, #tpu.memory_space<hbm>>
      %dma_start3A_42 = arith.constant 0 : i32
      %dma_start3A_43 = tpu.memref_slice %arg11[%mul3A_8, %dma_start3A_42] : memref<10112x64xf32, #tpu.memory_space<vmem_shared>> -> memref<632x64xf32, #tpu.memory_space<vmem_shared>>
      tpu.enqueue_dma source(%dma_start3A_43 : memref<632x64xf32, #tpu.memory_space<vmem_shared>>) target(%dma_start3A_41 : memref<632x64xf32, #tpu.memory_space<hbm>>) target_semaphore(%run_scoped3A : memref<!tpu.dma_semaphore, #tpu.memory_space<semaphore_mem>>)
      %dma_wait3A = arith.constant 0 : i32
      %dma_wait3A_44 = tpu.memref_slice %arg5[%arg0, %mul3A_8, %dma_wait3A] : memref<2x10112x64xf32, #tpu.memory_space<hbm>> -> memref<1x632x64xf32, #tpu.memory_space<hbm>>
      %dma_wait3A_45 = tpu.memref_squeeze %dma_wait3A_44 : memref<1x632x64xf32, #tpu.memory_space<hbm>> -> memref<632x64xf32, #tpu.memory_space<hbm>>
      %dma_wait3A_46 = arith.constant 0 : i32
      %dma_wait3A_47 = tpu.memref_slice %arg11[%mul3A_8, %dma_wait3A_46] : memref<10112x64xf32, #tpu.memory_space<vmem_shared>> -> memref<632x64xf32, #tpu.memory_space<vmem_shared>>
      tpu.wait_dma2 semaphore(%run_scoped3A : memref<!tpu.dma_semaphore, #tpu.memory_space<semaphore_mem>>) src(%dma_wait3A_47 : memref<632x64xf32, #tpu.memory_space<vmem_shared>>) dst(%dma_wait3A_45 : memref<632x64xf32, #tpu.memory_space<hbm>>)
      tpu.yield
    }) : () -> ()
    return
  }
}

#map = affine_map<(d0, d1) -> (0, 0)>
#map1 = affine_map<(d0, d1) -> (0, 0, 0)>
module attributes {stable_mosaic.version = 14 : i64} {
  func.func @agg(%arg0: i32, %arg1: i32, %arg2: memref<10000x64xf32, #tpu.memory_space<hbm>>, %arg3: memref<32x80x128xi32, #tpu.memory_space<hbm>>, %arg4: memref<32x80x128xi32, #tpu.memory_space<hbm>>, %arg5: memref<2x10112x64xf32, #tpu.memory_space<hbm>>, %arg6: memref<80x128xi32, #tpu.memory_space<vmem>>, %arg7: memref<80x128xi32, #tpu.memory_space<vmem>>, %arg8: memref<128x64xf32, #tpu.memory_space<vmem>>, %arg9: memref<128x64xf32, #tpu.memory_space<vmem>>, %arg10: memref<79x64xf32, #tpu.memory_space<vmem>>, %arg11: memref<10112x64xf32, #tpu.memory_space<vmem_shared>>, %arg12: memref<!tpu.dma_semaphore, #tpu.memory_space<semaphore_mem>>, %arg13: memref<!tpu.dma_semaphore, #tpu.memory_space<semaphore_mem>>) attributes {dimension_semantics = [#tpu.dimension_semantics<core_parallel>, #tpu.dimension_semantics<subcore_parallel>], iteration_bounds = array<i64: 2, 16>, scalar_prefetch = 0 : i64, scratch_operands = 8 : i64, tpu.core_type = #tpu.core_type<sc_vector_subcore>, window_params = [{transform_indices = #map}, {transform_indices = #map1}, {transform_indices = #map1}, {transform_indices = #map1}]} {
    %mul3A = arith.constant 16 : i32
    %mul3A_0 = arith.muli %arg0, %mul3A : i32
    %add3A = arith.addi %mul3A_0, %arg1 : i32
    "tpu.region"() ({
      %run_scoped3A = tpu.sem_alloc : memref<!tpu.dma_semaphore, #tpu.memory_space<semaphore_mem>>
      %dma_start3A_39 = arith.constant 0 : i32
      %dma_start3A_40 = arith.constant 0 : i32
      %dma_start3A_41 = tpu.memref_slice %arg3[%add3A, %dma_start3A_39, %dma_start3A_40] : memref<32x80x128xi32, #tpu.memory_space<hbm>> -> memref<1x80x128xi32, #tpu.memory_space<hbm>>
      %dma_start3A_42 = tpu.memref_squeeze %dma_start3A_41 : memref<1x80x128xi32, #tpu.memory_space<hbm>> -> memref<80x128xi32, #tpu.memory_space<hbm>>
      %dma_start3A_43 = arith.constant 0 : i32
      %dma_start3A_44 = arith.constant 0 : i32
      %dma_start3A_45 = tpu.memref_slice %arg3[%add3A, %dma_start3A_43, %dma_start3A_44] : memref<32x80x128xi32, #tpu.memory_space<hbm>> -> memref<1x80x128xi32, #tpu.memory_space<hbm>>
      %dma_start3A_46 = tpu.memref_squeeze %dma_start3A_45 : memref<1x80x128xi32, #tpu.memory_space<hbm>> -> memref<80x128xi32, #tpu.memory_space<hbm>>
      tpu.enqueue_dma source(%dma_start3A_46 : memref<80x128xi32, #tpu.memory_space<hbm>>) target(%arg6 : memref<80x128xi32, #tpu.memory_space<vmem>>) target_semaphore(%run_scoped3A : memref<!tpu.dma_semaphore, #tpu.memory_space<semaphore_mem>>)
      %dma_wait3A = arith.constant 0 : i32
      %dma_wait3A_47 = arith.constant 0 : i32
      %dma_wait3A_48 = tpu.memref_slice %arg3[%add3A, %dma_wait3A, %dma_wait3A_47] : memref<32x80x128xi32, #tpu.memory_space<hbm>> -> memref<1x80x128xi32, #tpu.memory_space<hbm>>
      %dma_wait3A_49 = tpu.memref_squeeze %dma_wait3A_48 : memref<1x80x128xi32, #tpu.memory_space<hbm>> -> memref<80x128xi32, #tpu.memory_space<hbm>>
      %dma_wait3A_50 = arith.constant 0 : i32
      %dma_wait3A_51 = arith.constant 0 : i32
      %dma_wait3A_52 = tpu.memref_slice %arg3[%add3A, %dma_wait3A_50, %dma_wait3A_51] : memref<32x80x128xi32, #tpu.memory_space<hbm>> -> memref<1x80x128xi32, #tpu.memory_space<hbm>>
      %dma_wait3A_53 = tpu.memref_squeeze %dma_wait3A_52 : memref<1x80x128xi32, #tpu.memory_space<hbm>> -> memref<80x128xi32, #tpu.memory_space<hbm>>
      tpu.wait_dma2 semaphore(%run_scoped3A : memref<!tpu.dma_semaphore, #tpu.memory_space<semaphore_mem>>) src(%dma_wait3A_53 : memref<80x128xi32, #tpu.memory_space<hbm>>) dst(%arg6 : memref<80x128xi32, #tpu.memory_space<vmem>>)
      tpu.yield
    }) : () -> ()
    "tpu.region"() ({
      %run_scoped3A = tpu.sem_alloc : memref<!tpu.dma_semaphore, #tpu.memory_space<semaphore_mem>>
      %dma_start3A_39 = arith.constant 0 : i32
      %dma_start3A_40 = arith.constant 0 : i32
      %dma_start3A_41 = tpu.memref_slice %arg4[%add3A, %dma_start3A_39, %dma_start3A_40] : memref<32x80x128xi32, #tpu.memory_space<hbm>> -> memref<1x80x128xi32, #tpu.memory_space<hbm>>
      %dma_start3A_42 = tpu.memref_squeeze %dma_start3A_41 : memref<1x80x128xi32, #tpu.memory_space<hbm>> -> memref<80x128xi32, #tpu.memory_space<hbm>>
      %dma_start3A_43 = arith.constant 0 : i32
      %dma_start3A_44 = arith.constant 0 : i32
      %dma_start3A_45 = tpu.memref_slice %arg4[%add3A, %dma_start3A_43, %dma_start3A_44] : memref<32x80x128xi32, #tpu.memory_space<hbm>> -> memref<1x80x128xi32, #tpu.memory_space<hbm>>
      %dma_start3A_46 = tpu.memref_squeeze %dma_start3A_45 : memref<1x80x128xi32, #tpu.memory_space<hbm>> -> memref<80x128xi32, #tpu.memory_space<hbm>>
      tpu.enqueue_dma source(%dma_start3A_46 : memref<80x128xi32, #tpu.memory_space<hbm>>) target(%arg7 : memref<80x128xi32, #tpu.memory_space<vmem>>) target_semaphore(%run_scoped3A : memref<!tpu.dma_semaphore, #tpu.memory_space<semaphore_mem>>)
      %dma_wait3A = arith.constant 0 : i32
      %dma_wait3A_47 = arith.constant 0 : i32
      %dma_wait3A_48 = tpu.memref_slice %arg4[%add3A, %dma_wait3A, %dma_wait3A_47] : memref<32x80x128xi32, #tpu.memory_space<hbm>> -> memref<1x80x128xi32, #tpu.memory_space<hbm>>
      %dma_wait3A_49 = tpu.memref_squeeze %dma_wait3A_48 : memref<1x80x128xi32, #tpu.memory_space<hbm>> -> memref<80x128xi32, #tpu.memory_space<hbm>>
      %dma_wait3A_50 = arith.constant 0 : i32
      %dma_wait3A_51 = arith.constant 0 : i32
      %dma_wait3A_52 = tpu.memref_slice %arg4[%add3A, %dma_wait3A_50, %dma_wait3A_51] : memref<32x80x128xi32, #tpu.memory_space<hbm>> -> memref<1x80x128xi32, #tpu.memory_space<hbm>>
      %dma_wait3A_53 = tpu.memref_squeeze %dma_wait3A_52 : memref<1x80x128xi32, #tpu.memory_space<hbm>> -> memref<80x128xi32, #tpu.memory_space<hbm>>
      tpu.wait_dma2 semaphore(%run_scoped3A : memref<!tpu.dma_semaphore, #tpu.memory_space<semaphore_mem>>) src(%dma_wait3A_53 : memref<80x128xi32, #tpu.memory_space<hbm>>) dst(%arg7 : memref<80x128xi32, #tpu.memory_space<vmem>>)
      tpu.yield
    }) : () -> ()
    %scan3A = arith.constant 0 : i32
    %scan3A_1 = arith.constant 0 : i32
    %scan3A_2 = arith.constant 79 : i32
    %scan3A_3 = arith.addi %scan3A_1, %scan3A_2 : i32
    %scan3A_4 = arith.constant 1 : i32
    %scan3A_5 = scf.for %scan3A_39 = %scan3A_1 to %scan3A_3 step %scan3A_4 iter_args(%scan3A_40 = %scan3A) -> (i32)  : i32 {
      %broadcast_in_dim3A = arith.constant 0.000000e+00 : f32
      %broadcast_in_dim3A_41 = vector.broadcast %broadcast_in_dim3A : f32 to vector<16xf32>
      %swap3A = arith.index_cast %scan3A_39 : i32 to index
      %swap3A_42 = arith.constant 0 : index
      %swap3A_43 = tpu.vector_load %arg10[%swap3A, %swap3A_42] {strides = array<i32>} : memref<79x64xf32, #tpu.memory_space<vmem>>, vector<1x16xf32>,
      %swap3A_44 = vector.shape_cast %swap3A_43 : vector<1x16xf32> to vector<16xf32>
      %swap3A_45 = vector.shape_cast %broadcast_in_dim3A_41 : vector<16xf32> to vector<1x16xf32>
      tpu.vector_store %arg10[%swap3A, %swap3A_42], %swap3A_45 {strides = array<i32>} : memref<79x64xf32, #tpu.memory_space<vmem>>, vector<1x16xf32>,
      %broadcast_in_dim3A_46 = arith.constant 0.000000e+00 : f32
      %broadcast_in_dim3A_47 = vector.broadcast %broadcast_in_dim3A_46 : f32 to vector<16xf32>
      %swap3A_48 = arith.index_cast %scan3A_39 : i32 to index
      %swap3A_49 = arith.constant 16 : index
      %swap3A_50 = tpu.vector_load %arg10[%swap3A_48, %swap3A_49] {strides = array<i32>} : memref<79x64xf32, #tpu.memory_space<vmem>>, vector<1x16xf32>,
      %swap3A_51 = vector.shape_cast %swap3A_50 : vector<1x16xf32> to vector<16xf32>
      %swap3A_52 = vector.shape_cast %broadcast_in_dim3A_47 : vector<16xf32> to vector<1x16xf32>
      tpu.vector_store %arg10[%swap3A_48, %swap3A_49], %swap3A_52 {strides = array<i32>} : memref<79x64xf32, #tpu.memory_space<vmem>>, vector<1x16xf32>,
      %broadcast_in_dim3A_53 = arith.constant 0.000000e+00 : f32
      %broadcast_in_dim3A_54 = vector.broadcast %broadcast_in_dim3A_53 : f32 to vector<16xf32>
      %swap3A_55 = arith.index_cast %scan3A_39 : i32 to index
      %swap3A_56 = arith.constant 32 : index
      %swap3A_57 = tpu.vector_load %arg10[%swap3A_55, %swap3A_56] {strides = array<i32>} : memref<79x64xf32, #tpu.memory_space<vmem>>, vector<1x16xf32>,
      %swap3A_58 = vector.shape_cast %swap3A_57 : vector<1x16xf32> to vector<16xf32>
      %swap3A_59 = vector.shape_cast %broadcast_in_dim3A_54 : vector<16xf32> to vector<1x16xf32>
      tpu.vector_store %arg10[%swap3A_55, %swap3A_56], %swap3A_59 {strides = array<i32>} : memref<79x64xf32, #tpu.memory_space<vmem>>, vector<1x16xf32>,
      %broadcast_in_dim3A_60 = arith.constant 0.000000e+00 : f32
      %broadcast_in_dim3A_61 = vector.broadcast %broadcast_in_dim3A_60 : f32 to vector<16xf32>
      %swap3A_62 = arith.index_cast %scan3A_39 : i32 to index
      %swap3A_63 = arith.constant 48 : index
      %swap3A_64 = tpu.vector_load %arg10[%swap3A_62, %swap3A_63] {strides = array<i32>} : memref<79x64xf32, #tpu.memory_space<vmem>>, vector<1x16xf32>,
      %swap3A_65 = vector.shape_cast %swap3A_64 : vector<1x16xf32> to vector<16xf32>
      %swap3A_66 = vector.shape_cast %broadcast_in_dim3A_61 : vector<16xf32> to vector<1x16xf32>
      tpu.vector_store %arg10[%swap3A_62, %swap3A_63], %swap3A_66 {strides = array<i32>} : memref<79x64xf32, #tpu.memory_space<vmem>>, vector<1x16xf32>,
      %scan3A_67 = arith.constant 0 : i32
      scf.yield %scan3A_67 : i32
    }
    %scan3A_6 = arith.constant 79 : i32
    %mul3A_7 = arith.constant 632 : i32
    %mul3A_8 = arith.muli %arg1, %mul3A_7 : i32
    %add3A_9 = arith.constant 0 : i32
    %add3A_10 = arith.addi %mul3A_8, %add3A_9 : i32
    "tpu.region"() ({
      %run_scoped3A = tpu.sem_alloc : memref<!tpu.dma_semaphore, #tpu.memory_space<semaphore_mem>>
      %dma_start3A_39 = arith.constant 0 : i32
      %dma_start3A_40 = tpu.memref_slice %arg11[%add3A_10, %dma_start3A_39] : memref<10112x64xf32, #tpu.memory_space<vmem_shared>> -> memref<79x64xf32, #tpu.memory_space<vmem_shared>>
      %dma_start3A_41 = arith.constant 0 : i32
      %dma_start3A_42 = tpu.memref_slice %arg11[%add3A_10, %dma_start3A_41] : memref<10112x64xf32, #tpu.memory_space<vmem_shared>> -> memref<79x64xf32, #tpu.memory_space<vmem_shared>>
      tpu.enqueue_dma source(%arg10 : memref<79x64xf32, #tpu.memory_space<vmem>>) target(%dma_start3A_42 : memref<79x64xf32, #tpu.memory_space<vmem_shared>>) target_semaphore(%run_scoped3A : memref<!tpu.dma_semaphore, #tpu.memory_space<semaphore_mem>>)
      %dma_wait3A = arith.constant 0 : i32
      %dma_wait3A_43 = tpu.memref_slice %arg11[%add3A_10, %dma_wait3A] : memref<10112x64xf32, #tpu.memory_space<vmem_shared>> -> memref<79x64xf32, #tpu.memory_space<vmem_shared>>
      %dma_wait3A_44 = arith.constant 0 : i32
      %dma_wait3A_45 = tpu.memref_slice %arg11[%add3A_10, %dma_wait3A_44] : memref<10112x64xf32, #tpu.memory_space<vmem_shared>> -> memref<79x64xf32, #tpu.memory_space<vmem_shared>>
      tpu.wait_dma2 semaphore(%run_scoped3A : memref<!tpu.dma_semaphore, #tpu.memory_space<semaphore_mem>>) src(%arg10 : memref<79x64xf32, #tpu.memory_space<vmem>>) dst(%dma_wait3A_45 : memref<79x64xf32, #tpu.memory_space<vmem_shared>>)
      tpu.yield
    }) : () -> ()
    %add3A_11 = arith.constant 79 : i32
    %add3A_12 = arith.addi %mul3A_8, %add3A_11 : i32
    "tpu.region"() ({
      %run_scoped3A = tpu.sem_alloc : memref<!tpu.dma_semaphore, #tpu.memory_space<semaphore_mem>>
      %dma_start3A_39 = arith.constant 0 : i32
      %dma_start3A_40 = tpu.memref_slice %arg11[%add3A_12, %dma_start3A_39] : memref<10112x64xf32, #tpu.memory_space<vmem_shared>> -> memref<79x64xf32, #tpu.memory_space<vmem_shared>>
      %dma_start3A_41 = arith.constant 0 : i32
      %dma_start3A_42 = tpu.memref_slice %arg11[%add3A_12, %dma_start3A_41] : memref<10112x64xf32, #tpu.memory_space<vmem_shared>> -> memref<79x64xf32, #tpu.memory_space<vmem_shared>>
      tpu.enqueue_dma source(%arg10 : memref<79x64xf32, #tpu.memory_space<vmem>>) target(%dma_start3A_42 : memref<79x64xf32, #tpu.memory_space<vmem_shared>>) target_semaphore(%run_scoped3A : memref<!tpu.dma_semaphore, #tpu.memory_space<semaphore_mem>>)
      %dma_wait3A = arith.constant 0 : i32
      %dma_wait3A_43 = tpu.memref_slice %arg11[%add3A_12, %dma_wait3A] : memref<10112x64xf32, #tpu.memory_space<vmem_shared>> -> memref<79x64xf32, #tpu.memory_space<vmem_shared>>
      %dma_wait3A_44 = arith.constant 0 : i32
      %dma_wait3A_45 = tpu.memref_slice %arg11[%add3A_12, %dma_wait3A_44] : memref<10112x64xf32, #tpu.memory_space<vmem_shared>> -> memref<79x64xf32, #tpu.memory_space<vmem_shared>>
      tpu.wait_dma2 semaphore(%run_scoped3A : memref<!tpu.dma_semaphore, #tpu.memory_space<semaphore_mem>>) src(%arg10 : memref<79x64xf32, #tpu.memory_space<vmem>>) dst(%dma_wait3A_45 : memref<79x64xf32, #tpu.memory_space<vmem_shared>>)
      tpu.yield
    }) : () -> ()
    %add3A_13 = arith.constant 158 : i32
    %add3A_14 = arith.addi %mul3A_8, %add3A_13 : i32
    "tpu.region"() ({
      %run_scoped3A = tpu.sem_alloc : memref<!tpu.dma_semaphore, #tpu.memory_space<semaphore_mem>>
      %dma_start3A_39 = arith.constant 0 : i32
      %dma_start3A_40 = tpu.memref_slice %arg11[%add3A_14, %dma_start3A_39] : memref<10112x64xf32, #tpu.memory_space<vmem_shared>> -> memref<79x64xf32, #tpu.memory_space<vmem_shared>>
      %dma_start3A_41 = arith.constant 0 : i32
      %dma_start3A_42 = tpu.memref_slice %arg11[%add3A_14, %dma_start3A_41] : memref<10112x64xf32, #tpu.memory_space<vmem_shared>> -> memref<79x64xf32, #tpu.memory_space<vmem_shared>>
      tpu.enqueue_dma source(%arg10 : memref<79x64xf32, #tpu.memory_space<vmem>>) target(%dma_start3A_42 : memref<79x64xf32, #tpu.memory_space<vmem_shared>>) target_semaphore(%run_scoped3A : memref<!tpu.dma_semaphore, #tpu.memory_space<semaphore_mem>>)
      %dma_wait3A = arith.constant 0 : i32
      %dma_wait3A_43 = tpu.memref_slice %arg11[%add3A_14, %dma_wait3A] : memref<10112x64xf32, #tpu.memory_space<vmem_shared>> -> memref<79x64xf32, #tpu.memory_space<vmem_shared>>
      %dma_wait3A_44 = arith.constant 0 : i32
      %dma_wait3A_45 = tpu.memref_slice %arg11[%add3A_14, %dma_wait3A_44] : memref<10112x64xf32, #tpu.memory_space<vmem_shared>> -> memref<79x64xf32, #tpu.memory_space<vmem_shared>>
      tpu.wait_dma2 semaphore(%run_scoped3A : memref<!tpu.dma_semaphore, #tpu.memory_space<semaphore_mem>>) src(%arg10 : memref<79x64xf32, #tpu.memory_space<vmem>>) dst(%dma_wait3A_45 : memref<79x64xf32, #tpu.memory_space<vmem_shared>>)
      tpu.yield
    }) : () -> ()
    %add3A_15 = arith.constant 237 : i32
    %add3A_16 = arith.addi %mul3A_8, %add3A_15 : i32
    "tpu.region"() ({
      %run_scoped3A = tpu.sem_alloc : memref<!tpu.dma_semaphore, #tpu.memory_space<semaphore_mem>>
      %dma_start3A_39 = arith.constant 0 : i32
      %dma_start3A_40 = tpu.memref_slice %arg11[%add3A_16, %dma_start3A_39] : memref<10112x64xf32, #tpu.memory_space<vmem_shared>> -> memref<79x64xf32, #tpu.memory_space<vmem_shared>>
      %dma_start3A_41 = arith.constant 0 : i32
      %dma_start3A_42 = tpu.memref_slice %arg11[%add3A_16, %dma_start3A_41] : memref<10112x64xf32, #tpu.memory_space<vmem_shared>> -> memref<79x64xf32, #tpu.memory_space<vmem_shared>>
      tpu.enqueue_dma source(%arg10 : memref<79x64xf32, #tpu.memory_space<vmem>>) target(%dma_start3A_42 : memref<79x64xf32, #tpu.memory_space<vmem_shared>>) target_semaphore(%run_scoped3A : memref<!tpu.dma_semaphore, #tpu.memory_space<semaphore_mem>>)
      %dma_wait3A = arith.constant 0 : i32
      %dma_wait3A_43 = tpu.memref_slice %arg11[%add3A_16, %dma_wait3A] : memref<10112x64xf32, #tpu.memory_space<vmem_shared>> -> memref<79x64xf32, #tpu.memory_space<vmem_shared>>
      %dma_wait3A_44 = arith.constant 0 : i32
      %dma_wait3A_45 = tpu.memref_slice %arg11[%add3A_16, %dma_wait3A_44] : memref<10112x64xf32, #tpu.memory_space<vmem_shared>> -> memref<79x64xf32, #tpu.memory_space<vmem_shared>>
      tpu.wait_dma2 semaphore(%run_scoped3A : memref<!tpu.dma_semaphore, #tpu.memory_space<semaphore_mem>>) src(%arg10 : memref<79x64xf32, #tpu.memory_space<vmem>>) dst(%dma_wait3A_45 : memref<79x64xf32, #tpu.memory_space<vmem_shared>>)
      tpu.yield
    }) : () -> ()
    %add3A_17 = arith.constant 316 : i32
    %add3A_18 = arith.addi %mul3A_8, %add3A_17 : i32
    "tpu.region"() ({
      %run_scoped3A = tpu.sem_alloc : memref<!tpu.dma_semaphore, #tpu.memory_space<semaphore_mem>>
      %dma_start3A_39 = arith.constant 0 : i32
      %dma_start3A_40 = tpu.memref_slice %arg11[%add3A_18, %dma_start3A_39] : memref<10112x64xf32, #tpu.memory_space<vmem_shared>> -> memref<79x64xf32, #tpu.memory_space<vmem_shared>>
      %dma_start3A_41 = arith.constant 0 : i32
      %dma_start3A_42 = tpu.memref_slice %arg11[%add3A_18, %dma_start3A_41] : memref<10112x64xf32, #tpu.memory_space<vmem_shared>> -> memref<79x64xf32, #tpu.memory_space<vmem_shared>>
      tpu.enqueue_dma source(%arg10 : memref<79x64xf32, #tpu.memory_space<vmem>>) target(%dma_start3A_42 : memref<79x64xf32, #tpu.memory_space<vmem_shared>>) target_semaphore(%run_scoped3A : memref<!tpu.dma_semaphore, #tpu.memory_space<semaphore_mem>>)
      %dma_wait3A = arith.constant 0 : i32
      %dma_wait3A_43 = tpu.memref_slice %arg11[%add3A_18, %dma_wait3A] : memref<10112x64xf32, #tpu.memory_space<vmem_shared>> -> memref<79x64xf32, #tpu.memory_space<vmem_shared>>
      %dma_wait3A_44 = arith.constant 0 : i32
      %dma_wait3A_45 = tpu.memref_slice %arg11[%add3A_18, %dma_wait3A_44] : memref<10112x64xf32, #tpu.memory_space<vmem_shared>> -> memref<79x64xf32, #tpu.memory_space<vmem_shared>>
      tpu.wait_dma2 semaphore(%run_scoped3A : memref<!tpu.dma_semaphore, #tpu.memory_space<semaphore_mem>>) src(%arg10 : memref<79x64xf32, #tpu.memory_space<vmem>>) dst(%dma_wait3A_45 : memref<79x64xf32, #tpu.memory_space<vmem_shared>>)
      tpu.yield
    }) : () -> ()
    %add3A_19 = arith.constant 395 : i32
    %add3A_20 = arith.addi %mul3A_8, %add3A_19 : i32
    "tpu.region"() ({
      %run_scoped3A = tpu.sem_alloc : memref<!tpu.dma_semaphore, #tpu.memory_space<semaphore_mem>>
      %dma_start3A_39 = arith.constant 0 : i32
      %dma_start3A_40 = tpu.memref_slice %arg11[%add3A_20, %dma_start3A_39] : memref<10112x64xf32, #tpu.memory_space<vmem_shared>> -> memref<79x64xf32, #tpu.memory_space<vmem_shared>>
      %dma_start3A_41 = arith.constant 0 : i32
      %dma_start3A_42 = tpu.memref_slice %arg11[%add3A_20, %dma_start3A_41] : memref<10112x64xf32, #tpu.memory_space<vmem_shared>> -> memref<79x64xf32, #tpu.memory_space<vmem_shared>>
      tpu.enqueue_dma source(%arg10 : memref<79x64xf32, #tpu.memory_space<vmem>>) target(%dma_start3A_42 : memref<79x64xf32, #tpu.memory_space<vmem_shared>>) target_semaphore(%run_scoped3A : memref<!tpu.dma_semaphore, #tpu.memory_space<semaphore_mem>>)
      %dma_wait3A = arith.constant 0 : i32
      %dma_wait3A_43 = tpu.memref_slice %arg11[%add3A_20, %dma_wait3A] : memref<10112x64xf32, #tpu.memory_space<vmem_shared>> -> memref<79x64xf32, #tpu.memory_space<vmem_shared>>
      %dma_wait3A_44 = arith.constant 0 : i32
      %dma_wait3A_45 = tpu.memref_slice %arg11[%add3A_20, %dma_wait3A_44] : memref<10112x64xf32, #tpu.memory_space<vmem_shared>> -> memref<79x64xf32, #tpu.memory_space<vmem_shared>>
      tpu.wait_dma2 semaphore(%run_scoped3A : memref<!tpu.dma_semaphore, #tpu.memory_space<semaphore_mem>>) src(%arg10 : memref<79x64xf32, #tpu.memory_space<vmem>>) dst(%dma_wait3A_45 : memref<79x64xf32, #tpu.memory_space<vmem_shared>>)
      tpu.yield
    }) : () -> ()
    %add3A_21 = arith.constant 474 : i32
    %add3A_22 = arith.addi %mul3A_8, %add3A_21 : i32
    "tpu.region"() ({
      %run_scoped3A = tpu.sem_alloc : memref<!tpu.dma_semaphore, #tpu.memory_space<semaphore_mem>>
      %dma_start3A_39 = arith.constant 0 : i32
      %dma_start3A_40 = tpu.memref_slice %arg11[%add3A_22, %dma_start3A_39] : memref<10112x64xf32, #tpu.memory_space<vmem_shared>> -> memref<79x64xf32, #tpu.memory_space<vmem_shared>>
      %dma_start3A_41 = arith.constant 0 : i32
      %dma_start3A_42 = tpu.memref_slice %arg11[%add3A_22, %dma_start3A_41] : memref<10112x64xf32, #tpu.memory_space<vmem_shared>> -> memref<79x64xf32, #tpu.memory_space<vmem_shared>>
      tpu.enqueue_dma source(%arg10 : memref<79x64xf32, #tpu.memory_space<vmem>>) target(%dma_start3A_42 : memref<79x64xf32, #tpu.memory_space<vmem_shared>>) target_semaphore(%run_scoped3A : memref<!tpu.dma_semaphore, #tpu.memory_space<semaphore_mem>>)
      %dma_wait3A = arith.constant 0 : i32
      %dma_wait3A_43 = tpu.memref_slice %arg11[%add3A_22, %dma_wait3A] : memref<10112x64xf32, #tpu.memory_space<vmem_shared>> -> memref<79x64xf32, #tpu.memory_space<vmem_shared>>
      %dma_wait3A_44 = arith.constant 0 : i32
      %dma_wait3A_45 = tpu.memref_slice %arg11[%add3A_22, %dma_wait3A_44] : memref<10112x64xf32, #tpu.memory_space<vmem_shared>> -> memref<79x64xf32, #tpu.memory_space<vmem_shared>>
      tpu.wait_dma2 semaphore(%run_scoped3A : memref<!tpu.dma_semaphore, #tpu.memory_space<semaphore_mem>>) src(%arg10 : memref<79x64xf32, #tpu.memory_space<vmem>>) dst(%dma_wait3A_45 : memref<79x64xf32, #tpu.memory_space<vmem_shared>>)
      tpu.yield
    }) : () -> ()
    %add3A_23 = arith.constant 553 : i32
    %add3A_24 = arith.addi %mul3A_8, %add3A_23 : i32
    "tpu.region"() ({
      %run_scoped3A = tpu.sem_alloc : memref<!tpu.dma_semaphore, #tpu.memory_space<semaphore_mem>>
      %dma_start3A_39 = arith.constant 0 : i32
      %dma_start3A_40 = tpu.memref_slice %arg11[%add3A_24, %dma_start3A_39] : memref<10112x64xf32, #tpu.memory_space<vmem_shared>> -> memref<79x64xf32, #tpu.memory_space<vmem_shared>>
      %dma_start3A_41 = arith.constant 0 : i32
      %dma_start3A_42 = tpu.memref_slice %arg11[%add3A_24, %dma_start3A_41] : memref<10112x64xf32, #tpu.memory_space<vmem_shared>> -> memref<79x64xf32, #tpu.memory_space<vmem_shared>>
      tpu.enqueue_dma source(%arg10 : memref<79x64xf32, #tpu.memory_space<vmem>>) target(%dma_start3A_42 : memref<79x64xf32, #tpu.memory_space<vmem_shared>>) target_semaphore(%run_scoped3A : memref<!tpu.dma_semaphore, #tpu.memory_space<semaphore_mem>>)
      %dma_wait3A = arith.constant 0 : i32
      %dma_wait3A_43 = tpu.memref_slice %arg11[%add3A_24, %dma_wait3A] : memref<10112x64xf32, #tpu.memory_space<vmem_shared>> -> memref<79x64xf32, #tpu.memory_space<vmem_shared>>
      %dma_wait3A_44 = arith.constant 0 : i32
      %dma_wait3A_45 = tpu.memref_slice %arg11[%add3A_24, %dma_wait3A_44] : memref<10112x64xf32, #tpu.memory_space<vmem_shared>> -> memref<79x64xf32, #tpu.memory_space<vmem_shared>>
      tpu.wait_dma2 semaphore(%run_scoped3A : memref<!tpu.dma_semaphore, #tpu.memory_space<semaphore_mem>>) src(%arg10 : memref<79x64xf32, #tpu.memory_space<vmem>>) dst(%dma_wait3A_45 : memref<79x64xf32, #tpu.memory_space<vmem_shared>>)
      tpu.yield
    }) : () -> ()
    %barrier3A = arith.constant 0 : index
    tpu.barrier barrier_id(%barrier3A)
    %dma_start3A = arith.constant 0 : i32
    %dma_start3A_25 = arith.constant 0 : i32
    %dma_start3A_26 = tpu.memref_slice %arg6[%dma_start3A, %dma_start3A_25] : memref<80x128xi32, #tpu.memory_space<vmem>> -> memref<1x128xi32, #tpu.memory_space<vmem>>
    %dma_start3A_27 = tpu.memref_squeeze %dma_start3A_26 : memref<1x128xi32, #tpu.memory_space<vmem>> -> memref<128xi32, #tpu.memory_space<vmem>>
    %dma_start3A_28 = arith.constant 0 : i32
    %dma_start3A_29 = arith.constant 0 : i32
    %dma_start3A_30 = tpu.memref_slice %arg2[%dma_start3A_28, %dma_start3A_29] : memref<10000x64xf32, #tpu.memory_space<hbm>> -> memref<10000x64xf32, #tpu.memory_space<hbm>>
    tpu.enqueue_indirect_dma source(%dma_start3A_30 : memref<10000x64xf32, #tpu.memory_space<hbm>>) target(%arg8 : memref<128x64xf32, #tpu.memory_space<vmem>>) offsets(%dma_start3A_27 : memref<128xi32, #tpu.memory_space<vmem>>) semaphore(%arg12 : memref<!tpu.dma_semaphore, #tpu.memory_space<semaphore_mem>>)
    %scan3A_31 = arith.constant 0 : i32
    %scan3A_32 = arith.constant 0 : i32
    %scan3A_33 = arith.constant 40 : i32
    %scan3A_34 = arith.addi %scan3A_32, %scan3A_33 : i32
    %scan3A_35 = arith.constant 1 : i32
    %scan3A_36 = scf.for %scan3A_39 = %scan3A_32 to %scan3A_34 step %scan3A_35 iter_args(%scan3A_40 = %scan3A_31) -> (i32)  : i32 {
      %mul3A_41 = arith.constant 2 : i32
      %mul3A_42 = arith.muli %mul3A_41, %scan3A_39 : i32
      %add3A_43 = arith.constant 1 : i32
      %add3A_44 = arith.addi %mul3A_42, %add3A_43 : i32
      %dma_start3A_45 = arith.constant 0 : i32
      %dma_start3A_46 = tpu.memref_slice %arg6[%add3A_44, %dma_start3A_45] : memref<80x128xi32, #tpu.memory_space<vmem>> -> memref<1x128xi32, #tpu.memory_space<vmem>>
      %dma_start3A_47 = tpu.memref_squeeze %dma_start3A_46 : memref<1x128xi32, #tpu.memory_space<vmem>> -> memref<128xi32, #tpu.memory_space<vmem>>
      %dma_start3A_48 = arith.constant 0 : i32
      %dma_start3A_49 = arith.constant 0 : i32
      %dma_start3A_50 = tpu.memref_slice %arg2[%dma_start3A_48, %dma_start3A_49] : memref<10000x64xf32, #tpu.memory_space<hbm>> -> memref<10000x64xf32, #tpu.memory_space<hbm>>
      tpu.enqueue_indirect_dma source(%dma_start3A_50 : memref<10000x64xf32, #tpu.memory_space<hbm>>) target(%arg9 : memref<128x64xf32, #tpu.memory_space<vmem>>) offsets(%dma_start3A_47 : memref<128xi32, #tpu.memory_space<vmem>>) semaphore(%arg13 : memref<!tpu.dma_semaphore, #tpu.memory_space<semaphore_mem>>)
      %dma_wait3A = arith.constant 0 : i32
      %dma_wait3A_51 = arith.constant 0 : i32
      %dma_wait3A_52 = tpu.memref_slice %arg6[%dma_wait3A, %dma_wait3A_51] : memref<80x128xi32, #tpu.memory_space<vmem>> -> memref<1x128xi32, #tpu.memory_space<vmem>>
      %dma_wait3A_53 = tpu.memref_squeeze %dma_wait3A_52 : memref<1x128xi32, #tpu.memory_space<vmem>> -> memref<128xi32, #tpu.memory_space<vmem>>
      %dma_wait3A_54 = arith.constant 0 : i32
      %dma_wait3A_55 = arith.constant 0 : i32
      %dma_wait3A_56 = tpu.memref_slice %arg2[%dma_wait3A_54, %dma_wait3A_55] : memref<10000x64xf32, #tpu.memory_space<hbm>> -> memref<10000x64xf32, #tpu.memory_space<hbm>>
      tpu.wait_indirect_dma semaphore(%arg12 : memref<!tpu.dma_semaphore, #tpu.memory_space<semaphore_mem>>) src(%dma_wait3A_56 : memref<10000x64xf32, #tpu.memory_space<hbm>>) dst(%arg8 : memref<128x64xf32, #tpu.memory_space<vmem>>)
      "tpu.region"() ({
        %run_scoped3A = tpu.sem_alloc : memref<!tpu.dma_semaphore, #tpu.memory_space<semaphore_mem>>
        %dma_start3A_71 = arith.constant 0 : i32
        %dma_start3A_72 = tpu.memref_slice %arg7[%mul3A_42, %dma_start3A_71] : memref<80x128xi32, #tpu.memory_space<vmem>> -> memref<1x128xi32, #tpu.memory_space<vmem>>
        %dma_start3A_73 = tpu.memref_squeeze %dma_start3A_72 : memref<1x128xi32, #tpu.memory_space<vmem>> -> memref<128xi32, #tpu.memory_space<vmem>>
        %dma_start3A_74 = arith.constant 0 : i32
        %dma_start3A_75 = arith.constant 0 : i32
        %dma_start3A_76 = tpu.memref_slice %arg11[%dma_start3A_74, %dma_start3A_75] : memref<10112x64xf32, #tpu.memory_space<vmem_shared>> -> memref<10112x64xf32, #tpu.memory_space<vmem_shared>>
        tpu.enqueue_indirect_dma source(%arg8 : memref<128x64xf32, #tpu.memory_space<vmem>>) target(%dma_start3A_76 : memref<10112x64xf32, #tpu.memory_space<vmem_shared>>) offsets(%dma_start3A_73 : memref<128xi32, #tpu.memory_space<vmem>>) semaphore(%run_scoped3A : memref<!tpu.dma_semaphore, #tpu.memory_space<semaphore_mem>>) {add = true}
        %dma_wait3A_77 = arith.constant 0 : i32
        %dma_wait3A_78 = tpu.memref_slice %arg7[%mul3A_42, %dma_wait3A_77] : memref<80x128xi32, #tpu.memory_space<vmem>> -> memref<1x128xi32, #tpu.memory_space<vmem>>
        %dma_wait3A_79 = tpu.memref_squeeze %dma_wait3A_78 : memref<1x128xi32, #tpu.memory_space<vmem>> -> memref<128xi32, #tpu.memory_space<vmem>>
        %dma_wait3A_80 = arith.constant 0 : i32
        %dma_wait3A_81 = arith.constant 0 : i32
        %dma_wait3A_82 = tpu.memref_slice %arg11[%dma_wait3A_80, %dma_wait3A_81] : memref<10112x64xf32, #tpu.memory_space<vmem_shared>> -> memref<10112x64xf32, #tpu.memory_space<vmem_shared>>
        tpu.wait_indirect_dma semaphore(%run_scoped3A : memref<!tpu.dma_semaphore, #tpu.memory_space<semaphore_mem>>) src(%arg8 : memref<128x64xf32, #tpu.memory_space<vmem>>) dst(%dma_wait3A_82 : memref<10112x64xf32, #tpu.memory_space<vmem_shared>>)
        tpu.yield
      }) : () -> ()
      %add3A_57 = arith.constant 2 : i32
      %add3A_58 = arith.addi %mul3A_42, %add3A_57 : i32
      %lt3A = arith.constant 80 : i32
      %lt3A_59 = arith.cmpi slt, %add3A_58, %lt3A : i32
      %convert_element_type3A = arith.extui %lt3A_59 : i1 to i32
      %cond3A = arith.constant 0 : i32
      %cond3A_60 = arith.cmpi ne, %convert_element_type3A, %cond3A : i32
      scf.if %cond3A_60 {
        %add3A_71 = arith.constant 2 : i32
        %add3A_72 = arith.addi %mul3A_42, %add3A_71 : i32
        %dma_start3A_73 = arith.constant 0 : i32
        %dma_start3A_74 = tpu.memref_slice %arg6[%add3A_72, %dma_start3A_73] : memref<80x128xi32, #tpu.memory_space<vmem>> -> memref<1x128xi32, #tpu.memory_space<vmem>>
        %dma_start3A_75 = tpu.memref_squeeze %dma_start3A_74 : memref<1x128xi32, #tpu.memory_space<vmem>> -> memref<128xi32, #tpu.memory_space<vmem>>
        %dma_start3A_76 = arith.constant 0 : i32
        %dma_start3A_77 = arith.constant 0 : i32
        %dma_start3A_78 = tpu.memref_slice %arg2[%dma_start3A_76, %dma_start3A_77] : memref<10000x64xf32, #tpu.memory_space<hbm>> -> memref<10000x64xf32, #tpu.memory_space<hbm>>
        tpu.enqueue_indirect_dma source(%dma_start3A_78 : memref<10000x64xf32, #tpu.memory_space<hbm>>) target(%arg8 : memref<128x64xf32, #tpu.memory_space<vmem>>) offsets(%dma_start3A_75 : memref<128xi32, #tpu.memory_space<vmem>>) semaphore(%arg12 : memref<!tpu.dma_semaphore, #tpu.memory_space<semaphore_mem>>)
      } else {
      }
      %dma_wait3A_61 = arith.constant 0 : i32
      %dma_wait3A_62 = arith.constant 0 : i32
      %dma_wait3A_63 = tpu.memref_slice %arg6[%dma_wait3A_61, %dma_wait3A_62] : memref<80x128xi32, #tpu.memory_space<vmem>> -> memref<1x128xi32, #tpu.memory_space<vmem>>
      %dma_wait3A_64 = tpu.memref_squeeze %dma_wait3A_63 : memref<1x128xi32, #tpu.memory_space<vmem>> -> memref<128xi32, #tpu.memory_space<vmem>>
      %dma_wait3A_65 = arith.constant 0 : i32
      %dma_wait3A_66 = arith.constant 0 : i32
      %dma_wait3A_67 = tpu.memref_slice %arg2[%dma_wait3A_65, %dma_wait3A_66] : memref<10000x64xf32, #tpu.memory_space<hbm>> -> memref<10000x64xf32, #tpu.memory_space<hbm>>
      tpu.wait_indirect_dma semaphore(%arg13 : memref<!tpu.dma_semaphore, #tpu.memory_space<semaphore_mem>>) src(%dma_wait3A_67 : memref<10000x64xf32, #tpu.memory_space<hbm>>) dst(%arg9 : memref<128x64xf32, #tpu.memory_space<vmem>>)
      %add3A_68 = arith.constant 1 : i32
      %add3A_69 = arith.addi %mul3A_42, %add3A_68 : i32
      "tpu.region"() ({
        %run_scoped3A = tpu.sem_alloc : memref<!tpu.dma_semaphore, #tpu.memory_space<semaphore_mem>>
        %dma_start3A_71 = arith.constant 0 : i32
        %dma_start3A_72 = tpu.memref_slice %arg7[%add3A_69, %dma_start3A_71] : memref<80x128xi32, #tpu.memory_space<vmem>> -> memref<1x128xi32, #tpu.memory_space<vmem>>
        %dma_start3A_73 = tpu.memref_squeeze %dma_start3A_72 : memref<1x128xi32, #tpu.memory_space<vmem>> -> memref<128xi32, #tpu.memory_space<vmem>>
        %dma_start3A_74 = arith.constant 0 : i32
        %dma_start3A_75 = arith.constant 0 : i32
        %dma_start3A_76 = tpu.memref_slice %arg11[%dma_start3A_74, %dma_start3A_75] : memref<10112x64xf32, #tpu.memory_space<vmem_shared>> -> memref<10112x64xf32, #tpu.memory_space<vmem_shared>>
        tpu.enqueue_indirect_dma source(%arg9 : memref<128x64xf32, #tpu.memory_space<vmem>>) target(%dma_start3A_76 : memref<10112x64xf32, #tpu.memory_space<vmem_shared>>) offsets(%dma_start3A_73 : memref<128xi32, #tpu.memory_space<vmem>>) semaphore(%run_scoped3A : memref<!tpu.dma_semaphore, #tpu.memory_space<semaphore_mem>>) {add = true}
        %dma_wait3A_77 = arith.constant 0 : i32
        %dma_wait3A_78 = tpu.memref_slice %arg7[%add3A_69, %dma_wait3A_77] : memref<80x128xi32, #tpu.memory_space<vmem>> -> memref<1x128xi32, #tpu.memory_space<vmem>>
        %dma_wait3A_79 = tpu.memref_squeeze %dma_wait3A_78 : memref<1x128xi32, #tpu.memory_space<vmem>> -> memref<128xi32, #tpu.memory_space<vmem>>
        %dma_wait3A_80 = arith.constant 0 : i32
        %dma_wait3A_81 = arith.constant 0 : i32
        %dma_wait3A_82 = tpu.memref_slice %arg11[%dma_wait3A_80, %dma_wait3A_81] : memref<10112x64xf32, #tpu.memory_space<vmem_shared>> -> memref<10112x64xf32, #tpu.memory_space<vmem_shared>>
        tpu.wait_indirect_dma semaphore(%run_scoped3A : memref<!tpu.dma_semaphore, #tpu.memory_space<semaphore_mem>>) src(%arg9 : memref<128x64xf32, #tpu.memory_space<vmem>>) dst(%dma_wait3A_82 : memref<10112x64xf32, #tpu.memory_space<vmem_shared>>)
        tpu.yield
      }) : () -> ()
      %scan3A_70 = arith.constant 0 : i32
      scf.yield %scan3A_70 : i32
    }
    %scan3A_37 = arith.constant 40 : i32
    %barrier3A_38 = arith.constant 0 : index
    tpu.barrier barrier_id(%barrier3A_38)
    "tpu.region"() ({
      %run_scoped3A = tpu.sem_alloc : memref<!tpu.dma_semaphore, #tpu.memory_space<semaphore_mem>>
      %dma_start3A_39 = arith.constant 0 : i32
      %dma_start3A_40 = tpu.memref_slice %arg5[%arg0, %mul3A_8, %dma_start3A_39] : memref<2x10112x64xf32, #tpu.memory_space<hbm>> -> memref<1x632x64xf32, #tpu.memory_space<hbm>>
      %dma_start3A_41 = tpu.memref_squeeze %dma_start3A_40 : memref<1x632x64xf32, #tpu.memory_space<hbm>> -> memref<632x64xf32, #tpu.memory_space<hbm>>
      %dma_start3A_42 = arith.constant 0 : i32
      %dma_start3A_43 = tpu.memref_slice %arg11[%mul3A_8, %dma_start3A_42] : memref<10112x64xf32, #tpu.memory_space<vmem_shared>> -> memref<632x64xf32, #tpu.memory_space<vmem_shared>>
      tpu.enqueue_dma source(%dma_start3A_43 : memref<632x64xf32, #tpu.memory_space<vmem_shared>>) target(%dma_start3A_41 : memref<632x64xf32, #tpu.memory_space<hbm>>) target_semaphore(%run_scoped3A : memref<!tpu.dma_semaphore, #tpu.memory_space<semaphore_mem>>)
      %dma_wait3A = arith.constant 0 : i32
      %dma_wait3A_44 = tpu.memref_slice %arg5[%arg0, %mul3A_8, %dma_wait3A] : memref<2x10112x64xf32, #tpu.memory_space<hbm>> -> memref<1x632x64xf32, #tpu.memory_space<hbm>>
      %dma_wait3A_45 = tpu.memref_squeeze %dma_wait3A_44 : memref<1x632x64xf32, #tpu.memory_space<hbm>> -> memref<632x64xf32, #tpu.memory_space<hbm>>
      %dma_wait3A_46 = arith.constant 0 : i32
      %dma_wait3A_47 = tpu.memref_slice %arg11[%mul3A_8, %dma_wait3A_46] : memref<10112x64xf32, #tpu.memory_space<vmem_shared>> -> memref<632x64xf32, #tpu.memory_space<vmem_shared>>
      tpu.wait_dma2 semaphore(%run_scoped3A : memref<!tpu.dma_semaphore, #tpu.memory_space<semaphore_mem>>) src(%dma_wait3A_47 : memref<632x64xf32, #tpu.memory_space<vmem_shared>>) dst(%dma_wait3A_45 : memref<632x64xf32, #tpu.memory_space<hbm>>)
      tpu.yield
    }) : () -> ()
    return
  }
}

#map = affine_map<(d0, d1) -> (0, 0)>
#map1 = affine_map<(d0, d1) -> (0, 0, 0)>
module attributes {stable_mosaic.version = 14 : i64} {
  func.func @agg(%arg0: i32, %arg1: i32, %arg2: memref<10000x64xf32, #tpu.memory_space<hbm>>, %arg3: memref<32x80x128xi32, #tpu.memory_space<hbm>>, %arg4: memref<32x80x128xi32, #tpu.memory_space<hbm>>, %arg5: memref<2x10112x64xf32, #tpu.memory_space<hbm>>, %arg6: memref<80x128xi32, #tpu.memory_space<vmem>>, %arg7: memref<80x128xi32, #tpu.memory_space<vmem>>, %arg8: memref<128x64xf32, #tpu.memory_space<vmem>>, %arg9: memref<128x64xf32, #tpu.memory_space<vmem>>, %arg10: memref<79x64xf32, #tpu.memory_space<vmem>>, %arg11: memref<10112x64xf32, #tpu.memory_space<vmem_shared>>, %arg12: memref<!tpu.dma_semaphore, #tpu.memory_space<semaphore_mem>>, %arg13: memref<!tpu.dma_semaphore, #tpu.memory_space<semaphore_mem>>) attributes {dimension_semantics = [#tpu.dimension_semantics<core_parallel>, #tpu.dimension_semantics<subcore_parallel>], iteration_bounds = array<i64: 2, 16>, scalar_prefetch = 0 : i64, scratch_operands = 8 : i64, tpu.core_type = #tpu.core_type<sc_vector_subcore>, window_params = [{transform_indices = #map}, {transform_indices = #map1}, {transform_indices = #map1}, {transform_indices = #map1}]} {
    %mul3A = arith.constant 16 : i32
    %mul3A_0 = arith.muli %arg0, %mul3A : i32
    %add3A = arith.addi %mul3A_0, %arg1 : i32
    "tpu.region"() ({
      %run_scoped3A = tpu.sem_alloc : memref<!tpu.dma_semaphore, #tpu.memory_space<semaphore_mem>>
      %dma_start3A_39 = arith.constant 0 : i32
      %dma_start3A_40 = arith.constant 0 : i32
      %dma_start3A_41 = tpu.memref_slice %arg3[%add3A, %dma_start3A_39, %dma_start3A_40] : memref<32x80x128xi32, #tpu.memory_space<hbm>> -> memref<1x80x128xi32, #tpu.memory_space<hbm>>
      %dma_start3A_42 = tpu.memref_squeeze %dma_start3A_41 : memref<1x80x128xi32, #tpu.memory_space<hbm>> -> memref<80x128xi32, #tpu.memory_space<hbm>>
      %dma_start3A_43 = arith.constant 0 : i32
      %dma_start3A_44 = arith.constant 0 : i32
      %dma_start3A_45 = tpu.memref_slice %arg3[%add3A, %dma_start3A_43, %dma_start3A_44] : memref<32x80x128xi32, #tpu.memory_space<hbm>> -> memref<1x80x128xi32, #tpu.memory_space<hbm>>
      %dma_start3A_46 = tpu.memref_squeeze %dma_start3A_45 : memref<1x80x128xi32, #tpu.memory_space<hbm>> -> memref<80x128xi32, #tpu.memory_space<hbm>>
      tpu.enqueue_dma source(%dma_start3A_46 : memref<80x128xi32, #tpu.memory_space<hbm>>) target(%arg6 : memref<80x128xi32, #tpu.memory_space<vmem>>) target_semaphore(%run_scoped3A : memref<!tpu.dma_semaphore, #tpu.memory_space<semaphore_mem>>)
      %dma_wait3A = arith.constant 0 : i32
      %dma_wait3A_47 = arith.constant 0 : i32
      %dma_wait3A_48 = tpu.memref_slice %arg3[%add3A, %dma_wait3A, %dma_wait3A_47] : memref<32x80x128xi32, #tpu.memory_space<hbm>> -> memref<1x80x128xi32, #tpu.memory_space<hbm>>
      %dma_wait3A_49 = tpu.memref_squeeze %dma_wait3A_48 : memref<1x80x128xi32, #tpu.memory_space<hbm>> -> memref<80x128xi32, #tpu.memory_space<hbm>>
      %dma_wait3A_50 = arith.constant 0 : i32
      %dma_wait3A_51 = arith.constant 0 : i32
      %dma_wait3A_52 = tpu.memref_slice %arg3[%add3A, %dma_wait3A_50, %dma_wait3A_51] : memref<32x80x128xi32, #tpu.memory_space<hbm>> -> memref<1x80x128xi32, #tpu.memory_space<hbm>>
      %dma_wait3A_53 = tpu.memref_squeeze %dma_wait3A_52 : memref<1x80x128xi32, #tpu.memory_space<hbm>> -> memref<80x128xi32, #tpu.memory_space<hbm>>
      tpu.wait_dma2 semaphore(%run_scoped3A : memref<!tpu.dma_semaphore, #tpu.memory_space<semaphore_mem>>) src(%dma_wait3A_53 : memref<80x128xi32, #tpu.memory_space<hbm>>) dst(%arg6 : memref<80x128xi32, #tpu.memory_space<vmem>>)
      tpu.yield
    }) : () -> ()
    "tpu.region"() ({
      %run_scoped3A = tpu.sem_alloc : memref<!tpu.dma_semaphore, #tpu.memory_space<semaphore_mem>>
      %dma_start3A_39 = arith.constant 0 : i32
      %dma_start3A_40 = arith.constant 0 : i32
      %dma_start3A_41 = tpu.memref_slice %arg4[%add3A, %dma_start3A_39, %dma_start3A_40] : memref<32x80x128xi32, #tpu.memory_space<hbm>> -> memref<1x80x128xi32, #tpu.memory_space<hbm>>
      %dma_start3A_42 = tpu.memref_squeeze %dma_start3A_41 : memref<1x80x128xi32, #tpu.memory_space<hbm>> -> memref<80x128xi32, #tpu.memory_space<hbm>>
      %dma_start3A_43 = arith.constant 0 : i32
      %dma_start3A_44 = arith.constant 0 : i32
      %dma_start3A_45 = tpu.memref_slice %arg4[%add3A, %dma_start3A_43, %dma_start3A_44] : memref<32x80x128xi32, #tpu.memory_space<hbm>> -> memref<1x80x128xi32, #tpu.memory_space<hbm>>
      %dma_start3A_46 = tpu.memref_squeeze %dma_start3A_45 : memref<1x80x128xi32, #tpu.memory_space<hbm>> -> memref<80x128xi32, #tpu.memory_space<hbm>>
      tpu.enqueue_dma source(%dma_start3A_46 : memref<80x128xi32, #tpu.memory_space<hbm>>) target(%arg7 : memref<80x128xi32, #tpu.memory_space<vmem>>) target_semaphore(%run_scoped3A : memref<!tpu.dma_semaphore, #tpu.memory_space<semaphore_mem>>)
      %dma_wait3A = arith.constant 0 : i32
      %dma_wait3A_47 = arith.constant 0 : i32
      %dma_wait3A_48 = tpu.memref_slice %arg4[%add3A, %dma_wait3A, %dma_wait3A_47] : memref<32x80x128xi32, #tpu.memory_space<hbm>> -> memref<1x80x128xi32, #tpu.memory_space<hbm>>
      %dma_wait3A_49 = tpu.memref_squeeze %dma_wait3A_48 : memref<1x80x128xi32, #tpu.memory_space<hbm>> -> memref<80x128xi32, #tpu.memory_space<hbm>>
      %dma_wait3A_50 = arith.constant 0 : i32
      %dma_wait3A_51 = arith.constant 0 : i32
      %dma_wait3A_52 = tpu.memref_slice %arg4[%add3A, %dma_wait3A_50, %dma_wait3A_51] : memref<32x80x128xi32, #tpu.memory_space<hbm>> -> memref<1x80x128xi32, #tpu.memory_space<hbm>>
      %dma_wait3A_53 = tpu.memref_squeeze %dma_wait3A_52 : memref<1x80x128xi32, #tpu.memory_space<hbm>> -> memref<80x128xi32, #tpu.memory_space<hbm>>
      tpu.wait_dma2 semaphore(%run_scoped3A : memref<!tpu.dma_semaphore, #tpu.memory_space<semaphore_mem>>) src(%dma_wait3A_53 : memref<80x128xi32, #tpu.memory_space<hbm>>) dst(%arg7 : memref<80x128xi32, #tpu.memory_space<vmem>>)
      tpu.yield
    }) : () -> ()
    %scan3A = arith.constant 0 : i32
    %scan3A_1 = arith.constant 0 : i32
    %scan3A_2 = arith.constant 79 : i32
    %scan3A_3 = arith.addi %scan3A_1, %scan3A_2 : i32
    %scan3A_4 = arith.constant 1 : i32
    %scan3A_5 = scf.for %scan3A_39 = %scan3A_1 to %scan3A_3 step %scan3A_4 iter_args(%scan3A_40 = %scan3A) -> (i32)  : i32 {
      %broadcast_in_dim3A = arith.constant 0.000000e+00 : f32
      %broadcast_in_dim3A_41 = vector.broadcast %broadcast_in_dim3A : f32 to vector<16xf32>
      %swap3A = arith.index_cast %scan3A_39 : i32 to index
      %swap3A_42 = arith.constant 0 : index
      %swap3A_43 = tpu.vector_load %arg10[%swap3A, %swap3A_42] {strides = array<i32>} : memref<79x64xf32, #tpu.memory_space<vmem>>, vector<1x16xf32>,
      %swap3A_44 = vector.shape_cast %swap3A_43 : vector<1x16xf32> to vector<16xf32>
      %swap3A_45 = vector.shape_cast %broadcast_in_dim3A_41 : vector<16xf32> to vector<1x16xf32>
      tpu.vector_store %arg10[%swap3A, %swap3A_42], %swap3A_45 {strides = array<i32>} : memref<79x64xf32, #tpu.memory_space<vmem>>, vector<1x16xf32>,
      %broadcast_in_dim3A_46 = arith.constant 0.000000e+00 : f32
      %broadcast_in_dim3A_47 = vector.broadcast %broadcast_in_dim3A_46 : f32 to vector<16xf32>
      %swap3A_48 = arith.index_cast %scan3A_39 : i32 to index
      %swap3A_49 = arith.constant 16 : index
      %swap3A_50 = tpu.vector_load %arg10[%swap3A_48, %swap3A_49] {strides = array<i32>} : memref<79x64xf32, #tpu.memory_space<vmem>>, vector<1x16xf32>,
      %swap3A_51 = vector.shape_cast %swap3A_50 : vector<1x16xf32> to vector<16xf32>
      %swap3A_52 = vector.shape_cast %broadcast_in_dim3A_47 : vector<16xf32> to vector<1x16xf32>
      tpu.vector_store %arg10[%swap3A_48, %swap3A_49], %swap3A_52 {strides = array<i32>} : memref<79x64xf32, #tpu.memory_space<vmem>>, vector<1x16xf32>,
      %broadcast_in_dim3A_53 = arith.constant 0.000000e+00 : f32
      %broadcast_in_dim3A_54 = vector.broadcast %broadcast_in_dim3A_53 : f32 to vector<16xf32>
      %swap3A_55 = arith.index_cast %scan3A_39 : i32 to index
      %swap3A_56 = arith.constant 32 : index
      %swap3A_57 = tpu.vector_load %arg10[%swap3A_55, %swap3A_56] {strides = array<i32>} : memref<79x64xf32, #tpu.memory_space<vmem>>, vector<1x16xf32>,
      %swap3A_58 = vector.shape_cast %swap3A_57 : vector<1x16xf32> to vector<16xf32>
      %swap3A_59 = vector.shape_cast %broadcast_in_dim3A_54 : vector<16xf32> to vector<1x16xf32>
      tpu.vector_store %arg10[%swap3A_55, %swap3A_56], %swap3A_59 {strides = array<i32>} : memref<79x64xf32, #tpu.memory_space<vmem>>, vector<1x16xf32>,
      %broadcast_in_dim3A_60 = arith.constant 0.000000e+00 : f32
      %broadcast_in_dim3A_61 = vector.broadcast %broadcast_in_dim3A_60 : f32 to vector<16xf32>
      %swap3A_62 = arith.index_cast %scan3A_39 : i32 to index
      %swap3A_63 = arith.constant 48 : index
      %swap3A_64 = tpu.vector_load %arg10[%swap3A_62, %swap3A_63] {strides = array<i32>} : memref<79x64xf32, #tpu.memory_space<vmem>>, vector<1x16xf32>,
      %swap3A_65 = vector.shape_cast %swap3A_64 : vector<1x16xf32> to vector<16xf32>
      %swap3A_66 = vector.shape_cast %broadcast_in_dim3A_61 : vector<16xf32> to vector<1x16xf32>
      tpu.vector_store %arg10[%swap3A_62, %swap3A_63], %swap3A_66 {strides = array<i32>} : memref<79x64xf32, #tpu.memory_space<vmem>>, vector<1x16xf32>,
      %scan3A_67 = arith.constant 0 : i32
      scf.yield %scan3A_67 : i32
    }
    %scan3A_6 = arith.constant 79 : i32
    %mul3A_7 = arith.constant 632 : i32
    %mul3A_8 = arith.muli %arg1, %mul3A_7 : i32
    %add3A_9 = arith.constant 0 : i32
    %add3A_10 = arith.addi %mul3A_8, %add3A_9 : i32
    "tpu.region"() ({
      %run_scoped3A = tpu.sem_alloc : memref<!tpu.dma_semaphore, #tpu.memory_space<semaphore_mem>>
      %dma_start3A_39 = arith.constant 0 : i32
      %dma_start3A_40 = tpu.memref_slice %arg11[%add3A_10, %dma_start3A_39] : memref<10112x64xf32, #tpu.memory_space<vmem_shared>> -> memref<79x64xf32, #tpu.memory_space<vmem_shared>>
      %dma_start3A_41 = arith.constant 0 : i32
      %dma_start3A_42 = tpu.memref_slice %arg11[%add3A_10, %dma_start3A_41] : memref<10112x64xf32, #tpu.memory_space<vmem_shared>> -> memref<79x64xf32, #tpu.memory_space<vmem_shared>>
      tpu.enqueue_dma source(%arg10 : memref<79x64xf32, #tpu.memory_space<vmem>>) target(%dma_start3A_42 : memref<79x64xf32, #tpu.memory_space<vmem_shared>>) target_semaphore(%run_scoped3A : memref<!tpu.dma_semaphore, #tpu.memory_space<semaphore_mem>>)
      %dma_wait3A = arith.constant 0 : i32
      %dma_wait3A_43 = tpu.memref_slice %arg11[%add3A_10, %dma_wait3A] : memref<10112x64xf32, #tpu.memory_space<vmem_shared>> -> memref<79x64xf32, #tpu.memory_space<vmem_shared>>
      %dma_wait3A_44 = arith.constant 0 : i32
      %dma_wait3A_45 = tpu.memref_slice %arg11[%add3A_10, %dma_wait3A_44] : memref<10112x64xf32, #tpu.memory_space<vmem_shared>> -> memref<79x64xf32, #tpu.memory_space<vmem_shared>>
      tpu.wait_dma2 semaphore(%run_scoped3A : memref<!tpu.dma_semaphore, #tpu.memory_space<semaphore_mem>>) src(%arg10 : memref<79x64xf32, #tpu.memory_space<vmem>>) dst(%dma_wait3A_45 : memref<79x64xf32, #tpu.memory_space<vmem_shared>>)
      tpu.yield
    }) : () -> ()
    %add3A_11 = arith.constant 79 : i32
    %add3A_12 = arith.addi %mul3A_8, %add3A_11 : i32
    "tpu.region"() ({
      %run_scoped3A = tpu.sem_alloc : memref<!tpu.dma_semaphore, #tpu.memory_space<semaphore_mem>>
      %dma_start3A_39 = arith.constant 0 : i32
      %dma_start3A_40 = tpu.memref_slice %arg11[%add3A_12, %dma_start3A_39] : memref<10112x64xf32, #tpu.memory_space<vmem_shared>> -> memref<79x64xf32, #tpu.memory_space<vmem_shared>>
      %dma_start3A_41 = arith.constant 0 : i32
      %dma_start3A_42 = tpu.memref_slice %arg11[%add3A_12, %dma_start3A_41] : memref<10112x64xf32, #tpu.memory_space<vmem_shared>> -> memref<79x64xf32, #tpu.memory_space<vmem_shared>>
      tpu.enqueue_dma source(%arg10 : memref<79x64xf32, #tpu.memory_space<vmem>>) target(%dma_start3A_42 : memref<79x64xf32, #tpu.memory_space<vmem_shared>>) target_semaphore(%run_scoped3A : memref<!tpu.dma_semaphore, #tpu.memory_space<semaphore_mem>>)
      %dma_wait3A = arith.constant 0 : i32
      %dma_wait3A_43 = tpu.memref_slice %arg11[%add3A_12, %dma_wait3A] : memref<10112x64xf32, #tpu.memory_space<vmem_shared>> -> memref<79x64xf32, #tpu.memory_space<vmem_shared>>
      %dma_wait3A_44 = arith.constant 0 : i32
      %dma_wait3A_45 = tpu.memref_slice %arg11[%add3A_12, %dma_wait3A_44] : memref<10112x64xf32, #tpu.memory_space<vmem_shared>> -> memref<79x64xf32, #tpu.memory_space<vmem_shared>>
      tpu.wait_dma2 semaphore(%run_scoped3A : memref<!tpu.dma_semaphore, #tpu.memory_space<semaphore_mem>>) src(%arg10 : memref<79x64xf32, #tpu.memory_space<vmem>>) dst(%dma_wait3A_45 : memref<79x64xf32, #tpu.memory_space<vmem_shared>>)
      tpu.yield
    }) : () -> ()
    %add3A_13 = arith.constant 158 : i32
    %add3A_14 = arith.addi %mul3A_8, %add3A_13 : i32
    "tpu.region"() ({
      %run_scoped3A = tpu.sem_alloc : memref<!tpu.dma_semaphore, #tpu.memory_space<semaphore_mem>>
      %dma_start3A_39 = arith.constant 0 : i32
      %dma_start3A_40 = tpu.memref_slice %arg11[%add3A_14, %dma_start3A_39] : memref<10112x64xf32, #tpu.memory_space<vmem_shared>> -> memref<79x64xf32, #tpu.memory_space<vmem_shared>>
      %dma_start3A_41 = arith.constant 0 : i32
      %dma_start3A_42 = tpu.memref_slice %arg11[%add3A_14, %dma_start3A_41] : memref<10112x64xf32, #tpu.memory_space<vmem_shared>> -> memref<79x64xf32, #tpu.memory_space<vmem_shared>>
      tpu.enqueue_dma source(%arg10 : memref<79x64xf32, #tpu.memory_space<vmem>>) target(%dma_start3A_42 : memref<79x64xf32, #tpu.memory_space<vmem_shared>>) target_semaphore(%run_scoped3A : memref<!tpu.dma_semaphore, #tpu.memory_space<semaphore_mem>>)
      %dma_wait3A = arith.constant 0 : i32
      %dma_wait3A_43 = tpu.memref_slice %arg11[%add3A_14, %dma_wait3A] : memref<10112x64xf32, #tpu.memory_space<vmem_shared>> -> memref<79x64xf32, #tpu.memory_space<vmem_shared>>
      %dma_wait3A_44 = arith.constant 0 : i32
      %dma_wait3A_45 = tpu.memref_slice %arg11[%add3A_14, %dma_wait3A_44] : memref<10112x64xf32, #tpu.memory_space<vmem_shared>> -> memref<79x64xf32, #tpu.memory_space<vmem_shared>>
      tpu.wait_dma2 semaphore(%run_scoped3A : memref<!tpu.dma_semaphore, #tpu.memory_space<semaphore_mem>>) src(%arg10 : memref<79x64xf32, #tpu.memory_space<vmem>>) dst(%dma_wait3A_45 : memref<79x64xf32, #tpu.memory_space<vmem_shared>>)
      tpu.yield
    }) : () -> ()
    %add3A_15 = arith.constant 237 : i32
    %add3A_16 = arith.addi %mul3A_8, %add3A_15 : i32
    "tpu.region"() ({
      %run_scoped3A = tpu.sem_alloc : memref<!tpu.dma_semaphore, #tpu.memory_space<semaphore_mem>>
      %dma_start3A_39 = arith.constant 0 : i32
      %dma_start3A_40 = tpu.memref_slice %arg11[%add3A_16, %dma_start3A_39] : memref<10112x64xf32, #tpu.memory_space<vmem_shared>> -> memref<79x64xf32, #tpu.memory_space<vmem_shared>>
      %dma_start3A_41 = arith.constant 0 : i32
      %dma_start3A_42 = tpu.memref_slice %arg11[%add3A_16, %dma_start3A_41] : memref<10112x64xf32, #tpu.memory_space<vmem_shared>> -> memref<79x64xf32, #tpu.memory_space<vmem_shared>>
      tpu.enqueue_dma source(%arg10 : memref<79x64xf32, #tpu.memory_space<vmem>>) target(%dma_start3A_42 : memref<79x64xf32, #tpu.memory_space<vmem_shared>>) target_semaphore(%run_scoped3A : memref<!tpu.dma_semaphore, #tpu.memory_space<semaphore_mem>>)
      %dma_wait3A = arith.constant 0 : i32
      %dma_wait3A_43 = tpu.memref_slice %arg11[%add3A_16, %dma_wait3A] : memref<10112x64xf32, #tpu.memory_space<vmem_shared>> -> memref<79x64xf32, #tpu.memory_space<vmem_shared>>
      %dma_wait3A_44 = arith.constant 0 : i32
      %dma_wait3A_45 = tpu.memref_slice %arg11[%add3A_16, %dma_wait3A_44] : memref<10112x64xf32, #tpu.memory_space<vmem_shared>> -> memref<79x64xf32, #tpu.memory_space<vmem_shared>>
      tpu.wait_dma2 semaphore(%run_scoped3A : memref<!tpu.dma_semaphore, #tpu.memory_space<semaphore_mem>>) src(%arg10 : memref<79x64xf32, #tpu.memory_space<vmem>>) dst(%dma_wait3A_45 : memref<79x64xf32, #tpu.memory_space<vmem_shared>>)
      tpu.yield
    }) : () -> ()
    %add3A_17 = arith.constant 316 : i32
    %add3A_18 = arith.addi %mul3A_8, %add3A_17 : i32
    "tpu.region"() ({
      %run_scoped3A = tpu.sem_alloc : memref<!tpu.dma_semaphore, #tpu.memory_space<semaphore_mem>>
      %dma_start3A_39 = arith.constant 0 : i32
      %dma_start3A_40 = tpu.memref_slice %arg11[%add3A_18, %dma_start3A_39] : memref<10112x64xf32, #tpu.memory_space<vmem_shared>> -> memref<79x64xf32, #tpu.memory_space<vmem_shared>>
      %dma_start3A_41 = arith.constant 0 : i32
      %dma_start3A_42 = tpu.memref_slice %arg11[%add3A_18, %dma_start3A_41] : memref<10112x64xf32, #tpu.memory_space<vmem_shared>> -> memref<79x64xf32, #tpu.memory_space<vmem_shared>>
      tpu.enqueue_dma source(%arg10 : memref<79x64xf32, #tpu.memory_space<vmem>>) target(%dma_start3A_42 : memref<79x64xf32, #tpu.memory_space<vmem_shared>>) target_semaphore(%run_scoped3A : memref<!tpu.dma_semaphore, #tpu.memory_space<semaphore_mem>>)
      %dma_wait3A = arith.constant 0 : i32
      %dma_wait3A_43 = tpu.memref_slice %arg11[%add3A_18, %dma_wait3A] : memref<10112x64xf32, #tpu.memory_space<vmem_shared>> -> memref<79x64xf32, #tpu.memory_space<vmem_shared>>
      %dma_wait3A_44 = arith.constant 0 : i32
      %dma_wait3A_45 = tpu.memref_slice %arg11[%add3A_18, %dma_wait3A_44] : memref<10112x64xf32, #tpu.memory_space<vmem_shared>> -> memref<79x64xf32, #tpu.memory_space<vmem_shared>>
      tpu.wait_dma2 semaphore(%run_scoped3A : memref<!tpu.dma_semaphore, #tpu.memory_space<semaphore_mem>>) src(%arg10 : memref<79x64xf32, #tpu.memory_space<vmem>>) dst(%dma_wait3A_45 : memref<79x64xf32, #tpu.memory_space<vmem_shared>>)
      tpu.yield
    }) : () -> ()
    %add3A_19 = arith.constant 395 : i32
    %add3A_20 = arith.addi %mul3A_8, %add3A_19 : i32
    "tpu.region"() ({
      %run_scoped3A = tpu.sem_alloc : memref<!tpu.dma_semaphore, #tpu.memory_space<semaphore_mem>>
      %dma_start3A_39 = arith.constant 0 : i32
      %dma_start3A_40 = tpu.memref_slice %arg11[%add3A_20, %dma_start3A_39] : memref<10112x64xf32, #tpu.memory_space<vmem_shared>> -> memref<79x64xf32, #tpu.memory_space<vmem_shared>>
      %dma_start3A_41 = arith.constant 0 : i32
      %dma_start3A_42 = tpu.memref_slice %arg11[%add3A_20, %dma_start3A_41] : memref<10112x64xf32, #tpu.memory_space<vmem_shared>> -> memref<79x64xf32, #tpu.memory_space<vmem_shared>>
      tpu.enqueue_dma source(%arg10 : memref<79x64xf32, #tpu.memory_space<vmem>>) target(%dma_start3A_42 : memref<79x64xf32, #tpu.memory_space<vmem_shared>>) target_semaphore(%run_scoped3A : memref<!tpu.dma_semaphore, #tpu.memory_space<semaphore_mem>>)
      %dma_wait3A = arith.constant 0 : i32
      %dma_wait3A_43 = tpu.memref_slice %arg11[%add3A_20, %dma_wait3A] : memref<10112x64xf32, #tpu.memory_space<vmem_shared>> -> memref<79x64xf32, #tpu.memory_space<vmem_shared>>
      %dma_wait3A_44 = arith.constant 0 : i32
      %dma_wait3A_45 = tpu.memref_slice %arg11[%add3A_20, %dma_wait3A_44] : memref<10112x64xf32, #tpu.memory_space<vmem_shared>> -> memref<79x64xf32, #tpu.memory_space<vmem_shared>>
      tpu.wait_dma2 semaphore(%run_scoped3A : memref<!tpu.dma_semaphore, #tpu.memory_space<semaphore_mem>>) src(%arg10 : memref<79x64xf32, #tpu.memory_space<vmem>>) dst(%dma_wait3A_45 : memref<79x64xf32, #tpu.memory_space<vmem_shared>>)
      tpu.yield
    }) : () -> ()
    %add3A_21 = arith.constant 474 : i32
    %add3A_22 = arith.addi %mul3A_8, %add3A_21 : i32
    "tpu.region"() ({
      %run_scoped3A = tpu.sem_alloc : memref<!tpu.dma_semaphore, #tpu.memory_space<semaphore_mem>>
      %dma_start3A_39 = arith.constant 0 : i32
      %dma_start3A_40 = tpu.memref_slice %arg11[%add3A_22, %dma_start3A_39] : memref<10112x64xf32, #tpu.memory_space<vmem_shared>> -> memref<79x64xf32, #tpu.memory_space<vmem_shared>>
      %dma_start3A_41 = arith.constant 0 : i32
      %dma_start3A_42 = tpu.memref_slice %arg11[%add3A_22, %dma_start3A_41] : memref<10112x64xf32, #tpu.memory_space<vmem_shared>> -> memref<79x64xf32, #tpu.memory_space<vmem_shared>>
      tpu.enqueue_dma source(%arg10 : memref<79x64xf32, #tpu.memory_space<vmem>>) target(%dma_start3A_42 : memref<79x64xf32, #tpu.memory_space<vmem_shared>>) target_semaphore(%run_scoped3A : memref<!tpu.dma_semaphore, #tpu.memory_space<semaphore_mem>>)
      %dma_wait3A = arith.constant 0 : i32
      %dma_wait3A_43 = tpu.memref_slice %arg11[%add3A_22, %dma_wait3A] : memref<10112x64xf32, #tpu.memory_space<vmem_shared>> -> memref<79x64xf32, #tpu.memory_space<vmem_shared>>
      %dma_wait3A_44 = arith.constant 0 : i32
      %dma_wait3A_45 = tpu.memref_slice %arg11[%add3A_22, %dma_wait3A_44] : memref<10112x64xf32, #tpu.memory_space<vmem_shared>> -> memref<79x64xf32, #tpu.memory_space<vmem_shared>>
      tpu.wait_dma2 semaphore(%run_scoped3A : memref<!tpu.dma_semaphore, #tpu.memory_space<semaphore_mem>>) src(%arg10 : memref<79x64xf32, #tpu.memory_space<vmem>>) dst(%dma_wait3A_45 : memref<79x64xf32, #tpu.memory_space<vmem_shared>>)
      tpu.yield
    }) : () -> ()
    %add3A_23 = arith.constant 553 : i32
    %add3A_24 = arith.addi %mul3A_8, %add3A_23 : i32
    "tpu.region"() ({
      %run_scoped3A = tpu.sem_alloc : memref<!tpu.dma_semaphore, #tpu.memory_space<semaphore_mem>>
      %dma_start3A_39 = arith.constant 0 : i32
      %dma_start3A_40 = tpu.memref_slice %arg11[%add3A_24, %dma_start3A_39] : memref<10112x64xf32, #tpu.memory_space<vmem_shared>> -> memref<79x64xf32, #tpu.memory_space<vmem_shared>>
      %dma_start3A_41 = arith.constant 0 : i32
      %dma_start3A_42 = tpu.memref_slice %arg11[%add3A_24, %dma_start3A_41] : memref<10112x64xf32, #tpu.memory_space<vmem_shared>> -> memref<79x64xf32, #tpu.memory_space<vmem_shared>>
      tpu.enqueue_dma source(%arg10 : memref<79x64xf32, #tpu.memory_space<vmem>>) target(%dma_start3A_42 : memref<79x64xf32, #tpu.memory_space<vmem_shared>>) target_semaphore(%run_scoped3A : memref<!tpu.dma_semaphore, #tpu.memory_space<semaphore_mem>>)
      %dma_wait3A = arith.constant 0 : i32
      %dma_wait3A_43 = tpu.memref_slice %arg11[%add3A_24, %dma_wait3A] : memref<10112x64xf32, #tpu.memory_space<vmem_shared>> -> memref<79x64xf32, #tpu.memory_space<vmem_shared>>
      %dma_wait3A_44 = arith.constant 0 : i32
      %dma_wait3A_45 = tpu.memref_slice %arg11[%add3A_24, %dma_wait3A_44] : memref<10112x64xf32, #tpu.memory_space<vmem_shared>> -> memref<79x64xf32, #tpu.memory_space<vmem_shared>>
      tpu.wait_dma2 semaphore(%run_scoped3A : memref<!tpu.dma_semaphore, #tpu.memory_space<semaphore_mem>>) src(%arg10 : memref<79x64xf32, #tpu.memory_space<vmem>>) dst(%dma_wait3A_45 : memref<79x64xf32, #tpu.memory_space<vmem_shared>>)
      tpu.yield
    }) : () -> ()
    %barrier3A = arith.constant 0 : index
    tpu.barrier barrier_id(%barrier3A)
    %dma_start3A = arith.constant 0 : i32
    %dma_start3A_25 = arith.constant 0 : i32
    %dma_start3A_26 = tpu.memref_slice %arg6[%dma_start3A, %dma_start3A_25] : memref<80x128xi32, #tpu.memory_space<vmem>> -> memref<1x128xi32, #tpu.memory_space<vmem>>
    %dma_start3A_27 = tpu.memref_squeeze %dma_start3A_26 : memref<1x128xi32, #tpu.memory_space<vmem>> -> memref<128xi32, #tpu.memory_space<vmem>>
    %dma_start3A_28 = arith.constant 0 : i32
    %dma_start3A_29 = arith.constant 0 : i32
    %dma_start3A_30 = tpu.memref_slice %arg2[%dma_start3A_28, %dma_start3A_29] : memref<10000x64xf32, #tpu.memory_space<hbm>> -> memref<10000x64xf32, #tpu.memory_space<hbm>>
    tpu.enqueue_indirect_dma source(%dma_start3A_30 : memref<10000x64xf32, #tpu.memory_space<hbm>>) target(%arg8 : memref<128x64xf32, #tpu.memory_space<vmem>>) offsets(%dma_start3A_27 : memref<128xi32, #tpu.memory_space<vmem>>) semaphore(%arg12 : memref<!tpu.dma_semaphore, #tpu.memory_space<semaphore_mem>>)
    %scan3A_31 = arith.constant 0 : i32
    %scan3A_32 = arith.constant 0 : i32
    %scan3A_33 = arith.constant 40 : i32
    %scan3A_34 = arith.addi %scan3A_32, %scan3A_33 : i32
    %scan3A_35 = arith.constant 1 : i32
    %scan3A_36 = scf.for %scan3A_39 = %scan3A_32 to %scan3A_34 step %scan3A_35 iter_args(%scan3A_40 = %scan3A_31) -> (i32)  : i32 {
      %mul3A_41 = arith.constant 2 : i32
      %mul3A_42 = arith.muli %mul3A_41, %scan3A_39 : i32
      %add3A_43 = arith.constant 1 : i32
      %add3A_44 = arith.addi %mul3A_42, %add3A_43 : i32
      %dma_start3A_45 = arith.constant 0 : i32
      %dma_start3A_46 = tpu.memref_slice %arg6[%add3A_44, %dma_start3A_45] : memref<80x128xi32, #tpu.memory_space<vmem>> -> memref<1x128xi32, #tpu.memory_space<vmem>>
      %dma_start3A_47 = tpu.memref_squeeze %dma_start3A_46 : memref<1x128xi32, #tpu.memory_space<vmem>> -> memref<128xi32, #tpu.memory_space<vmem>>
      %dma_start3A_48 = arith.constant 0 : i32
      %dma_start3A_49 = arith.constant 0 : i32
      %dma_start3A_50 = tpu.memref_slice %arg2[%dma_start3A_48, %dma_start3A_49] : memref<10000x64xf32, #tpu.memory_space<hbm>> -> memref<10000x64xf32, #tpu.memory_space<hbm>>
      tpu.enqueue_indirect_dma source(%dma_start3A_50 : memref<10000x64xf32, #tpu.memory_space<hbm>>) target(%arg9 : memref<128x64xf32, #tpu.memory_space<vmem>>) offsets(%dma_start3A_47 : memref<128xi32, #tpu.memory_space<vmem>>) semaphore(%arg13 : memref<!tpu.dma_semaphore, #tpu.memory_space<semaphore_mem>>)
      %dma_wait3A = arith.constant 0 : i32
      %dma_wait3A_51 = arith.constant 0 : i32
      %dma_wait3A_52 = tpu.memref_slice %arg6[%dma_wait3A, %dma_wait3A_51] : memref<80x128xi32, #tpu.memory_space<vmem>> -> memref<1x128xi32, #tpu.memory_space<vmem>>
      %dma_wait3A_53 = tpu.memref_squeeze %dma_wait3A_52 : memref<1x128xi32, #tpu.memory_space<vmem>> -> memref<128xi32, #tpu.memory_space<vmem>>
      %dma_wait3A_54 = arith.constant 0 : i32
      %dma_wait3A_55 = arith.constant 0 : i32
      %dma_wait3A_56 = tpu.memref_slice %arg2[%dma_wait3A_54, %dma_wait3A_55] : memref<10000x64xf32, #tpu.memory_space<hbm>> -> memref<10000x64xf32, #tpu.memory_space<hbm>>
      tpu.wait_indirect_dma semaphore(%arg12 : memref<!tpu.dma_semaphore, #tpu.memory_space<semaphore_mem>>) src(%dma_wait3A_56 : memref<10000x64xf32, #tpu.memory_space<hbm>>) dst(%arg8 : memref<128x64xf32, #tpu.memory_space<vmem>>)
      "tpu.region"() ({
        %run_scoped3A = tpu.sem_alloc : memref<!tpu.dma_semaphore, #tpu.memory_space<semaphore_mem>>
        %dma_start3A_71 = arith.constant 0 : i32
        %dma_start3A_72 = tpu.memref_slice %arg7[%mul3A_42, %dma_start3A_71] : memref<80x128xi32, #tpu.memory_space<vmem>> -> memref<1x128xi32, #tpu.memory_space<vmem>>
        %dma_start3A_73 = tpu.memref_squeeze %dma_start3A_72 : memref<1x128xi32, #tpu.memory_space<vmem>> -> memref<128xi32, #tpu.memory_space<vmem>>
        %dma_start3A_74 = arith.constant 0 : i32
        %dma_start3A_75 = arith.constant 0 : i32
        %dma_start3A_76 = tpu.memref_slice %arg11[%dma_start3A_74, %dma_start3A_75] : memref<10112x64xf32, #tpu.memory_space<vmem_shared>> -> memref<10112x64xf32, #tpu.memory_space<vmem_shared>>
        tpu.enqueue_indirect_dma source(%arg8 : memref<128x64xf32, #tpu.memory_space<vmem>>) target(%dma_start3A_76 : memref<10112x64xf32, #tpu.memory_space<vmem_shared>>) offsets(%dma_start3A_73 : memref<128xi32, #tpu.memory_space<vmem>>) semaphore(%run_scoped3A : memref<!tpu.dma_semaphore, #tpu.memory_space<semaphore_mem>>) {add = true}
        %dma_wait3A_77 = arith.constant 0 : i32
        %dma_wait3A_78 = tpu.memref_slice %arg7[%mul3A_42, %dma_wait3A_77] : memref<80x128xi32, #tpu.memory_space<vmem>> -> memref<1x128xi32, #tpu.memory_space<vmem>>
        %dma_wait3A_79 = tpu.memref_squeeze %dma_wait3A_78 : memref<1x128xi32, #tpu.memory_space<vmem>> -> memref<128xi32, #tpu.memory_space<vmem>>
        %dma_wait3A_80 = arith.constant 0 : i32
        %dma_wait3A_81 = arith.constant 0 : i32
        %dma_wait3A_82 = tpu.memref_slice %arg11[%dma_wait3A_80, %dma_wait3A_81] : memref<10112x64xf32, #tpu.memory_space<vmem_shared>> -> memref<10112x64xf32, #tpu.memory_space<vmem_shared>>
        tpu.wait_indirect_dma semaphore(%run_scoped3A : memref<!tpu.dma_semaphore, #tpu.memory_space<semaphore_mem>>) src(%arg8 : memref<128x64xf32, #tpu.memory_space<vmem>>) dst(%dma_wait3A_82 : memref<10112x64xf32, #tpu.memory_space<vmem_shared>>)
        tpu.yield
      }) : () -> ()
      %add3A_57 = arith.constant 2 : i32
      %add3A_58 = arith.addi %mul3A_42, %add3A_57 : i32
      %lt3A = arith.constant 80 : i32
      %lt3A_59 = arith.cmpi slt, %add3A_58, %lt3A : i32
      %convert_element_type3A = arith.extui %lt3A_59 : i1 to i32
      %cond3A = arith.constant 0 : i32
      %cond3A_60 = arith.cmpi ne, %convert_element_type3A, %cond3A : i32
      scf.if %cond3A_60 {
        %add3A_71 = arith.constant 2 : i32
        %add3A_72 = arith.addi %mul3A_42, %add3A_71 : i32
        %dma_start3A_73 = arith.constant 0 : i32
        %dma_start3A_74 = tpu.memref_slice %arg6[%add3A_72, %dma_start3A_73] : memref<80x128xi32, #tpu.memory_space<vmem>> -> memref<1x128xi32, #tpu.memory_space<vmem>>
        %dma_start3A_75 = tpu.memref_squeeze %dma_start3A_74 : memref<1x128xi32, #tpu.memory_space<vmem>> -> memref<128xi32, #tpu.memory_space<vmem>>
        %dma_start3A_76 = arith.constant 0 : i32
        %dma_start3A_77 = arith.constant 0 : i32
        %dma_start3A_78 = tpu.memref_slice %arg2[%dma_start3A_76, %dma_start3A_77] : memref<10000x64xf32, #tpu.memory_space<hbm>> -> memref<10000x64xf32, #tpu.memory_space<hbm>>
        tpu.enqueue_indirect_dma source(%dma_start3A_78 : memref<10000x64xf32, #tpu.memory_space<hbm>>) target(%arg8 : memref<128x64xf32, #tpu.memory_space<vmem>>) offsets(%dma_start3A_75 : memref<128xi32, #tpu.memory_space<vmem>>) semaphore(%arg12 : memref<!tpu.dma_semaphore, #tpu.memory_space<semaphore_mem>>)
      } else {
      }
      %dma_wait3A_61 = arith.constant 0 : i32
      %dma_wait3A_62 = arith.constant 0 : i32
      %dma_wait3A_63 = tpu.memref_slice %arg6[%dma_wait3A_61, %dma_wait3A_62] : memref<80x128xi32, #tpu.memory_space<vmem>> -> memref<1x128xi32, #tpu.memory_space<vmem>>
      %dma_wait3A_64 = tpu.memref_squeeze %dma_wait3A_63 : memref<1x128xi32, #tpu.memory_space<vmem>> -> memref<128xi32, #tpu.memory_space<vmem>>
      %dma_wait3A_65 = arith.constant 0 : i32
      %dma_wait3A_66 = arith.constant 0 : i32
      %dma_wait3A_67 = tpu.memref_slice %arg2[%dma_wait3A_65, %dma_wait3A_66] : memref<10000x64xf32, #tpu.memory_space<hbm>> -> memref<10000x64xf32, #tpu.memory_space<hbm>>
      tpu.wait_indirect_dma semaphore(%arg13 : memref<!tpu.dma_semaphore, #tpu.memory_space<semaphore_mem>>) src(%dma_wait3A_67 : memref<10000x64xf32, #tpu.memory_space<hbm>>) dst(%arg9 : memref<128x64xf32, #tpu.memory_space<vmem>>)
      %add3A_68 = arith.constant 1 : i32
      %add3A_69 = arith.addi %mul3A_42, %add3A_68 : i32
      "tpu.region"() ({
        %run_scoped3A = tpu.sem_alloc : memref<!tpu.dma_semaphore, #tpu.memory_space<semaphore_mem>>
        %dma_start3A_71 = arith.constant 0 : i32
        %dma_start3A_72 = tpu.memref_slice %arg7[%add3A_69, %dma_start3A_71] : memref<80x128xi32, #tpu.memory_space<vmem>> -> memref<1x128xi32, #tpu.memory_space<vmem>>
        %dma_start3A_73 = tpu.memref_squeeze %dma_start3A_72 : memref<1x128xi32, #tpu.memory_space<vmem>> -> memref<128xi32, #tpu.memory_space<vmem>>
        %dma_start3A_74 = arith.constant 0 : i32
        %dma_start3A_75 = arith.constant 0 : i32
        %dma_start3A_76 = tpu.memref_slice %arg11[%dma_start3A_74, %dma_start3A_75] : memref<10112x64xf32, #tpu.memory_space<vmem_shared>> -> memref<10112x64xf32, #tpu.memory_space<vmem_shared>>
        tpu.enqueue_indirect_dma source(%arg9 : memref<128x64xf32, #tpu.memory_space<vmem>>) target(%dma_start3A_76 : memref<10112x64xf32, #tpu.memory_space<vmem_shared>>) offsets(%dma_start3A_73 : memref<128xi32, #tpu.memory_space<vmem>>) semaphore(%run_scoped3A : memref<!tpu.dma_semaphore, #tpu.memory_space<semaphore_mem>>) {add = true}
        %dma_wait3A_77 = arith.constant 0 : i32
        %dma_wait3A_78 = tpu.memref_slice %arg7[%add3A_69, %dma_wait3A_77] : memref<80x128xi32, #tpu.memory_space<vmem>> -> memref<1x128xi32, #tpu.memory_space<vmem>>
        %dma_wait3A_79 = tpu.memref_squeeze %dma_wait3A_78 : memref<1x128xi32, #tpu.memory_space<vmem>> -> memref<128xi32, #tpu.memory_space<vmem>>
        %dma_wait3A_80 = arith.constant 0 : i32
        %dma_wait3A_81 = arith.constant 0 : i32
        %dma_wait3A_82 = tpu.memref_slice %arg11[%dma_wait3A_80, %dma_wait3A_81] : memref<10112x64xf32, #tpu.memory_space<vmem_shared>> -> memref<10112x64xf32, #tpu.memory_space<vmem_shared>>
        tpu.wait_indirect_dma semaphore(%run_scoped3A : memref<!tpu.dma_semaphore, #tpu.memory_space<semaphore_mem>>) src(%arg9 : memref<128x64xf32, #tpu.memory_space<vmem>>) dst(%dma_wait3A_82 : memref<10112x64xf32, #tpu.memory_space<vmem_shared>>)
        tpu.yield
      }) : () -> ()
      %scan3A_70 = arith.constant 0 : i32
      scf.yield %scan3A_70 : i32
    }
    %scan3A_37 = arith.constant 40 : i32
    %barrier3A_38 = arith.constant 0 : index
    tpu.barrier barrier_id(%barrier3A_38)
    "tpu.region"() ({
      %run_scoped3A = tpu.sem_alloc : memref<!tpu.dma_semaphore, #tpu.memory_space<semaphore_mem>>
      %dma_start3A_39 = arith.constant 0 : i32
      %dma_start3A_40 = tpu.memref_slice %arg5[%arg0, %mul3A_8, %dma_start3A_39] : memref<2x10112x64xf32, #tpu.memory_space<hbm>> -> memref<1x632x64xf32, #tpu.memory_space<hbm>>
      %dma_start3A_41 = tpu.memref_squeeze %dma_start3A_40 : memref<1x632x64xf32, #tpu.memory_space<hbm>> -> memref<632x64xf32, #tpu.memory_space<hbm>>
      %dma_start3A_42 = arith.constant 0 : i32
      %dma_start3A_43 = tpu.memref_slice %arg11[%mul3A_8, %dma_start3A_42] : memref<10112x64xf32, #tpu.memory_space<vmem_shared>> -> memref<632x64xf32, #tpu.memory_space<vmem_shared>>
      tpu.enqueue_dma source(%dma_start3A_43 : memref<632x64xf32, #tpu.memory_space<vmem_shared>>) target(%dma_start3A_41 : memref<632x64xf32, #tpu.memory_space<hbm>>) target_semaphore(%run_scoped3A : memref<!tpu.dma_semaphore, #tpu.memory_space<semaphore_mem>>)
      %dma_wait3A = arith.constant 0 : i32
      %dma_wait3A_44 = tpu.memref_slice %arg5[%arg0, %mul3A_8, %dma_wait3A] : memref<2x10112x64xf32, #tpu.memory_space<hbm>> -> memref<1x632x64xf32, #tpu.memory_space<hbm>>
      %dma_wait3A_45 = tpu.memref_squeeze %dma_wait3A_44 : memref<1x632x64xf32, #tpu.memory_space<hbm>> -> memref<632x64xf32, #tpu.memory_space<hbm>>
      %dma_wait3A_46 = arith.constant 0 : i32
      %dma_wait3A_47 = tpu.memref_slice %arg11[%mul3A_8, %dma_wait3A_46] : memref<10112x64xf32, #tpu.memory_space<vmem_shared>> -> memref<632x64xf32, #tpu.memory_space<vmem_shared>>
      tpu.wait_dma2 semaphore(%run_scoped3A : memref<!tpu.dma_semaphore, #tpu.memory_space<semaphore_mem>>) src(%dma_wait3A_47 : memref<632x64xf32, #tpu.memory_space<vmem_shared>>) dst(%dma_wait3A_45 : memref<632x64xf32, #tpu.memory_space<hbm>>)
      tpu.yield
    }) : () -> ()
    return
  }
}

module attributes {stable_mosaic.version = 14 : i64} {
  func.func @_proj_body(%arg0: i32, %arg1: memref<1000x128xf32, #tpu.memory_space<vmem>>, %arg2: memref<128x64xf32, #tpu.memory_space<vmem>>, %arg3: memref<1000x64xf32, #tpu.memory_space<vmem>>) attributes {dimension_semantics = [#tpu.dimension_semantics<arbitrary>], iteration_bounds = array<i64: 10>, scalar_prefetch = 0 : i64, scratch_operands = 0 : i64, tpu.core_type = #tpu.core_type<tc>, window_params = [{transform_indices = @transform_0, window_bounds = array<i64: 1000, 128>}, {pipeline_mode = #tpu.pipeline_mode<synchronous>, transform_indices = @transform_1, window_bounds = array<i64: 128, 64>}, {transform_indices = @transform_2, window_bounds = array<i64: 1000, 64>}]} {
    %get3A = arith.constant 0 : index
    %get3A_0 = arith.constant 0 : index
    %get3A_1 = vector.load %arg1[%get3A, %get3A_0] : memref<1000x128xf32, #tpu.memory_space<vmem>>, vector<1000x128xf32>
    %get3A_2 = arith.constant 0 : index
    %get3A_3 = arith.constant 0 : index
    %get3A_4 = vector.load %arg2[%get3A_2, %get3A_3] : memref<128x64xf32, #tpu.memory_space<vmem>>, vector<128x64xf32>
    %dot_general3A = arith.constant dense<0.000000e+00> : vector<1000x64xf32>
    %dot_general3A_5 = tpu.matmul %get3A_1, %get3A_4, %dot_general3A {dimension_numbers = #tpu.dot_dimension_numbers<[1], [0], [0], [1], [0, 0, 1, 1], [], []>, transpose_lhs_hint = false} : vector<1000x128xf32>, vector<128x64xf32>, vector<1000x64xf32> -> vector<1000x64xf32>
    %swap3A = arith.constant 0 : index
    %swap3A_6 = arith.constant 0 : index
    %swap3A_7 = vector.load %arg3[%swap3A, %swap3A_6] : memref<1000x64xf32, #tpu.memory_space<vmem>>, vector<1000x64xf32>
    tpu.vector_store %arg3[%swap3A, %swap3A_6], %dot_general3A_5 {strides = array<i32>} : memref<1000x64xf32, #tpu.memory_space<vmem>>, vector<1000x64xf32>,
    return
  }
  func.func @transform_0(%arg0: i32) -> (i32, i32) {
    %c0_i32 = arith.constant 0 : i32
    %c0_i32_0 = arith.constant 0 : i32
    return %arg0, %c0_i32 : i32, i32
  }
  func.func @transform_1(%arg0: i32) -> (i32, i32) {
    %c0_i32 = arith.constant 0 : i32
    %c0_i32_0 = arith.constant 0 : i32
    %c0_i32_1 = arith.constant 0 : i32
    return %c0_i32, %c0_i32_0 : i32, i32
  }
  func.func @transform_2(%arg0: i32) -> (i32, i32) {
    %c0_i32 = arith.constant 0 : i32
    %c0_i32_0 = arith.constant 0 : i32
    return %arg0, %c0_i32 : i32, i32
  }
}

module attributes {stable_mosaic.version = 14 : i64} {
  func.func @_mlp_body(%arg0: i32, %arg1: memref<1000x64xf32, #tpu.memory_space<vmem>>, %arg2: memref<1000x64xf32, #tpu.memory_space<vmem>>, %arg3: memref<1000x64xf32, #tpu.memory_space<vmem>>, %arg4: memref<1x1xf32, #tpu.memory_space<vmem>>, %arg5: memref<1x64xf32, #tpu.memory_space<vmem>>, %arg6: memref<64x64xf32, #tpu.memory_space<vmem>>, %arg7: memref<1x64xf32, #tpu.memory_space<vmem>>, %arg8: memref<1x64xf32, #tpu.memory_space<vmem>>, %arg9: memref<1x64xf32, #tpu.memory_space<vmem>>, %arg10: memref<64x64xf32, #tpu.memory_space<vmem>>, %arg11: memref<1000x64xf32, #tpu.memory_space<vmem>>, %arg12: memref<1000x64xf32, #tpu.memory_space<vmem>>) attributes {dimension_semantics = [#tpu.dimension_semantics<arbitrary>], iteration_bounds = array<i64: 10>, scalar_prefetch = 0 : i64, scratch_operands = 0 : i64, tpu.core_type = #tpu.core_type<tc>, window_params = [{transform_indices = @transform_0, window_bounds = array<i64: 1000, 64>}, {transform_indices = @transform_1, window_bounds = array<i64: 1000, 64>}, {transform_indices = @transform_2, window_bounds = array<i64: 1000, 64>}, {pipeline_mode = #tpu.pipeline_mode<synchronous>, transform_indices = @transform_3, window_bounds = array<i64: 1, 1>}, {pipeline_mode = #tpu.pipeline_mode<synchronous>, transform_indices = @transform_4, window_bounds = array<i64: 1, 64>}, {pipeline_mode = #tpu.pipeline_mode<synchronous>, transform_indices = @transform_5, window_bounds = array<i64: 64, 64>}, {pipeline_mode = #tpu.pipeline_mode<synchronous>, transform_indices = @transform_6, window_bounds = array<i64: 1, 64>}, {pipeline_mode = #tpu.pipeline_mode<synchronous>, transform_indices = @transform_7, window_bounds = array<i64: 1, 64>}, {pipeline_mode = #tpu.pipeline_mode<synchronous>, transform_indices = @transform_8, window_bounds = array<i64: 1, 64>}, {pipeline_mode = #tpu.pipeline_mode<synchronous>, transform_indices = @transform_9, window_bounds = array<i64: 64, 64>}, {transform_indices = @transform_10, window_bounds = array<i64: 1000, 64>}, {transform_indices = @transform_11, window_bounds = array<i64: 1000, 64>}]} {
    %get3A = arith.constant 0 : index
    %get3A_0 = arith.constant 0 : index
    %get3A_1 = vector.load %arg1[%get3A, %get3A_0] : memref<1000x64xf32, #tpu.memory_space<vmem>>, vector<1000x64xf32>
    %get3A_2 = arith.constant 0 : index
    %get3A_3 = arith.constant 0 : index
    %get3A_4 = vector.load %arg2[%get3A_2, %get3A_3] : memref<1000x64xf32, #tpu.memory_space<vmem>>, vector<1000x64xf32>
    %add3A = arith.addf %get3A_1, %get3A_4 : vector<1000x64xf32>
    %get3A_5 = arith.constant 0 : index
    %get3A_6 = arith.constant 0 : index
    %get3A_7 = vector.load %arg4[%get3A_5, %get3A_6] : memref<1x1xf32, #tpu.memory_space<vmem>>, vector<1x1xf32>
    %get3A_8 = vector.extract %get3A_7[0, 0] : f32 from vector<1x1xf32>
    %get3A_9 = arith.constant 0 : index
    %get3A_10 = arith.constant 0 : index
    %get3A_11 = vector.load %arg3[%get3A_9, %get3A_10] : memref<1000x64xf32, #tpu.memory_space<vmem>>, vector<1000x64xf32>
    %mul3A = vector.broadcast %get3A_8 : f32 to vector<1000x64xf32>
    %mul3A_12 = arith.mulf %mul3A, %get3A_11 : vector<1000x64xf32>
    %add3A_13 = arith.addf %add3A, %mul3A_12 : vector<1000x64xf32>
    %get3A_14 = arith.constant 0 : index
    %get3A_15 = arith.constant 0 : index
    %get3A_16 = vector.load %arg5[%get3A_14, %get3A_15] : memref<1x64xf32, #tpu.memory_space<vmem>>, vector<1x64xf32>
    %add3A_17 = vector.broadcast %get3A_16 : vector<1x64xf32> to vector<1000x64xf32>
    %add3A_18 = arith.addf %add3A_13, %add3A_17 : vector<1000x64xf32>
    %max3A = arith.constant 0.000000e+00 : f32
    %max3A_19 = vector.broadcast %max3A : f32 to vector<1000x64xf32>
    %max3A_20 = arith.maximumf %add3A_18, %max3A_19 : vector<1000x64xf32>
    %get3A_21 = arith.constant 0 : index
    %get3A_22 = arith.constant 0 : index
    %get3A_23 = vector.load %arg6[%get3A_21, %get3A_22] : memref<64x64xf32, #tpu.memory_space<vmem>>, vector<64x64xf32>
    %dot_general3A = arith.constant dense<0.000000e+00> : vector<1000x64xf32>
    %dot_general3A_24 = tpu.matmul %max3A_20, %get3A_23, %dot_general3A {dimension_numbers = #tpu.dot_dimension_numbers<[1], [0], [0], [1], [0, 0, 1, 1], [], []>, transpose_lhs_hint = false} : vector<1000x64xf32>, vector<64x64xf32>, vector<1000x64xf32> -> vector<1000x64xf32>
    %get3A_25 = arith.constant 0 : index
    %get3A_26 = arith.constant 0 : index
    %get3A_27 = vector.load %arg7[%get3A_25, %get3A_26] : memref<1x64xf32, #tpu.memory_space<vmem>>, vector<1x64xf32>
    %add3A_28 = vector.broadcast %get3A_27 : vector<1x64xf32> to vector<1000x64xf32>
    %add3A_29 = arith.addf %dot_general3A_24, %add3A_28 : vector<1000x64xf32>
    %max3A_30 = arith.constant 0.000000e+00 : f32
    %max3A_31 = vector.broadcast %max3A_30 : f32 to vector<1000x64xf32>
    %max3A_32 = arith.maximumf %add3A_29, %max3A_31 : vector<1000x64xf32>
    %get3A_33 = arith.constant 0 : index
    %get3A_34 = arith.constant 0 : index
    %get3A_35 = vector.load %arg8[%get3A_33, %get3A_34] : memref<1x64xf32, #tpu.memory_space<vmem>>, vector<1x64xf32>
    %mul3A_36 = vector.broadcast %get3A_35 : vector<1x64xf32> to vector<1000x64xf32>
    %mul3A_37 = arith.mulf %max3A_32, %mul3A_36 : vector<1000x64xf32>
    %get3A_38 = arith.constant 0 : index
    %get3A_39 = arith.constant 0 : index
    %get3A_40 = vector.load %arg9[%get3A_38, %get3A_39] : memref<1x64xf32, #tpu.memory_space<vmem>>, vector<1x64xf32>
    %add3A_41 = vector.broadcast %get3A_40 : vector<1x64xf32> to vector<1000x64xf32>
    %add3A_42 = arith.addf %mul3A_37, %add3A_41 : vector<1000x64xf32>
    %max3A_43 = arith.constant 0.000000e+00 : f32
    %max3A_44 = vector.broadcast %max3A_43 : f32 to vector<1000x64xf32>
    %max3A_45 = arith.maximumf %add3A_42, %max3A_44 : vector<1000x64xf32>
    %swap3A = arith.constant 0 : index
    %swap3A_46 = arith.constant 0 : index
    %swap3A_47 = vector.load %arg11[%swap3A, %swap3A_46] : memref<1000x64xf32, #tpu.memory_space<vmem>>, vector<1000x64xf32>
    tpu.vector_store %arg11[%swap3A, %swap3A_46], %max3A_45 {strides = array<i32>} : memref<1000x64xf32, #tpu.memory_space<vmem>>, vector<1000x64xf32>,
    %get3A_48 = arith.constant 0 : index
    %get3A_49 = arith.constant 0 : index
    %get3A_50 = vector.load %arg10[%get3A_48, %get3A_49] : memref<64x64xf32, #tpu.memory_space<vmem>>, vector<64x64xf32>
    %dot_general3A_51 = arith.constant dense<0.000000e+00> : vector<1000x64xf32>
    %dot_general3A_52 = tpu.matmul %max3A_45, %get3A_50, %dot_general3A_51 {dimension_numbers = #tpu.dot_dimension_numbers<[1], [0], [0], [1], [0, 0, 1, 1], [], []>, transpose_lhs_hint = false} : vector<1000x64xf32>, vector<64x64xf32>, vector<1000x64xf32> -> vector<1000x64xf32>
    %swap3A_53 = arith.constant 0 : index
    %swap3A_54 = arith.constant 0 : index
    %swap3A_55 = vector.load %arg12[%swap3A_53, %swap3A_54] : memref<1000x64xf32, #tpu.memory_space<vmem>>, vector<1000x64xf32>
    tpu.vector_store %arg12[%swap3A_53, %swap3A_54], %dot_general3A_52 {strides = array<i32>} : memref<1000x64xf32, #tpu.memory_space<vmem>>, vector<1000x64xf32>,
    return
  }
  func.func @transform_0(%arg0: i32) -> (i32, i32) {
    %c0_i32 = arith.constant 0 : i32
    %c0_i32_0 = arith.constant 0 : i32
    return %arg0, %c0_i32 : i32, i32
  }
  func.func @transform_1(%arg0: i32) -> (i32, i32) {
    %c0_i32 = arith.constant 0 : i32
    %c0_i32_0 = arith.constant 0 : i32
    return %arg0, %c0_i32 : i32, i32
  }
  func.func @transform_2(%arg0: i32) -> (i32, i32) {
    %c0_i32 = arith.constant 0 : i32
    %c0_i32_0 = arith.constant 0 : i32
    return %arg0, %c0_i32 : i32, i32
  }
  func.func @transform_3(%arg0: i32) -> (i32, i32) {
    %c0_i32 = arith.constant 0 : i32
    %c0_i32_0 = arith.constant 0 : i32
    %c0_i32_1 = arith.constant 0 : i32
    return %c0_i32, %c0_i32_0 : i32, i32
  }
  func.func @transform_4(%arg0: i32) -> (i32, i32) {
    %c0_i32 = arith.constant 0 : i32
    %c0_i32_0 = arith.constant 0 : i32
    %c0_i32_1 = arith.constant 0 : i32
    return %c0_i32, %c0_i32_0 : i32, i32
  }
  func.func @transform_5(%arg0: i32) -> (i32, i32) {
    %c0_i32 = arith.constant 0 : i32
    %c0_i32_0 = arith.constant 0 : i32
    %c0_i32_1 = arith.constant 0 : i32
    return %c0_i32, %c0_i32_0 : i32, i32
  }
  func.func @transform_6(%arg0: i32) -> (i32, i32) {
    %c0_i32 = arith.constant 0 : i32
    %c0_i32_0 = arith.constant 0 : i32
    %c0_i32_1 = arith.constant 0 : i32
    return %c0_i32, %c0_i32_0 : i32, i32
  }
  func.func @transform_7(%arg0: i32) -> (i32, i32) {
    %c0_i32 = arith.constant 0 : i32
    %c0_i32_0 = arith.constant 0 : i32
    %c0_i32_1 = arith.constant 0 : i32
    return %c0_i32, %c0_i32_0 : i32, i32
  }
  func.func @transform_8(%arg0: i32) -> (i32, i32) {
    %c0_i32 = arith.constant 0 : i32
    %c0_i32_0 = arith.constant 0 : i32
    %c0_i32_1 = arith.constant 0 : i32
    return %c0_i32, %c0_i32_0 : i32, i32
  }
  func.func @transform_9(%arg0: i32) -> (i32, i32) {
    %c0_i32 = arith.constant 0 : i32
    %c0_i32_0 = arith.constant 0 : i32
    %c0_i32_1 = arith.constant 0 : i32
    return %c0_i32, %c0_i32_0 : i32, i32
  }
  func.func @transform_10(%arg0: i32) -> (i32, i32) {
    %c0_i32 = arith.constant 0 : i32
    %c0_i32_0 = arith.constant 0 : i32
    return %arg0, %c0_i32 : i32, i32
  }
  func.func @transform_11(%arg0: i32) -> (i32, i32) {
    %c0_i32 = arith.constant 0 : i32
    %c0_i32_0 = arith.constant 0 : i32
    return %arg0, %c0_i32 : i32, i32
  }
}

module attributes {stable_mosaic.version = 14 : i64} {
  func.func @_mlp_pool_body(%arg0: i32, %arg1: memref<1000x64xf32, #tpu.memory_space<vmem>>, %arg2: memref<1000x64xf32, #tpu.memory_space<vmem>>, %arg3: memref<1000x64xf32, #tpu.memory_space<vmem>>, %arg4: memref<1x1xf32, #tpu.memory_space<vmem>>, %arg5: memref<1x64xf32, #tpu.memory_space<vmem>>, %arg6: memref<64x64xf32, #tpu.memory_space<vmem>>, %arg7: memref<1x64xf32, #tpu.memory_space<vmem>>, %arg8: memref<1x64xf32, #tpu.memory_space<vmem>>, %arg9: memref<1x64xf32, #tpu.memory_space<vmem>>, %arg10: memref<1x1x1000xi32, #tpu.memory_space<vmem>>, %arg11: memref<1000x64xf32, #tpu.memory_space<vmem>>, %arg12: memref<128x65xf32, #tpu.memory_space<vmem>>) attributes {dimension_semantics = [#tpu.dimension_semantics<arbitrary>], iteration_bounds = array<i64: 10>, scalar_prefetch = 0 : i64, scratch_operands = 0 : i64, tpu.core_type = #tpu.core_type<tc>, window_params = [{transform_indices = @transform_0, window_bounds = array<i64: 1000, 64>}, {transform_indices = @transform_1, window_bounds = array<i64: 1000, 64>}, {transform_indices = @transform_2, window_bounds = array<i64: 1000, 64>}, {pipeline_mode = #tpu.pipeline_mode<synchronous>, transform_indices = @transform_3, window_bounds = array<i64: 1, 1>}, {pipeline_mode = #tpu.pipeline_mode<synchronous>, transform_indices = @transform_4, window_bounds = array<i64: 1, 64>}, {pipeline_mode = #tpu.pipeline_mode<synchronous>, transform_indices = @transform_5, window_bounds = array<i64: 64, 64>}, {pipeline_mode = #tpu.pipeline_mode<synchronous>, transform_indices = @transform_6, window_bounds = array<i64: 1, 64>}, {pipeline_mode = #tpu.pipeline_mode<synchronous>, transform_indices = @transform_7, window_bounds = array<i64: 1, 64>}, {pipeline_mode = #tpu.pipeline_mode<synchronous>, transform_indices = @transform_8, window_bounds = array<i64: 1, 64>}, {transform_indices = @transform_9, window_bounds = array<i64: 1, 1, 1000>}, {transform_indices = @transform_10, window_bounds = array<i64: 1000, 64>}, {pipeline_mode = #tpu.pipeline_mode<synchronous>, transform_indices = @transform_11, window_bounds = array<i64: 128, 65>}]} {
    %get3A = arith.constant 0 : index
    %get3A_0 = arith.constant 0 : index
    %get3A_1 = vector.load %arg1[%get3A, %get3A_0] : memref<1000x64xf32, #tpu.memory_space<vmem>>, vector<1000x64xf32>
    %get3A_2 = arith.constant 0 : index
    %get3A_3 = arith.constant 0 : index
    %get3A_4 = vector.load %arg2[%get3A_2, %get3A_3] : memref<1000x64xf32, #tpu.memory_space<vmem>>, vector<1000x64xf32>
    %add3A = arith.addf %get3A_1, %get3A_4 : vector<1000x64xf32>
    %get3A_5 = arith.constant 0 : index
    %get3A_6 = arith.constant 0 : index
    %get3A_7 = vector.load %arg4[%get3A_5, %get3A_6] : memref<1x1xf32, #tpu.memory_space<vmem>>, vector<1x1xf32>
    %get3A_8 = vector.extract %get3A_7[0, 0] : f32 from vector<1x1xf32>
    %get3A_9 = arith.constant 0 : index
    %get3A_10 = arith.constant 0 : index
    %get3A_11 = vector.load %arg3[%get3A_9, %get3A_10] : memref<1000x64xf32, #tpu.memory_space<vmem>>, vector<1000x64xf32>
    %mul3A = vector.broadcast %get3A_8 : f32 to vector<1000x64xf32>
    %mul3A_12 = arith.mulf %mul3A, %get3A_11 : vector<1000x64xf32>
    %add3A_13 = arith.addf %add3A, %mul3A_12 : vector<1000x64xf32>
    %get3A_14 = arith.constant 0 : index
    %get3A_15 = arith.constant 0 : index
    %get3A_16 = vector.load %arg5[%get3A_14, %get3A_15] : memref<1x64xf32, #tpu.memory_space<vmem>>, vector<1x64xf32>
    %add3A_17 = vector.broadcast %get3A_16 : vector<1x64xf32> to vector<1000x64xf32>
    %add3A_18 = arith.addf %add3A_13, %add3A_17 : vector<1000x64xf32>
    %max3A = arith.constant 0.000000e+00 : f32
    %max3A_19 = vector.broadcast %max3A : f32 to vector<1000x64xf32>
    %max3A_20 = arith.maximumf %add3A_18, %max3A_19 : vector<1000x64xf32>
    %get3A_21 = arith.constant 0 : index
    %get3A_22 = arith.constant 0 : index
    %get3A_23 = vector.load %arg6[%get3A_21, %get3A_22] : memref<64x64xf32, #tpu.memory_space<vmem>>, vector<64x64xf32>
    %dot_general3A = arith.constant dense<0.000000e+00> : vector<1000x64xf32>
    %dot_general3A_24 = tpu.matmul %max3A_20, %get3A_23, %dot_general3A {dimension_numbers = #tpu.dot_dimension_numbers<[1], [0], [0], [1], [0, 0, 1, 1], [], []>, transpose_lhs_hint = false} : vector<1000x64xf32>, vector<64x64xf32>, vector<1000x64xf32> -> vector<1000x64xf32>
    %get3A_25 = arith.constant 0 : index
    %get3A_26 = arith.constant 0 : index
    %get3A_27 = vector.load %arg7[%get3A_25, %get3A_26] : memref<1x64xf32, #tpu.memory_space<vmem>>, vector<1x64xf32>
    %add3A_28 = vector.broadcast %get3A_27 : vector<1x64xf32> to vector<1000x64xf32>
    %add3A_29 = arith.addf %dot_general3A_24, %add3A_28 : vector<1000x64xf32>
    %max3A_30 = arith.constant 0.000000e+00 : f32
    %max3A_31 = vector.broadcast %max3A_30 : f32 to vector<1000x64xf32>
    %max3A_32 = arith.maximumf %add3A_29, %max3A_31 : vector<1000x64xf32>
    %get3A_33 = arith.constant 0 : index
    %get3A_34 = arith.constant 0 : index
    %get3A_35 = vector.load %arg8[%get3A_33, %get3A_34] : memref<1x64xf32, #tpu.memory_space<vmem>>, vector<1x64xf32>
    %mul3A_36 = vector.broadcast %get3A_35 : vector<1x64xf32> to vector<1000x64xf32>
    %mul3A_37 = arith.mulf %max3A_32, %mul3A_36 : vector<1000x64xf32>
    %get3A_38 = arith.constant 0 : index
    %get3A_39 = arith.constant 0 : index
    %get3A_40 = vector.load %arg9[%get3A_38, %get3A_39] : memref<1x64xf32, #tpu.memory_space<vmem>>, vector<1x64xf32>
    %add3A_41 = vector.broadcast %get3A_40 : vector<1x64xf32> to vector<1000x64xf32>
    %add3A_42 = arith.addf %mul3A_37, %add3A_41 : vector<1000x64xf32>
    %max3A_43 = arith.constant 0.000000e+00 : f32
    %max3A_44 = vector.broadcast %max3A_43 : f32 to vector<1000x64xf32>
    %max3A_45 = arith.maximumf %add3A_42, %max3A_44 : vector<1000x64xf32>
    %swap3A = arith.constant 0 : index
    %swap3A_46 = arith.constant 0 : index
    %swap3A_47 = vector.load %arg11[%swap3A, %swap3A_46] : memref<1000x64xf32, #tpu.memory_space<vmem>>, vector<1000x64xf32>
    tpu.vector_store %arg11[%swap3A, %swap3A_46], %max3A_45 {strides = array<i32>} : memref<1000x64xf32, #tpu.memory_space<vmem>>, vector<1000x64xf32>,
    %get3A_48 = arith.constant 0 : index
    %get3A_49 = arith.constant 0 : index
    %get3A_50 = arith.constant 0 : index
    %get3A_51 = vector.load %arg10[%get3A_48, %get3A_49, %get3A_50] : memref<1x1x1000xi32, #tpu.memory_space<vmem>>, vector<1x1x1000xi32>
    %get3A_52 = vector.shape_cast %get3A_51 : vector<1x1x1000xi32> to vector<1000xi32>
    %broadcast_in_dim3A = vector.shape_cast %get3A_52 : vector<1000xi32> to vector<1x1000xi32>
    %iota3A = tpu.iota {dimensions = array<i32: 0>} : vector<128x1000xi32>
    %eq3A = vector.broadcast %broadcast_in_dim3A : vector<1x1000xi32> to vector<128x1000xi32>
    %eq3A_53 = arith.cmpi eq, %eq3A, %iota3A : vector<128x1000xi32>
    %convert_element_type3A = arith.extui %eq3A_53 : vector<128x1000xi1> to vector<128x1000xi32>
    %convert_element_type3A_54 = arith.sitofp %convert_element_type3A : vector<128x1000xi32> to vector<128x1000xf32>
    %broadcast_in_dim3A_55 = arith.constant 1.000000e+00 : f32
    %broadcast_in_dim3A_56 = vector.broadcast %broadcast_in_dim3A_55 : f32 to vector<1000x1xf32>
    %concatenate3A = tpu.concatenate %max3A_45, %broadcast_in_dim3A_56 in 1 : vector<1000x64xf32>, vector<1000x1xf32> -> vector<1000x65xf32>
    %eq3A_57 = arith.constant 0 : i32
    %eq3A_58 = arith.cmpi eq, %arg0, %eq3A_57 : i32
    %convert_element_type3A_59 = arith.extui %eq3A_58 : i1 to i32
    %cond3A = arith.constant 0 : i32
    %cond3A_60 = arith.cmpi ne, %convert_element_type3A_59, %cond3A : i32
    scf.if %cond3A_60 {
      %broadcast_in_dim3A_70 = arith.constant 0.000000e+00 : f32
      %broadcast_in_dim3A_71 = vector.broadcast %broadcast_in_dim3A_70 : f32 to vector<128x65xf32>
      %swap3A_72 = arith.constant 0 : index
      %swap3A_73 = arith.constant 0 : index
      %swap3A_74 = vector.load %arg12[%swap3A_72, %swap3A_73] : memref<128x65xf32, #tpu.memory_space<vmem>>, vector<128x65xf32>
      tpu.vector_store %arg12[%swap3A_72, %swap3A_73], %broadcast_in_dim3A_71 {strides = array<i32>} : memref<128x65xf32, #tpu.memory_space<vmem>>, vector<128x65xf32>,
    } else {
    }
    %get3A_61 = arith.constant 0 : index
    %get3A_62 = arith.constant 0 : index
    %get3A_63 = vector.load %arg12[%get3A_61, %get3A_62] : memref<128x65xf32, #tpu.memory_space<vmem>>, vector<128x65xf32>
    %dot_general3A_64 = arith.constant dense<0.000000e+00> : vector<128x65xf32>
    %dot_general3A_65 = tpu.matmul %convert_element_type3A_54, %concatenate3A, %dot_general3A_64 {dimension_numbers = #tpu.dot_dimension_numbers<[1], [0], [0], [1], [0, 0, 1, 1], [], []>, transpose_lhs_hint = false} : vector<128x1000xf32>, vector<1000x65xf32>, vector<128x65xf32> -> vector<128x65xf32>
    %add3A_66 = arith.addf %get3A_63, %dot_general3A_65 : vector<128x65xf32>
    %swap3A_67 = arith.constant 0 : index
    %swap3A_68 = arith.constant 0 : index
    %swap3A_69 = vector.load %arg12[%swap3A_67, %swap3A_68] : memref<128x65xf32, #tpu.memory_space<vmem>>, vector<128x65xf32>
    tpu.vector_store %arg12[%swap3A_67, %swap3A_68], %add3A_66 {strides = array<i32>} : memref<128x65xf32, #tpu.memory_space<vmem>>, vector<128x65xf32>,
    return
  }
  func.func @transform_0(%arg0: i32) -> (i32, i32) {
    %c0_i32 = arith.constant 0 : i32
    %c0_i32_0 = arith.constant 0 : i32
    return %arg0, %c0_i32 : i32, i32
  }
  func.func @transform_1(%arg0: i32) -> (i32, i32) {
    %c0_i32 = arith.constant 0 : i32
    %c0_i32_0 = arith.constant 0 : i32
    return %arg0, %c0_i32 : i32, i32
  }
  func.func @transform_2(%arg0: i32) -> (i32, i32) {
    %c0_i32 = arith.constant 0 : i32
    %c0_i32_0 = arith.constant 0 : i32
    return %arg0, %c0_i32 : i32, i32
  }
  func.func @transform_3(%arg0: i32) -> (i32, i32) {
    %c0_i32 = arith.constant 0 : i32
    %c0_i32_0 = arith.constant 0 : i32
    %c0_i32_1 = arith.constant 0 : i32
    return %c0_i32, %c0_i32_0 : i32, i32
  }
  func.func @transform_4(%arg0: i32) -> (i32, i32) {
    %c0_i32 = arith.constant 0 : i32
    %c0_i32_0 = arith.constant 0 : i32
    %c0_i32_1 = arith.constant 0 : i32
    return %c0_i32, %c0_i32_0 : i32, i32
  }
  func.func @transform_5(%arg0: i32) -> (i32, i32) {
    %c0_i32 = arith.constant 0 : i32
    %c0_i32_0 = arith.constant 0 : i32
    %c0_i32_1 = arith.constant 0 : i32
    return %c0_i32, %c0_i32_0 : i32, i32
  }
  func.func @transform_6(%arg0: i32) -> (i32, i32) {
    %c0_i32 = arith.constant 0 : i32
    %c0_i32_0 = arith.constant 0 : i32
    %c0_i32_1 = arith.constant 0 : i32
    return %c0_i32, %c0_i32_0 : i32, i32
  }
  func.func @transform_7(%arg0: i32) -> (i32, i32) {
    %c0_i32 = arith.constant 0 : i32
    %c0_i32_0 = arith.constant 0 : i32
    %c0_i32_1 = arith.constant 0 : i32
    return %c0_i32, %c0_i32_0 : i32, i32
  }
  func.func @transform_8(%arg0: i32) -> (i32, i32) {
    %c0_i32 = arith.constant 0 : i32
    %c0_i32_0 = arith.constant 0 : i32
    %c0_i32_1 = arith.constant 0 : i32
    return %c0_i32, %c0_i32_0 : i32, i32
  }
  func.func @transform_9(%arg0: i32) -> (i32, i32, i32) {
    %c0_i32 = arith.constant 0 : i32
    %c0_i32_0 = arith.constant 0 : i32
    %c0_i32_1 = arith.constant 0 : i32
    return %arg0, %c0_i32, %c0_i32_0 : i32, i32, i32
  }
  func.func @transform_10(%arg0: i32) -> (i32, i32) {
    %c0_i32 = arith.constant 0 : i32
    %c0_i32_0 = arith.constant 0 : i32
    return %arg0, %c0_i32 : i32, i32
  }
  func.func @transform_11(%arg0: i32) -> (i32, i32) {
    %c0_i32 = arith.constant 0 : i32
    %c0_i32_0 = arith.constant 0 : i32
    %c0_i32_1 = arith.constant 0 : i32
    return %c0_i32, %c0_i32_0 : i32, i32
  }
}

module attributes {stable_mosaic.version = 14 : i64} {
  func.func @_heads_body(%arg0: memref<128x65xf32, #tpu.memory_space<vmem>>, %arg1: memref<64x64xf32, #tpu.memory_space<vmem>>, %arg2: memref<1x64xf32, #tpu.memory_space<vmem>>, %arg3: memref<64x10xf32, #tpu.memory_space<vmem>>, %arg4: memref<1x10xf32, #tpu.memory_space<vmem>>, %arg5: memref<64x64xf32, #tpu.memory_space<vmem>>, %arg6: memref<1x64xf32, #tpu.memory_space<vmem>>, %arg7: memref<64x10xf32, #tpu.memory_space<vmem>>, %arg8: memref<1x10xf32, #tpu.memory_space<vmem>>, %arg9: memref<128x64xf32, #tpu.memory_space<vmem>>, %arg10: memref<128x10xf32, #tpu.memory_space<vmem>>, %arg11: memref<128x10xf32, #tpu.memory_space<vmem>>) attributes {dimension_semantics = [], scalar_prefetch = 0 : i64, scratch_operands = 0 : i64, tpu.core_type = #tpu.core_type<tc>} {
    %get3A = arith.constant 0 : index
    %get3A_0 = arith.constant 0 : index
    %get3A_1 = vector.load %arg0[%get3A, %get3A_0] : memref<128x65xf32, #tpu.memory_space<vmem>>, vector<128x64xf32>
    %get3A_2 = arith.constant 0 : index
    %get3A_3 = arith.constant 64 : index
    %get3A_4 = vector.load %arg0[%get3A_2, %get3A_3] : memref<128x65xf32, #tpu.memory_space<vmem>>, vector<128x1xf32>
    %max3A = arith.constant 1.000000e+00 : f32
    %max3A_5 = vector.broadcast %max3A : f32 to vector<128x1xf32>
    %max3A_6 = arith.maximumf %get3A_4, %max3A_5 : vector<128x1xf32>
    %div3A = vector.broadcast %max3A_6 : vector<128x1xf32> to vector<128x64xf32>
    %div3A_7 = arith.divf %get3A_1, %div3A : vector<128x64xf32>
    %swap3A = arith.constant 0 : index
    %swap3A_8 = arith.constant 0 : index
    %swap3A_9 = vector.load %arg9[%swap3A, %swap3A_8] : memref<128x64xf32, #tpu.memory_space<vmem>>, vector<128x64xf32>
    tpu.vector_store %arg9[%swap3A, %swap3A_8], %div3A_7 {strides = array<i32>} : memref<128x64xf32, #tpu.memory_space<vmem>>, vector<128x64xf32>,
    %get3A_10 = arith.constant 0 : index
    %get3A_11 = arith.constant 0 : index
    %get3A_12 = vector.load %arg1[%get3A_10, %get3A_11] : memref<64x64xf32, #tpu.memory_space<vmem>>, vector<64x64xf32>
    %dot_general3A = arith.constant dense<0.000000e+00> : vector<128x64xf32>
    %dot_general3A_13 = tpu.matmul %div3A_7, %get3A_12, %dot_general3A {dimension_numbers = #tpu.dot_dimension_numbers<[1], [0], [0], [1], [0, 0, 1, 1], [], []>, transpose_lhs_hint = false} : vector<128x64xf32>, vector<64x64xf32>, vector<128x64xf32> -> vector<128x64xf32>
    %get3A_14 = arith.constant 0 : index
    %get3A_15 = arith.constant 0 : index
    %get3A_16 = vector.load %arg2[%get3A_14, %get3A_15] : memref<1x64xf32, #tpu.memory_space<vmem>>, vector<1x64xf32>
    %add3A = vector.broadcast %get3A_16 : vector<1x64xf32> to vector<128x64xf32>
    %add3A_17 = arith.addf %dot_general3A_13, %add3A : vector<128x64xf32>
    %max3A_18 = arith.constant 0.000000e+00 : f32
    %max3A_19 = vector.broadcast %max3A_18 : f32 to vector<128x64xf32>
    %max3A_20 = arith.maximumf %add3A_17, %max3A_19 : vector<128x64xf32>
    %get3A_21 = arith.constant 0 : index
    %get3A_22 = arith.constant 0 : index
    %get3A_23 = vector.load %arg3[%get3A_21, %get3A_22] : memref<64x10xf32, #tpu.memory_space<vmem>>, vector<64x10xf32>
    %dot_general3A_24 = arith.constant dense<0.000000e+00> : vector<128x10xf32>
    %dot_general3A_25 = tpu.matmul %max3A_20, %get3A_23, %dot_general3A_24 {dimension_numbers = #tpu.dot_dimension_numbers<[1], [0], [0], [1], [0, 0, 1, 1], [], []>, transpose_lhs_hint = false} : vector<128x64xf32>, vector<64x10xf32>, vector<128x10xf32> -> vector<128x10xf32>
    %get3A_26 = arith.constant 0 : index
    %get3A_27 = arith.constant 0 : index
    %get3A_28 = vector.load %arg4[%get3A_26, %get3A_27] : memref<1x10xf32, #tpu.memory_space<vmem>>, vector<1x10xf32>
    %add3A_29 = vector.broadcast %get3A_28 : vector<1x10xf32> to vector<128x10xf32>
    %add3A_30 = arith.addf %dot_general3A_25, %add3A_29 : vector<128x10xf32>
    %swap3A_31 = arith.constant 0 : index
    %swap3A_32 = arith.constant 0 : index
    %swap3A_33 = vector.load %arg10[%swap3A_31, %swap3A_32] : memref<128x10xf32, #tpu.memory_space<vmem>>, vector<128x10xf32>
    tpu.vector_store %arg10[%swap3A_31, %swap3A_32], %add3A_30 {strides = array<i32>} : memref<128x10xf32, #tpu.memory_space<vmem>>, vector<128x10xf32>,
    %get3A_34 = arith.constant 0 : index
    %get3A_35 = arith.constant 0 : index
    %get3A_36 = vector.load %arg5[%get3A_34, %get3A_35] : memref<64x64xf32, #tpu.memory_space<vmem>>, vector<64x64xf32>
    %dot_general3A_37 = arith.constant dense<0.000000e+00> : vector<128x64xf32>
    %dot_general3A_38 = tpu.matmul %div3A_7, %get3A_36, %dot_general3A_37 {dimension_numbers = #tpu.dot_dimension_numbers<[1], [0], [0], [1], [0, 0, 1, 1], [], []>, transpose_lhs_hint = false} : vector<128x64xf32>, vector<64x64xf32>, vector<128x64xf32> -> vector<128x64xf32>
    %get3A_39 = arith.constant 0 : index
    %get3A_40 = arith.constant 0 : index
    %get3A_41 = vector.load %arg6[%get3A_39, %get3A_40] : memref<1x64xf32, #tpu.memory_space<vmem>>, vector<1x64xf32>
    %add3A_42 = vector.broadcast %get3A_41 : vector<1x64xf32> to vector<128x64xf32>
    %add3A_43 = arith.addf %dot_general3A_38, %add3A_42 : vector<128x64xf32>
    %max3A_44 = arith.constant 0.000000e+00 : f32
    %max3A_45 = vector.broadcast %max3A_44 : f32 to vector<128x64xf32>
    %max3A_46 = arith.maximumf %add3A_43, %max3A_45 : vector<128x64xf32>
    %get3A_47 = arith.constant 0 : index
    %get3A_48 = arith.constant 0 : index
    %get3A_49 = vector.load %arg7[%get3A_47, %get3A_48] : memref<64x10xf32, #tpu.memory_space<vmem>>, vector<64x10xf32>
    %dot_general3A_50 = arith.constant dense<0.000000e+00> : vector<128x10xf32>
    %dot_general3A_51 = tpu.matmul %max3A_46, %get3A_49, %dot_general3A_50 {dimension_numbers = #tpu.dot_dimension_numbers<[1], [0], [0], [1], [0, 0, 1, 1], [], []>, transpose_lhs_hint = false} : vector<128x64xf32>, vector<64x10xf32>, vector<128x10xf32> -> vector<128x10xf32>
    %get3A_52 = arith.constant 0 : index
    %get3A_53 = arith.constant 0 : index
    %get3A_54 = vector.load %arg8[%get3A_52, %get3A_53] : memref<1x10xf32, #tpu.memory_space<vmem>>, vector<1x10xf32>
    %add3A_55 = vector.broadcast %get3A_54 : vector<1x10xf32> to vector<128x10xf32>
    %add3A_56 = arith.addf %dot_general3A_51, %add3A_55 : vector<128x10xf32>
    %swap3A_57 = arith.constant 0 : index
    %swap3A_58 = arith.constant 0 : index
    %swap3A_59 = vector.load %arg11[%swap3A_57, %swap3A_58] : memref<128x10xf32, #tpu.memory_space<vmem>>, vector<128x10xf32>
    tpu.vector_store %arg11[%swap3A_57, %swap3A_58], %add3A_56 {strides = array<i32>} : memref<128x10xf32, #tpu.memory_space<vmem>>, vector<128x10xf32>,
    return
  }
}

</mosaic_0001>

<sc_bundles>
// kernel: kernel.10.cloned.1.call-start
scs
__scs_entry_jumppad:
0x0: {  	(pc) =	sbr.rel $0x88, $3  }
0x1: {  	(tag) =	ssettag $0x0;
	lr =	simm.s32 $0x1  }
0x2: {  	[smem:$0x3F81] =	sst lr;
	_ =	strace $0xD0000000  }
0x3: {  	_ = 	snop  }
0x4: {  	_ = 	snop  }
0x5: {  	_ = 	snop  }
0x6: {  	_ = 	snop  }
0x7: {  	_ = 	snop  }
__scs_overlays_trampoline_lowered:
0x8: {  	[smem:$0x3F90] =	sst s0  }
0x9: {  	[smem:$0x3F91] =	sst s1  }
0xa: {  	[smem:$0x3F92] =	sst s2  }
0xb: {  	[smem:$0x3F93] =	sst s3  }
0xc: {  	[smem:$0x3F94] =	sst s4  }
0xd: {  	[smem:$0x3F95] =	sst s5  }
0xe: {  	[smem:$0x3F96] =	sst s6  }
0xf: {  	[smem:$0x3F97] =	sst s7  }
0x10: {  	[smem:$0x3F98] =	sst s8  }
0x11: {  	[smem:$0x3F99] =	sst s9;
	s0 =	simm.s32 @!p0 $0x0  }
0x12: {  	s1 =	sld [smem:$0x3F7F];
	s0 =	simm.s32 @p0 $0x1  }
0x13: {  	[smem:$0x3F9A] =	sst s0;
	s0 =	simm.s32 @!p1 $0x0  }
0x14: {  	s2 =	sld [smem:$0x3F7E];
	s0 =	simm.s32 @p1 $0x1  }
0x15: {  	[smem:$0x3F9B] =	sst s0;
	s0 =	simm.s32 @!p2 $0x0  }
0x16: {  	s3 =	sld [smem:$0x3FDB];
	s0 =	simm.s32 @p2 $0x1  }
0x17: {  	s4 =	simm.s32 $0x1BF5;
	[smem:$0x3F9D] =	sst s0  }
0x18: {  	s0 =	sld [smem:$0x3F80];
	_ =	swait.ge [sflag:s4], $0x0  }
0x19: {  	s7 =	sld [smem:$0x3F81]  }
0x1a: {  	s8 =	sadd.s32 $0xFFFFE003, lr  }
0x1b: {  	s9 =	sadd.s32 $0xFFFFFEF7, lr;
	s5 =	simm.s32 $0xFFFFFFFF;
	p2 =	slt.u32 s8, $0xFFFFF086  }
0x1c: {  	p1 =	slt.u32 s9, $0xF7A;
	s5 =	simm.s32 @!p2 $0x0  }
0x1d: {  	s5 =	simm.s32 @p1 $0x1;
	p0 =	seq.s32 s7, s2  }
0x1e: {  	s7 =	smul.u32 @!p0 $0xF7A, s2;
	p2 =	seq.s32 @!p0 s5, $0x0  }
0x1f: {  	s9 =	smul.u32 $0xF7A, s1;
	s8 =	simm.s32 @!p0 $0x1BF5;
	p2 =	por !p2, p0  }
0x20: {  	[sflag:s8] =	ssyncset.s32 @!p0 $0xFFFFF086;
	s6 =	sadd.s32 @!p0 s3, s7;
	s7 =	simm.s32 @!p0 $0x108  }
0x21: {  	s3 =	sadd.s32 s3, s9;
	s6 =	sadd.s32 @!p0 $0x88, s6;
	s7 =	simm.s32 @p2 $0x1082  }
0x22: {  	[simem:s7], [sflag:s8] =	dma.local @!p0 [hbm:s6], $0xF7A  }
0x23: {  	s9 =	sor.u32 $0xD0000000, s2;
	s6 =	simm.s32 $0x108;
	_ =	swait.ge @!p0 [sflag:s8], $0x0  }
0x24: {  	s3 =	sadd.s32 $0x88, s3;
	s6 =	simm.s32 @!p1 $0x1082;
	[sflag:s4] =	ssyncset.s32 $0xFFFFF086  }
0x25: {  	[simem:s6], [sflag:s4] =	dma.local [hbm:s3], $0xF7A  }
0x26: {  	[smem:$0x3F81] =	sst s1;
	(tag) =	ssettag s2;
	_ =	strace s9  }
0x27: {  	s1 =	sld [smem:$0x3F91]  }
0x28: {  	s2 =	sld [smem:$0x3F92]  }
0x29: {  	s4 =	sld [smem:$0x3F94]  }
0x2a: {  	p0 =	seq.s32 s5, $0x0;
	s5 =	sld [smem:$0x3F95]  }
0x2b: {  	s6 =	sld [smem:$0x3F96]  }
0x2c: {  	s7 =	sld [smem:$0x3F97]  }
0x2d: {  	s3 =	simm.s32 $0x108;
	s8 =	sld [smem:$0x3F98]  }
0x2e: {  	s3 =	simm.s32 @!p0 $0x1082;
	s9 =	sld [smem:$0x3F99]  }
0x2f: {  	lr =	sadd.s32 s0, s3;
	s0 =	sld [smem:$0x3F90]  }
0x30: {  	s3 =	sld [smem:$0x3F93]  }
0x31: {  	[smem:$0x3F9C] =	sst s10  }
0x32: {  	s10 =	sld [smem:$0x3F9A];
	_ =	sdelay $0x3  }
0x33: {  	p0 =	seq.s32 s10, $0x1;
	s10 =	sld [smem:$0x3F9C];
	_ =	sdelay $0x3  }
0x34: {  	[smem:$0x3F9C] =	sst s10  }
0x35: {  	s10 =	sld [smem:$0x3F9B];
	_ =	sdelay $0x3  }
0x36: {  	p1 =	seq.s32 s10, $0x1;
	s10 =	sld [smem:$0x3F9C];
	_ =	sdelay $0x3  }
0x37: {  	[smem:$0x3F9C] =	sst s10  }
0x38: {  	s10 =	sld [smem:$0x3F9D]  }
0x39: {  	_ = 	snop;
	(pc) =	sbr.ind lr, $3  }
0x3a: {  	_ = 	snop  }
0x3b: {  	_ = 	snop  }
0x3c: {  	p2 =	seq.s32 s10, $0x1;
	s10 =	sld [smem:$0x3F9C]  }
0x3d: {  	_ =	shalt  }
0x3e: {  	_ =	shalt  }
0x3f: {  	_ =	shalt  }
0x40: {  	_ =	shalt  }
0x41: {  	_ =	shalt  }
0x42: {  	_ =	shalt  }
0x43: {  	_ =	shalt  }
0x44: {  	_ =	shalt  }
0x45: {  	_ =	shalt  }
0x46: {  	_ =	shalt  }
0x47: {  	_ =	shalt  }
0x48: {  	_ =	shalt  }
0x49: {  	_ =	shalt  }
0x4a: {  	_ =	shalt  }
0x4b: {  	_ =	shalt  }
0x4c: {  	_ =	shalt  }
0x4d: {  	_ =	shalt  }
0x4e: {  	_ =	shalt  }
0x4f: {  	_ =	shalt  }
0x50: {  	_ =	shalt  }
0x51: {  	_ =	shalt  }
0x52: {  	_ =	shalt  }
0x53: {  	_ =	shalt  }
0x54: {  	_ =	shalt  }
0x55: {  	_ =	shalt  }
0x56: {  	_ =	shalt  }
0x57: {  	_ =	shalt  }
0x58: {  	_ =	shalt  }
0x59: {  	_ =	shalt  }
0x5a: {  	_ =	shalt  }
0x5b: {  	_ =	shalt  }
0x5c: {  	_ =	shalt  }
0x5d: {  	_ =	shalt  }
0x5e: {  	_ =	shalt  }
0x5f: {  	_ =	shalt  }
0x60: {  	_ =	shalt  }
0x61: {  	_ =	shalt  }
0x62: {  	_ =	shalt  }
0x63: {  	_ =	shalt  }
0x64: {  	_ =	shalt  }
0x65: {  	_ =	shalt  }
0x66: {  	_ =	shalt  }
0x67: {  	_ =	shalt  }
0x68: {  	_ =	shalt  }
0x69: {  	_ =	shalt  }
0x6a: {  	_ =	shalt  }
0x6b: {  	_ =	shalt  }
0x6c: {  	_ =	shalt  }
0x6d: {  	_ =	shalt  }
0x6e: {  	_ =	shalt  }
0x6f: {  	_ =	shalt  }
0x70: {  	_ =	shalt  }
0x71: {  	_ =	shalt  }
0x72: {  	_ =	shalt  }
0x73: {  	_ =	shalt  }
0x74: {  	_ =	shalt  }
0x75: {  	_ =	shalt  }
0x76: {  	_ =	shalt  }
0x77: {  	_ =	shalt  }
0x78: {  	_ =	shalt  }
0x79: {  	_ =	shalt  }
0x7a: {  	_ =	shalt  }
0x7b: {  	_ =	shalt  }
0x7c: {  	_ =	shalt  }
0x7d: {  	_ =	shalt  }
0x7e: {  	_ =	shalt  }
0x7f: {  	_ =	shalt  }
0x80: {  	_ =	shalt  }
0x81: {  	_ =	shalt  }
0x82: {  	_ =	shalt  }
0x83: {  	_ =	shalt  }
0x84: {  	_ =	shalt  }
0x85: {  	_ =	shalt  }
0x86: {  	_ =	shalt  }
0x87: {  	_ =	shalt  }
.Lfunc_end0:
.L_simem_size_0:
called_computation_lowered:
.L_overlay_start_0:
0x88: {  	s2 =	sld [smem:$0x3FD9]  }
0x89: {  	s3 =	sld [smem:$0x3FFE];
	_ =	sdelay $0x1  }
0x8a: {  	s1 =	srdreg.scid  }
0x8b: {  	s0 =	sand.u32 $0x1, s1  }
0x8c: {  	s14 =	sshll.u32 s0, $0xA;
	s2 =	sadd.s32 s3, s2  }
0x8d: {  	s2 =	sadd.s32 s2, s14  }
0x8e: {  	[smem:$0x3FA8] =	sst s2  }
0x8f: {  	_ = 	snop  }
0x90: {  	s2 =	sld [smem:$0x3FD0];
	_ =	sdelay $0x2  }
0x91: {  	s15 =	simm.s32 $0xA;
	s4 =	simm.s32 $0x10  }
0x92: {  	[smem:s4], [sflag:s15] =	dma.local [hbm:s2], $0x1  }
0x93: {  	_ =	swait.eq [sflag:s15], $0x1  }
0x94: {  	[sflag:s15] =	ssyncset.done $0x0  }
0x95: {  	s16 =	sld [smem:$0x10];
	[sflag:s15] =	ssyncadd.s32 $0xFFFFFFFF  }
0x96: {  	s17 =	sld [smem:$0x13];
	(tm) =	ssettm $0x1  }
0x97: {  	s18 =	sld [smem:$0x3FFB];
	_ =	sdelay $0x3  }
0x98: {  	_ =	strace s18  }
0x99: {  	s4 =	sld [smem:$0x3FFC];
	_ =	sdelay $0x3  }
0x9a: {  	_ =	strace s4  }
0x9b: {  	s4 =	sld [smem:$0x3FFD];
	_ =	sdelay $0x3  }
0x9c: {  	_ =	strace s4  }
0x9d: {  	_ =	strace $0x8FFFFFFF  }
0x9e: {  	s19 =	sld [smem:$0x3FDB];
	_ =	sdelay $0x1  }
0x9f: {  	s5 =	simm.s32 $_scs_section_size  }
0xa0: {  	s6 =	simm.s32 $_size__tile_overlayer_lowered;
	s7 =	simm.s32 $_tile_overlayer_lowered  }
0xa1: {  	s22 =	simm.s32 $0x1BFF;
	s21 =	sshll.u32 s7, $0x1;
	s4 =	sadd.s32 s5, s19  }
0xa2: {  	s8 =	simm.s32 $0x0;
	s20 =	sshll.u32 s6, $0x1;
	s6 =	sadd.s32 s21, s4  }
0xa3: {  	[timem:s8], [sflag:s22] =	dma.local [hbm:s6], s20  }
0xa4: {  	_ =	swait.ge [sflag:s22], s20  }
0xa5: {  	s5 =	ssub.s32 $0x0, s20;
	[sflag:s22] =	ssyncset.done $0x0  }
0xa6: {  	[sflag:s22] =	ssyncadd.s32 s5;
	_ =	sdelay $0x1  }
0xa7: {  	s23 =	simm.s32 $0x1B8B  }
0xa8: {  	_ =	swait.ge [sflag:s23], $0x1  }
0xa9: {  	[sflag:s23] =	ssyncset.done $0x0  }
0xaa: {  	s25 =	simm.s32 $0x1B8E;
	s24 =	sld [smem:$0x3FFE];
	[sflag:s23] =	ssyncadd.s32 $0xFFFFFFFF  }
0xab: {  	s26 =	simm.s32 $execute0_lowered;
	[smem:$0x3FD2] =	sst s25  }
0xac: {  	s6 =	sshll.u32 s26, $0x1;
	_ =	strace $0x80000046;
	[dreg:$0x1] =	wrdreg $0xFFFFFFFF  }
0xad: {  	s28 =	simm.s32 $_size_execute0_lowered;
	s4 =	sadd.s32 s4, s6;
	[dreg:$0x0] =	wrdreg $0x0  }
0xae: {  	s6 =	sshll.u32 s28, $0x1;
	[dreg:$0x2] =	wrdreg s4  }
0xaf: {  	[dreg:$0x3] =	wrdreg s6  }
0xb0: {  	[dreg:$0x4] =	wrdreg $0xC0  }
0xb1: {  	_ =	task [dreg:s8], $0x5FFFF  }
0xb2: {  	[dreg:$0x1] =	wrdreg $0xFFFFFFFF  }
0xb3: {  	[dreg:$0x0] =	wrdreg $0x60  }
0xb4: {  	[dreg:$0x2] =	wrdreg s16  }
0xb5: {  	[dreg:$0x3] =	wrdreg s17  }
0xb6: {  	[dreg:$0x4] =	wrdreg s24  }
0xb7: {  	[dreg:$0x5] =	wrdreg $0xA3C00  }
0xb8: {  	[dreg:$0x6] =	wrdreg $0x9  }
0xb9: {  	_ =	task.clear_ibuf [dreg:s8], $0x7FFFF;
	_ =	strace $0x90000046  }
0xba: {  	s29 =	simm.s32 $0x9;
	_ =	strace $0x80000048  }
0xbb: {  	_ =	swait.ge [sflag:s29], $0x1  }
0xbc: {  	[sflag:s29] =	ssyncadd.s32 $0xFFFFFFFF  }
0xbd: {  	_ =	strace $0x90000048  }
0xbe: {  	_ =	sfence  }
0xbf: {  	s30 =	sld [smem:$0x0];
	_ =	sdelay $0x2  }
0xc0: {  	s31 =	sshll.u32 s1, $0xD;
	s1 =	sshrl.u32 s1, $0x2  }
0xc1: {  	s3 =	sand.u32 $0x4000, s31;
	s1 =	sadd.s32 s1, s30  }
0xc2: {  	s0 =	sor.u32 s3, s0;
	s1 =	sshll.u32 s1, $0x11  }
0xc3: {  	s0 =	sor.u32 s1, s0  }
0xc4: {  	s0 =	sadd.s32 $0x8F2B, s0  }
0xc5: {  	[sflag:s0] =	ssyncadd.remote.s32 $0x1  }
0xc6: {  	_ =	sfence.sel $0xFFFF  }
0xc7: {  	[dreg:$0x0] =	wrdreg $0xFFFFFFFF;
	(pc) =	sbr.abs _section_cstart, $3  }
0xc8: {  	[dreg:$0x1] =	wrdreg $0xFFFFFFFF  }
0xc9: {  	_ =	task.clear_ibuf [dreg:s8], $0x2FFFF;
	_ =	strace $0x9FFFFFFF  }
0xca: {  	(tm) =	ssettm $0x7FFFFFFF  }
0xcb: {  	_ =	shalt  }
tec
execute0_lowered:
.L_overlay_start_1:
0x0: {  	(tag) =	ssettag $0x1  }
0x1: {  	s1 =	rddreg [dreg:$0x0]  }
0x2: {  	s5 =	rddreg [dreg:$0x1]  }
0x3: {  	s6 =	rddreg [dreg:$0x2]  }
0x4: {  	s3 =	rddreg [dreg:$0x3]  }
0x5: {  	s4 =	srdreg.scid;
	s0 =	stileid.u32  }
0x6: {  	s17 =	simm.s32 $0x3;
	s19 =	simm.s32 $0x9000;
	s20 =	simm.s32 $0x80  }
0x7: {  	s21 =	simm.s32 $0x5000;
	s22 =	simm.s32 $0x7000;
	s23 =	simm.s32 $0x1  }
0x8: {  	s24 =	simm.s32 $0x2;
	s25 =	simm.s32 $0x2780;
	s26 =	simm.s32 $0x4F00  }
0x9: {  	s28 =	simm.s32 $0x4F80;
	s29 =	simm.s32 $0x0;
	s8 =	smul.u32 $0x9E00, s0  }
0xa: {  	s7 =	sand.u32 $0x1, s4;
	s4 =	simm.s32 $0x0;
	s11 =	smul.u32 $0x27800, s0  }
0xb: {  	s9 =	sshll.u32 s7, $0x4;
	s10 =	smul.u32 $0x9E000, s7;
	[smem:$0x7FF] =	sst s4  }
0xc: {  	s7 =	ssub.s32 $0x2, s7;
	s9 =	sor.u32 s0, s9;
	_ =	strace $0x80000047  }
0xd: {  	s30 =	sshrl.u32 s7, $0x1;
	s31 =	sshrl.u32 s11, $0x2;
	s9 =	smul.u32 $0x500, s9  }
0xe: {  	s10 =	sadd.s32 s8, s10;
	s16 =	ssub.s32 s7, s30;
	s14 =	sadd.s32 s31, s3  }
0xf: {  	s7 =	sadd.s32 s8, s3;
	s10 =	sshrl.u32 s10, $0x3;
	s8 =	sadd.s32 $0x13C0, s14  }
0x10: {  	s11 =	sadd.s32 $0x4F00, s14;
	s13 =	sadd.s32 $0x7680, s14;
	s16 =	smax.u32 s16, $0x1  }
0x11: {  	s12 =	sadd.s32 s9, s6;
	s15 =	sadd.s32 s10, s6;
	s5 =	sadd.s32 s5, s9  }
0x12: {  	s9 =	sadd.s32 $0x2780, s14;
	s10 =	sadd.s32 $0x3B40, s14;
	s6 =	sadd.s32 $0x5000, s12  }
0x13: {  	v0 =	vimm.f32 $0.0e+00;
	s12 =	sadd.s32 $0x62C0, s14;
	s14 =	sadd.s32 $0x8A40, s14;
	s15 =	sadd.s32 $0xF000, s15  }
.LBB2_1:
0x14: {  	[tilespmem:s4], [sflag:$0x3] =	stream.linear.gather [hbm4b:s5+s4], $0x2800, $0x38;
	[tilespmem:$0x141C0] =	vst v63  }
0x15: {  	_ =	swait.ge [sflag:s17], $0x2800  }
0x16: {  	[sflag:s17] =	ssyncset.done $0x0  }
0x17: {  	s0 =	simm.s32 $0x2800;
	[sflag:s17] =	ssyncadd.s32 $0xFFFFD800  }
0x18: {  	[tilespmem:s0], [sflag:$0x3] =	stream.linear.gather [hbm4b:s6+s4], $0x2800, $0x38;
	[tilespmem:$0x141C0] =	vst v63  }
0x19: {  	_ =	swait.ge [sflag:s17], $0x2800  }
0x1a: {  	[sflag:s17] =	ssyncset.done $0x0  }
0x1b: {  	s31 =	simm.s32 $0x100;
	s30 =	simm.s32 $0x0;
	[sflag:s17] =	ssyncadd.s32 $0xFFFFD800  }
.LBB2_2:
0x1c: {  	p0 =	sne.s32 s31, $0x4E00;
	[tilespmem:s30+$0x9030] =	vst v0;
	s0 =	smov.u32 s31;
	s31 =	sadd.s32 $0x100, s31  }
.Ltmp0:
0x1d: {  	[tilespmem:s30+$0x9020] =	vst v0;
	(pc) =	sbr.rel @p0 .LBB2_2-.Ltmp0, $3  }
0x1e: {  	[tilespmem:s30+$0x9000] =	vst v0  }
0x1f: {  	[tilespmem:s30+$0x9010] =	vst v0;
	_ =	sdelay $0x1  }
0x20: {  	s30 =	sshra.s32 s0, $0x2  }
0x21: {  	[tilespmem:s30+$0x9030] =	vst v0  }
0x22: {  	[tilespmem:s30+$0x9020] =	vst v0  }
0x23: {  	[tilespmem:s30+$0x9000] =	vst v0  }
0x24: {  	[tilespmem:s30+$0x9010] =	vst v0  }
0x25: {  	[spmem:s7] =	stream.linear.scatter [tilespmem:s19], [sflag:$0x3], $0x13C0, $0x38;
	[tilespmem:$0x141C0] =	vst v63  }
0x26: {  	_ =	swait.ge [sflag:s17], $0x13C0  }
0x27: {  	[sflag:s17] =	ssyncset.done $0x0  }
0x28: {  	[sflag:s17] =	ssyncadd.s32 $0xFFFFEC40  }
0x29: {  	[spmem:s8] =	stream.linear.scatter [tilespmem:s19], [sflag:$0x3], $0x13C0, $0x38;
	[tilespmem:$0x141C0] =	vst v63  }
0x2a: {  	_ =	swait.ge [sflag:s17], $0x13C0  }
0x2b: {  	[sflag:s17] =	ssyncset.done $0x0  }
0x2c: {  	[sflag:s17] =	ssyncadd.s32 $0xFFFFEC40  }
0x2d: {  	[spmem:s9] =	stream.linear.scatter [tilespmem:s19], [sflag:$0x3], $0x13C0, $0x38;
	[tilespmem:$0x141C0] =	vst v63  }
0x2e: {  	_ =	swait.ge [sflag:s17], $0x13C0  }
0x2f: {  	[sflag:s17] =	ssyncset.done $0x0  }
0x30: {  	[sflag:s17] =	ssyncadd.s32 $0xFFFFEC40  }
0x31: {  	[spmem:s10] =	stream.linear.scatter [tilespmem:s19], [sflag:$0x3], $0x13C0, $0x38;
	[tilespmem:$0x141C0] =	vst v63  }
0x32: {  	_ =	swait.ge [sflag:s17], $0x13C0  }
0x33: {  	[sflag:s17] =	ssyncset.done $0x0  }
0x34: {  	[sflag:s17] =	ssyncadd.s32 $0xFFFFEC40  }
0x35: {  	[spmem:s11] =	stream.linear.scatter [tilespmem:s19], [sflag:$0x3], $0x13C0, $0x38;
	[tilespmem:$0x141C0] =	vst v63  }
0x36: {  	_ =	swait.ge [sflag:s17], $0x13C0  }
0x37: {  	[sflag:s17] =	ssyncset.done $0x0  }
0x38: {  	[sflag:s17] =	ssyncadd.s32 $0xFFFFEC40  }
0x39: {  	[spmem:s12] =	stream.linear.scatter [tilespmem:s19], [sflag:$0x3], $0x13C0, $0x38;
	[tilespmem:$0x141C0] =	vst v63  }
0x3a: {  	_ =	swait.ge [sflag:s17], $0x13C0  }
0x3b: {  	[sflag:s17] =	ssyncset.done $0x0  }
0x3c: {  	[sflag:s17] =	ssyncadd.s32 $0xFFFFEC40  }
0x3d: {  	[spmem:s13] =	stream.linear.scatter [tilespmem:s19], [sflag:$0x3], $0x13C0, $0x38;
	[tilespmem:$0x141C0] =	vst v63  }
0x3e: {  	_ =	swait.ge [sflag:s17], $0x13C0  }
0x3f: {  	[sflag:s17] =	ssyncset.done $0x0  }
0x40: {  	[sflag:s17] =	ssyncadd.s32 $0xFFFFEC40  }
0x41: {  	[spmem:s14] =	stream.linear.scatter [tilespmem:s19], [sflag:$0x3], $0x13C0, $0x38;
	[tilespmem:$0x141C0] =	vst v63  }
0x42: {  	_ =	swait.ge [sflag:s17], $0x13C0  }
0x43: {  	[sflag:s17] =	ssyncset.done $0x0  }
0x44: {  	[sflag:s17] =	ssyncadd.s32 $0xFFFFEC40  }
0x45: {  	s0 =	simm.s32 $0x0;
	[bflag:$0x0] =	sbarrier.arrive $0xFFFF  }
0x46: {  	[tilespmem:s21], [sflag:$0x1] =	stream.indirect.gather [hbm4b:s1+s20], $0x40, s0, s20, $0xb8;
	[tilespmem:$0x141C0] =	vst v63  }
0x47: {  	s2 =	simm.s32 $0x80  }
0x48: {  	[tilespmem:s22], [sflag:$0x2] =	stream.indirect.gather [hbm4b:s1+s20], $0x40, s2, s20, $0xb8;
	[tilespmem:$0x141C0] =	vst v63  }
0x49: {  	_ =	swait.ge [sflag:s23], $0x2000  }
0x4a: {  	[sflag:s23] =	ssyncset.done $0x0  }
0x4b: {  	s18 =	simm.s32 $0x2800;
	[sflag:s23] =	ssyncadd.s32 $0xFFFFE000  }
0x4c: {  	[spmem:s3] =	stream.indirect.scatter.add.f32 [tilespmem:s21], [sflag:$0x3], $0x40, s18, s20, $0xb8;
	[tilespmem:$0x141C0] =	vst v63  }
0x4d: {  	_ =	swait.ge [sflag:s17], $0x2000  }
0x4e: {  	[sflag:s17] =	ssyncset.done $0x0  }
0x4f: {  	s2 =	simm.s32 $0x100;
	[sflag:s17] =	ssyncadd.s32 $0xFFFFE000  }
0x50: {  	[tilespmem:s21], [sflag:$0x1] =	stream.indirect.gather [hbm4b:s1+s20], $0x40, s2, s20, $0xb8;
	[tilespmem:$0x141C0] =	vst v63  }
0x51: {  	_ =	swait.ge [sflag:s24], $0x2000  }
0x52: {  	[sflag:s24] =	ssyncset.done $0x0  }
0x53: {  	s18 =	simm.s32 $0x2880;
	[sflag:s24] =	ssyncadd.s32 $0xFFFFE000  }
0x54: {  	[spmem:s3] =	stream.indirect.scatter.add.f32 [tilespmem:s22], [sflag:$0x3], $0x40, s18, s20, $0xb8;
	[tilespmem:$0x141C0] =	vst v63  }
0x55: {  	_ =	swait.ge [sflag:s17], $0x2000  }
0x56: {  	s31 =	simm.s32 $0x800;
	s30 =	simm.s32 $0x100;
	[sflag:s17] =	ssyncset.done $0x0  }
.LBB2_4:
0x57: {  	s0 =	sadd.s32 $0x80, s30  }
0x58: {  	[sflag:s17] =	ssyncadd.s32 $0xFFFFE000;
	s2 =	smov.u32 s31;
	s18 =	sadd.s32 $0x400, s31  }
0x59: {  	[tilespmem:s22], [sflag:$0x2] =	stream.indirect.gather [hbm4b:s1+s20], $0x40, s0, s20, $0xb8;
	[tilespmem:$0x141C0] =	vst v63  }
0x5a: {  	p0 =	sne.s32 s31, $0x9800;
	_ =	swait.ge [sflag:s23], $0x2000  }
0x5b: {  	[sflag:s23] =	ssyncset.done $0x0  }
0x5c: {  	s0 =	sadd.s32 $0x2800, s30;
	[sflag:s23] =	ssyncadd.s32 $0xFFFFE000  }
0x5d: {  	[spmem:s3] =	stream.indirect.scatter.add.f32 [tilespmem:s21], [sflag:$0x3], $0x40, s0, s20, $0xb8;
	[tilespmem:$0x141C0] =	vst v63  }
0x5e: {  	_ =	swait.ge [sflag:s17], $0x2000  }
0x5f: {  	[sflag:s17] =	ssyncset.done $0x0  }
0x60: {  	s0 =	sadd.s32 $0x100, s30;
	[sflag:s17] =	ssyncadd.s32 $0xFFFFE000  }
0x61: {  	[tilespmem:s21], [sflag:$0x1] =	stream.indirect.gather [hbm4b:s1+s20], $0x40, s0, s20, $0xb8;
	[tilespmem:$0x141C0] =	vst v63  }
0x62: {  	_ =	swait.ge [sflag:s24], $0x2000  }
.Ltmp1:
0x63: {  	[sflag:s24] =	ssyncset.done $0x0;
	(pc) =	sbr.rel @p0 .LBB2_4-.Ltmp1, $4  }
0x64: {  	s0 =	sadd.s32 $0x2880, s30;
	[sflag:s24] =	ssyncadd.s32 $0xFFFFE000  }
0x65: {  	[spmem:s3] =	stream.indirect.scatter.add.f32 [tilespmem:s22], [sflag:$0x3], $0x40, s0, s20, $0xb8;
	[tilespmem:$0x141C0] =	vst v63  }
0x66: {  	_ =	swait.ge [sflag:s17], $0x2000  }
0x67: {  	s31 =	smov.u32 s18;
	s30 =	sshra.s32 s2, $0x2;
	[sflag:s17] =	ssyncset.done $0x0  }
0x68: {  	s0 =	sadd.s32 $0x80, s30;
	[sflag:s17] =	ssyncadd.s32 $0xFFFFE000  }
0x69: {  	[tilespmem:s22], [sflag:$0x2] =	stream.indirect.gather [hbm4b:s1+s20], $0x40, s0, s20, $0xb8;
	[tilespmem:$0x141C0] =	vst v63  }
0x6a: {  	_ =	swait.ge [sflag:s23], $0x2000  }
0x6b: {  	[sflag:s23] =	ssyncset.done $0x0  }
0x6c: {  	s2 =	sadd.s32 $0x2800, s30;
	[sflag:s23] =	ssyncadd.s32 $0xFFFFE000  }
0x6d: {  	[spmem:s3] =	stream.indirect.scatter.add.f32 [tilespmem:s21], [sflag:$0x3], $0x40, s2, s20, $0xb8;
	[tilespmem:$0x141C0] =	vst v63  }
0x6e: {  	_ =	swait.ge [sflag:s17], $0x2000  }
0x6f: {  	[sflag:s17] =	ssyncset.done $0x0  }
0x70: {  	s18 =	sadd.s32 $0x100, s30;
	[sflag:s17] =	ssyncadd.s32 $0xFFFFE000  }
0x71: {  	[tilespmem:s21], [sflag:$0x1] =	stream.indirect.gather [hbm4b:s1+s20], $0x40, s18, s20, $0xb8;
	[tilespmem:$0x141C0] =	vst v63  }
0x72: {  	_ =	swait.ge [sflag:s24], $0x2000  }
0x73: {  	[sflag:s24] =	ssyncset.done $0x0  }
0x74: {  	s30 =	sadd.s32 $0x2880, s30;
	[sflag:s24] =	ssyncadd.s32 $0xFFFFE000  }
0x75: {  	[spmem:s3] =	stream.indirect.scatter.add.f32 [tilespmem:s22], [sflag:$0x3], $0x40, s30, s20, $0xb8;
	[tilespmem:$0x141C0] =	vst v63  }
0x76: {  	_ =	swait.ge [sflag:s17], $0x2000  }
0x77: {  	[sflag:s17] =	ssyncset.done $0x0  }
0x78: {  	[sflag:s17] =	ssyncadd.s32 $0xFFFFE000  }
0x79: {  	[tilespmem:s22], [sflag:$0x2] =	stream.indirect.gather [hbm4b:s1+s20], $0x40, s25, s20, $0xb8;
	[tilespmem:$0x141C0] =	vst v63  }
0x7a: {  	_ =	swait.ge [sflag:s23], $0x2000  }
0x7b: {  	[sflag:s23] =	ssyncset.done $0x0  }
0x7c: {  	[sflag:s23] =	ssyncadd.s32 $0xFFFFE000  }
0x7d: {  	[spmem:s3] =	stream.indirect.scatter.add.f32 [tilespmem:s21], [sflag:$0x3], $0x40, s26, s20, $0xb8;
	[tilespmem:$0x141C0] =	vst v63  }
0x7e: {  	_ =	swait.ge [sflag:s17], $0x2000  }
0x7f: {  	[sflag:s17] =	ssyncset.done $0x0  }
0x80: {  	[sflag:s17] =	ssyncadd.s32 $0xFFFFE000  }
0x81: {  	_ =	swait.ge [sflag:s24], $0x2000  }
0x82: {  	[sflag:s24] =	ssyncset.done $0x0  }
0x83: {  	[sflag:s24] =	ssyncadd.s32 $0xFFFFE000  }
0x84: {  	[spmem:s3] =	stream.indirect.scatter.add.f32 [tilespmem:s22], [sflag:$0x3], $0x40, s28, s20, $0xb8;
	[tilespmem:$0x141C0] =	vst v63  }
0x85: {  	s31 =	stileid.u32;
	_ =	swait.ge [sflag:s17], $0x2000  }
0x86: {  	s29 =	sadd.s32 $0x1, s29;
	s0 =	sshll.u32 s31, $0x6;
	[sflag:s17] =	ssyncset.done $0x0  }
0x87: {  	p0 =	sne.s32 s29, s16;
	s0 =	sor.u32 $0x1C03, s0;
	[sflag:s17] =	ssyncadd.s32 $0xFFFFE000  }
.Ltmp2:
0x88: {  	s2 =	sshrl.u32 s7, $0x3;
	[bflag:$0x0] =	sbarrier.arrive $0xFFFF;
	(pc) =	sbr.rel @p0 .LBB2_1-.Ltmp2, $4  }
0x89: {  	[hbm:s15], [sflag:s0] =	dma.local [spmem:s2], $0x13C0  }
0x8a: {  	_ =	swait.ge [sflag:s17], $0x13C0  }
0x8b: {  	[sflag:s17] =	ssyncset.done $0x0  }
0x8c: {  	[sflag:s17] =	ssyncadd.s32 $0xFFFFEC40  }
0x8d: {  	_ =	sfence.sel $0x180000  }
0x8e: {  	[bflag:$0x0] =	sbarrier.arrive $0xFFFF  }
0x8f: {  	_ =	strace $0x90000047  }
0x90: {  	s0 =	stileid.u32;
	[bflag:$0x2] =	sbarrier.arrive $0xFFFF  }
0x91: {  	p0 =	sne.s32 s0, $0x0;
	s0 =	rddreg [dreg:$0x4]  }
0x92: {  	s0 =	sadd.s32 @!p0 $0x100000, s0  }
0x93: {  	[sflag:s0] =	ssyncadd.tile.s32 @!p0 $0x1;
	_ =	shalt  }
.Lfunc_end2:
_tile_overlayer_lowered:
.L_overlay_start_2:
0x94: {  	(tag) =	ssettag $0x2  }
0x95: {  	s0 =	rddreg [dreg:$0x0];
	s2 =	stileid.u32  }
0x96: {  	s1 =	rddreg [dreg:$0x1];
	p0 =	sne.s32 s2, $0x0  }
0x97: {  	s3 =	rddreg [dreg:$0x2];
	[bflag:$0x3] =	sbarrier.arrive $0xFFFF;
	s2 =	simm.s32 @!p0 $0x1C03  }
0x98: {  	[timem:s3], [sflag:s2] =	dma.local @!p0 [hbm:s0], s1  }
0x99: {  	s0 =	simm.s32 @!p0 $0x3  }
0x9a: {  	_ =	swait.ge @!p0 [sflag:s0], s1  }
0x9b: {  	s1 =	ssub.s32 @!p0 $0x0, s1;
	[sflag:s0] =	ssyncset.done @!p0 $0x0  }
0x9c: {  	[sflag:s0] =	ssyncadd.s32 @!p0 s1  }
0x9d: {  	[bflag:$0x3] =	sbarrier.arrive $0xFFFF  }
0x9e: {  	_ =	shalt  }

// kernel: kernel.13.cloned.1.call-start
scs
__scs_entry_jumppad:
0x0: {  	(pc) =	sbr.rel $0x88, $3  }
0x1: {  	(tag) =	ssettag $0x0;
	lr =	simm.s32 $0x1  }
0x2: {  	[smem:$0x3F81] =	sst lr;
	_ =	strace $0xD0000000  }
0x3: {  	_ = 	snop  }
0x4: {  	_ = 	snop  }
0x5: {  	_ = 	snop  }
0x6: {  	_ = 	snop  }
0x7: {  	_ = 	snop  }
__scs_overlays_trampoline_lowered:
0x8: {  	[smem:$0x3F90] =	sst s0  }
0x9: {  	[smem:$0x3F91] =	sst s1  }
0xa: {  	[smem:$0x3F92] =	sst s2  }
0xb: {  	[smem:$0x3F93] =	sst s3  }
0xc: {  	[smem:$0x3F94] =	sst s4  }
0xd: {  	[smem:$0x3F95] =	sst s5  }
0xe: {  	[smem:$0x3F96] =	sst s6  }
0xf: {  	[smem:$0x3F97] =	sst s7  }
0x10: {  	[smem:$0x3F98] =	sst s8  }
0x11: {  	[smem:$0x3F99] =	sst s9;
	s0 =	simm.s32 @!p0 $0x0  }
0x12: {  	s1 =	sld [smem:$0x3F7F];
	s0 =	simm.s32 @p0 $0x1  }
0x13: {  	[smem:$0x3F9A] =	sst s0;
	s0 =	simm.s32 @!p1 $0x0  }
0x14: {  	s2 =	sld [smem:$0x3F7E];
	s0 =	simm.s32 @p1 $0x1  }
0x15: {  	[smem:$0x3F9B] =	sst s0;
	s0 =	simm.s32 @!p2 $0x0  }
0x16: {  	s3 =	sld [smem:$0x3FDB];
	s0 =	simm.s32 @p2 $0x1  }
0x17: {  	s4 =	simm.s32 $0x1BF5;
	[smem:$0x3F9D] =	sst s0  }
0x18: {  	s0 =	sld [smem:$0x3F80];
	_ =	swait.ge [sflag:s4], $0x0  }
0x19: {  	s7 =	sld [smem:$0x3F81]  }
0x1a: {  	s8 =	sadd.s32 $0xFFFFE003, lr  }
0x1b: {  	s9 =	sadd.s32 $0xFFFFFEF7, lr;
	s5 =	simm.s32 $0xFFFFFFFF;
	p2 =	slt.u32 s8, $0xFFFFF086  }
0x1c: {  	p1 =	slt.u32 s9, $0xF7A;
	s5 =	simm.s32 @!p2 $0x0  }
0x1d: {  	s5 =	simm.s32 @p1 $0x1;
	p0 =	seq.s32 s7, s2  }
0x1e: {  	s7 =	smul.u32 @!p0 $0xF7A, s2;
	p2 =	seq.s32 @!p0 s5, $0x0  }
0x1f: {  	s9 =	smul.u32 $0xF7A, s1;
	s8 =	simm.s32 @!p0 $0x1BF5;
	p2 =	por !p2, p0  }
0x20: {  	[sflag:s8] =	ssyncset.s32 @!p0 $0xFFFFF086;
	s6 =	sadd.s32 @!p0 s3, s7;
	s7 =	simm.s32 @!p0 $0x108  }
0x21: {  	s3 =	sadd.s32 s3, s9;
	s6 =	sadd.s32 @!p0 $0x88, s6;
	s7 =	simm.s32 @p2 $0x1082  }
0x22: {  	[simem:s7], [sflag:s8] =	dma.local @!p0 [hbm:s6], $0xF7A  }
0x23: {  	s9 =	sor.u32 $0xD0000000, s2;
	s6 =	simm.s32 $0x108;
	_ =	swait.ge @!p0 [sflag:s8], $0x0  }
0x24: {  	s3 =	sadd.s32 $0x88, s3;
	s6 =	simm.s32 @!p1 $0x1082;
	[sflag:s4] =	ssyncset.s32 $0xFFFFF086  }
0x25: {  	[simem:s6], [sflag:s4] =	dma.local [hbm:s3], $0xF7A  }
0x26: {  	[smem:$0x3F81] =	sst s1;
	(tag) =	ssettag s2;
	_ =	strace s9  }
0x27: {  	s1 =	sld [smem:$0x3F91]  }
0x28: {  	s2 =	sld [smem:$0x3F92]  }
0x29: {  	s4 =	sld [smem:$0x3F94]  }
0x2a: {  	p0 =	seq.s32 s5, $0x0;
	s5 =	sld [smem:$0x3F95]  }
0x2b: {  	s6 =	sld [smem:$0x3F96]  }
0x2c: {  	s7 =	sld [smem:$0x3F97]  }
0x2d: {  	s3 =	simm.s32 $0x108;
	s8 =	sld [smem:$0x3F98]  }
0x2e: {  	s3 =	simm.s32 @!p0 $0x1082;
	s9 =	sld [smem:$0x3F99]  }
0x2f: {  	lr =	sadd.s32 s0, s3;
	s0 =	sld [smem:$0x3F90]  }
0x30: {  	s3 =	sld [smem:$0x3F93]  }
0x31: {  	[smem:$0x3F9C] =	sst s10  }
0x32: {  	s10 =	sld [smem:$0x3F9A];
	_ =	sdelay $0x3  }
0x33: {  	p0 =	seq.s32 s10, $0x1;
	s10 =	sld [smem:$0x3F9C];
	_ =	sdelay $0x3  }
0x34: {  	[smem:$0x3F9C] =	sst s10  }
0x35: {  	s10 =	sld [smem:$0x3F9B];
	_ =	sdelay $0x3  }
0x36: {  	p1 =	seq.s32 s10, $0x1;
	s10 =	sld [smem:$0x3F9C];
	_ =	sdelay $0x3  }
0x37: {  	[smem:$0x3F9C] =	sst s10  }
0x38: {  	s10 =	sld [smem:$0x3F9D]  }
0x39: {  	_ = 	snop;
	(pc) =	sbr.ind lr, $3  }
0x3a: {  	_ = 	snop  }
0x3b: {  	_ = 	snop  }
0x3c: {  	p2 =	seq.s32 s10, $0x1;
	s10 =	sld [smem:$0x3F9C]  }
0x3d: {  	_ =	shalt  }
0x3e: {  	_ =	shalt  }
0x3f: {  	_ =	shalt  }
0x40: {  	_ =	shalt  }
0x41: {  	_ =	shalt  }
0x42: {  	_ =	shalt  }
0x43: {  	_ =	shalt  }
0x44: {  	_ =	shalt  }
0x45: {  	_ =	shalt  }
0x46: {  	_ =	shalt  }
0x47: {  	_ =	shalt  }
0x48: {  	_ =	shalt  }
0x49: {  	_ =	shalt  }
0x4a: {  	_ =	shalt  }
0x4b: {  	_ =	shalt  }
0x4c: {  	_ =	shalt  }
0x4d: {  	_ =	shalt  }
0x4e: {  	_ =	shalt  }
0x4f: {  	_ =	shalt  }
0x50: {  	_ =	shalt  }
0x51: {  	_ =	shalt  }
0x52: {  	_ =	shalt  }
0x53: {  	_ =	shalt  }
0x54: {  	_ =	shalt  }
0x55: {  	_ =	shalt  }
0x56: {  	_ =	shalt  }
0x57: {  	_ =	shalt  }
0x58: {  	_ =	shalt  }
0x59: {  	_ =	shalt  }
0x5a: {  	_ =	shalt  }
0x5b: {  	_ =	shalt  }
0x5c: {  	_ =	shalt  }
0x5d: {  	_ =	shalt  }
0x5e: {  	_ =	shalt  }
0x5f: {  	_ =	shalt  }
0x60: {  	_ =	shalt  }
0x61: {  	_ =	shalt  }
0x62: {  	_ =	shalt  }
0x63: {  	_ =	shalt  }
0x64: {  	_ =	shalt  }
0x65: {  	_ =	shalt  }
0x66: {  	_ =	shalt  }
0x67: {  	_ =	shalt  }
0x68: {  	_ =	shalt  }
0x69: {  	_ =	shalt  }
0x6a: {  	_ =	shalt  }
0x6b: {  	_ =	shalt  }
0x6c: {  	_ =	shalt  }
0x6d: {  	_ =	shalt  }
0x6e: {  	_ =	shalt  }
0x6f: {  	_ =	shalt  }
0x70: {  	_ =	shalt  }
0x71: {  	_ =	shalt  }
0x72: {  	_ =	shalt  }
0x73: {  	_ =	shalt  }
0x74: {  	_ =	shalt  }
0x75: {  	_ =	shalt  }
0x76: {  	_ =	shalt  }
0x77: {  	_ =	shalt  }
0x78: {  	_ =	shalt  }
0x79: {  	_ =	shalt  }
0x7a: {  	_ =	shalt  }
0x7b: {  	_ =	shalt  }
0x7c: {  	_ =	shalt  }
0x7d: {  	_ =	shalt  }
0x7e: {  	_ =	shalt  }
0x7f: {  	_ =	shalt  }
0x80: {  	_ =	shalt  }
0x81: {  	_ =	shalt  }
0x82: {  	_ =	shalt  }
0x83: {  	_ =	shalt  }
0x84: {  	_ =	shalt  }
0x85: {  	_ =	shalt  }
0x86: {  	_ =	shalt  }
0x87: {  	_ =	shalt  }
.Lfunc_end0:
.L_simem_size_0:
called_computation.1_lowered:
.L_overlay_start_0:
0x88: {  	s2 =	sld [smem:$0x3FD9]  }
0x89: {  	s3 =	sld [smem:$0x3FFE];
	_ =	sdelay $0x1  }
0x8a: {  	s1 =	srdreg.scid  }
0x8b: {  	s0 =	sand.u32 $0x1, s1  }
0x8c: {  	s14 =	sshll.u32 s0, $0xA;
	s2 =	sadd.s32 s3, s2  }
0x8d: {  	s2 =	sadd.s32 s2, s14  }
0x8e: {  	[smem:$0x3FA8] =	sst s2  }
0x8f: {  	_ = 	snop  }
0x90: {  	s2 =	sld [smem:$0x3FD0];
	_ =	sdelay $0x2  }
0x91: {  	s15 =	simm.s32 $0xA;
	s4 =	simm.s32 $0x10  }
0x92: {  	[smem:s4], [sflag:s15] =	dma.local [hbm:s2], $0x1  }
0x93: {  	_ =	swait.eq [sflag:s15], $0x1  }
0x94: {  	[sflag:s15] =	ssyncset.done $0x0  }
0x95: {  	s16 =	sld [smem:$0x10];
	[sflag:s15] =	ssyncadd.s32 $0xFFFFFFFF  }
0x96: {  	s17 =	sld [smem:$0x13];
	(tm) =	ssettm $0x1  }
0x97: {  	s18 =	sld [smem:$0x3FFB];
	_ =	sdelay $0x3  }
0x98: {  	_ =	strace s18  }
0x99: {  	s4 =	sld [smem:$0x3FFC];
	_ =	sdelay $0x3  }
0x9a: {  	_ =	strace s4  }
0x9b: {  	s4 =	sld [smem:$0x3FFD];
	_ =	sdelay $0x3  }
0x9c: {  	_ =	strace s4  }
0x9d: {  	_ =	strace $0x8FFFFFFF  }
0x9e: {  	s19 =	sld [smem:$0x3FDB];
	_ =	sdelay $0x1  }
0x9f: {  	s5 =	simm.s32 $_scs_section_size  }
0xa0: {  	s6 =	simm.s32 $_size__tile_overlayer_lowered;
	s7 =	simm.s32 $_tile_overlayer_lowered  }
0xa1: {  	s22 =	simm.s32 $0x1BFF;
	s21 =	sshll.u32 s7, $0x1;
	s4 =	sadd.s32 s5, s19  }
0xa2: {  	s8 =	simm.s32 $0x0;
	s20 =	sshll.u32 s6, $0x1;
	s6 =	sadd.s32 s21, s4  }
0xa3: {  	[timem:s8], [sflag:s22] =	dma.local [hbm:s6], s20  }
0xa4: {  	_ =	swait.ge [sflag:s22], s20  }
0xa5: {  	s5 =	ssub.s32 $0x0, s20;
	[sflag:s22] =	ssyncset.done $0x0  }
0xa6: {  	[sflag:s22] =	ssyncadd.s32 s5;
	_ =	sdelay $0x1  }
0xa7: {  	s23 =	simm.s32 $0x1B8B  }
0xa8: {  	_ =	swait.ge [sflag:s23], $0x1  }
0xa9: {  	[sflag:s23] =	ssyncset.done $0x0  }
0xaa: {  	s25 =	simm.s32 $0x1B8E;
	s24 =	sld [smem:$0x3FFE];
	[sflag:s23] =	ssyncadd.s32 $0xFFFFFFFF  }
0xab: {  	s26 =	simm.s32 $execute0_lowered;
	[smem:$0x3FD2] =	sst s25  }
0xac: {  	s6 =	sshll.u32 s26, $0x1;
	_ =	strace $0x80000049;
	[dreg:$0x1] =	wrdreg $0xFFFFFFFF  }
0xad: {  	s28 =	simm.s32 $_size_execute0_lowered;
	s4 =	sadd.s32 s4, s6;
	[dreg:$0x0] =	wrdreg $0x0  }
0xae: {  	s6 =	sshll.u32 s28, $0x1;
	[dreg:$0x2] =	wrdreg s4  }
0xaf: {  	[dreg:$0x3] =	wrdreg s6  }
0xb0: {  	[dreg:$0x4] =	wrdreg $0xC0  }
0xb1: {  	_ =	task [dreg:s8], $0x5FFFF  }
0xb2: {  	[dreg:$0x1] =	wrdreg $0xFFFFFFFF  }
0xb3: {  	[dreg:$0x0] =	wrdreg $0x60  }
0xb4: {  	[dreg:$0x2] =	wrdreg s16  }
0xb5: {  	[dreg:$0x3] =	wrdreg s17  }
0xb6: {  	[dreg:$0x4] =	wrdreg s24  }
0xb7: {  	[dreg:$0x5] =	wrdreg $0xA3C00  }
0xb8: {  	[dreg:$0x6] =	wrdreg $0x9  }
0xb9: {  	_ =	task.clear_ibuf [dreg:s8], $0x7FFFF;
	_ =	strace $0x90000049  }
0xba: {  	s29 =	simm.s32 $0x9;
	_ =	strace $0x8000004B  }
0xbb: {  	_ =	swait.ge [sflag:s29], $0x1  }
0xbc: {  	[sflag:s29] =	ssyncadd.s32 $0xFFFFFFFF  }
0xbd: {  	_ =	strace $0x9000004B  }
0xbe: {  	_ =	sfence  }
0xbf: {  	s30 =	sld [smem:$0x0];
	_ =	sdelay $0x2  }
0xc0: {  	s31 =	sshll.u32 s1, $0xD;
	s1 =	sshrl.u32 s1, $0x2  }
0xc1: {  	s3 =	sand.u32 $0x4000, s31;
	s1 =	sadd.s32 s1, s30  }
0xc2: {  	s0 =	sor.u32 s3, s0;
	s1 =	sshll.u32 s1, $0x11  }
0xc3: {  	s0 =	sor.u32 s1, s0  }
0xc4: {  	s0 =	sadd.s32 $0x8F2B, s0  }
0xc5: {  	[sflag:s0] =	ssyncadd.remote.s32 $0x1  }
0xc6: {  	_ =	sfence.sel $0xFFFF  }
0xc7: {  	[dreg:$0x0] =	wrdreg $0xFFFFFFFF;
	(pc) =	sbr.abs _section_cstart, $3  }
0xc8: {  	[dreg:$0x1] =	wrdreg $0xFFFFFFFF  }
0xc9: {  	_ =	task.clear_ibuf [dreg:s8], $0x2FFFF;
	_ =	strace $0x9FFFFFFF  }
0xca: {  	(tm) =	ssettm $0x7FFFFFFF  }
0xcb: {  	_ =	shalt  }
tec
execute0_lowered:
.L_overlay_start_1:
0x0: {  	(tag) =	ssettag $0x1  }
0x1: {  	s1 =	rddreg [dreg:$0x0]  }
0x2: {  	s5 =	rddreg [dreg:$0x1]  }
0x3: {  	s6 =	rddreg [dreg:$0x2]  }
0x4: {  	s3 =	rddreg [dreg:$0x3]  }
0x5: {  	s4 =	srdreg.scid;
	s0 =	stileid.u32  }
0x6: {  	s17 =	simm.s32 $0x3;
	s19 =	simm.s32 $0x9000;
	s20 =	simm.s32 $0x80  }
0x7: {  	s21 =	simm.s32 $0x5000;
	s22 =	simm.s32 $0x7000;
	s23 =	simm.s32 $0x1  }
0x8: {  	s24 =	simm.s32 $0x2;
	s25 =	simm.s32 $0x2780;
	s26 =	simm.s32 $0x4F00  }
0x9: {  	s28 =	simm.s32 $0x4F80;
	s29 =	simm.s32 $0x0;
	s8 =	smul.u32 $0x9E00, s0  }
0xa: {  	s7 =	sand.u32 $0x1, s4;
	s4 =	simm.s32 $0x0;
	s11 =	smul.u32 $0x27800, s0  }
0xb: {  	s9 =	sshll.u32 s7, $0x4;
	s10 =	smul.u32 $0x9E000, s7;
	[smem:$0x7FF] =	sst s4  }
0xc: {  	s7 =	ssub.s32 $0x2, s7;
	s9 =	sor.u32 s0, s9;
	_ =	strace $0x8000004A  }
0xd: {  	s30 =	sshrl.u32 s7, $0x1;
	s31 =	sshrl.u32 s11, $0x2;
	s9 =	smul.u32 $0x500, s9  }
0xe: {  	s10 =	sadd.s32 s8, s10;
	s16 =	ssub.s32 s7, s30;
	s14 =	sadd.s32 s31, s3  }
0xf: {  	s7 =	sadd.s32 s8, s3;
	s10 =	sshrl.u32 s10, $0x3;
	s8 =	sadd.s32 $0x13C0, s14  }
0x10: {  	s11 =	sadd.s32 $0x4F00, s14;
	s13 =	sadd.s32 $0x7680, s14;
	s16 =	smax.u32 s16, $0x1  }
0x11: {  	s12 =	sadd.s32 s9, s6;
	s15 =	sadd.s32 s10, s6;
	s5 =	sadd.s32 s5, s9  }
0x12: {  	s9 =	sadd.s32 $0x2780, s14;
	s10 =	sadd.s32 $0x3B40, s14;
	s6 =	sadd.s32 $0x5000, s12  }
0x13: {  	v0 =	vimm.f32 $0.0e+00;
	s12 =	sadd.s32 $0x62C0, s14;
	s14 =	sadd.s32 $0x8A40, s14;
	s15 =	sadd.s32 $0xF000, s15  }
.LBB2_1:
0x14: {  	[tilespmem:s4], [sflag:$0x3] =	stream.linear.gather [hbm4b:s5+s4], $0x2800, $0x38;
	[tilespmem:$0x141C0] =	vst v63  }
0x15: {  	_ =	swait.ge [sflag:s17], $0x2800  }
0x16: {  	[sflag:s17] =	ssyncset.done $0x0  }
0x17: {  	s0 =	simm.s32 $0x2800;
	[sflag:s17] =	ssyncadd.s32 $0xFFFFD800  }
0x18: {  	[tilespmem:s0], [sflag:$0x3] =	stream.linear.gather [hbm4b:s6+s4], $0x2800, $0x38;
	[tilespmem:$0x141C0] =	vst v63  }
0x19: {  	_ =	swait.ge [sflag:s17], $0x2800  }
0x1a: {  	[sflag:s17] =	ssyncset.done $0x0  }
0x1b: {  	s31 =	simm.s32 $0x100;
	s30 =	simm.s32 $0x0;
	[sflag:s17] =	ssyncadd.s32 $0xFFFFD800  }
.LBB2_2:
0x1c: {  	p0 =	sne.s32 s31, $0x4E00;
	[tilespmem:s30+$0x9030] =	vst v0;
	s0 =	smov.u32 s31;
	s31 =	sadd.s32 $0x100, s31  }
.Ltmp0:
0x1d: {  	[tilespmem:s30+$0x9020] =	vst v0;
	(pc) =	sbr.rel @p0 .LBB2_2-.Ltmp0, $3  }
0x1e: {  	[tilespmem:s30+$0x9000] =	vst v0  }
0x1f: {  	[tilespmem:s30+$0x9010] =	vst v0;
	_ =	sdelay $0x1  }
0x20: {  	s30 =	sshra.s32 s0, $0x2  }
0x21: {  	[tilespmem:s30+$0x9030] =	vst v0  }
0x22: {  	[tilespmem:s30+$0x9020] =	vst v0  }
0x23: {  	[tilespmem:s30+$0x9000] =	vst v0  }
0x24: {  	[tilespmem:s30+$0x9010] =	vst v0  }
0x25: {  	[spmem:s7] =	stream.linear.scatter [tilespmem:s19], [sflag:$0x3], $0x13C0, $0x38;
	[tilespmem:$0x141C0] =	vst v63  }
0x26: {  	_ =	swait.ge [sflag:s17], $0x13C0  }
0x27: {  	[sflag:s17] =	ssyncset.done $0x0  }
0x28: {  	[sflag:s17] =	ssyncadd.s32 $0xFFFFEC40  }
0x29: {  	[spmem:s8] =	stream.linear.scatter [tilespmem:s19], [sflag:$0x3], $0x13C0, $0x38;
	[tilespmem:$0x141C0] =	vst v63  }
0x2a: {  	_ =	swait.ge [sflag:s17], $0x13C0  }
0x2b: {  	[sflag:s17] =	ssyncset.done $0x0  }
0x2c: {  	[sflag:s17] =	ssyncadd.s32 $0xFFFFEC40  }
0x2d: {  	[spmem:s9] =	stream.linear.scatter [tilespmem:s19], [sflag:$0x3], $0x13C0, $0x38;
	[tilespmem:$0x141C0] =	vst v63  }
0x2e: {  	_ =	swait.ge [sflag:s17], $0x13C0  }
0x2f: {  	[sflag:s17] =	ssyncset.done $0x0  }
0x30: {  	[sflag:s17] =	ssyncadd.s32 $0xFFFFEC40  }
0x31: {  	[spmem:s10] =	stream.linear.scatter [tilespmem:s19], [sflag:$0x3], $0x13C0, $0x38;
	[tilespmem:$0x141C0] =	vst v63  }
0x32: {  	_ =	swait.ge [sflag:s17], $0x13C0  }
0x33: {  	[sflag:s17] =	ssyncset.done $0x0  }
0x34: {  	[sflag:s17] =	ssyncadd.s32 $0xFFFFEC40  }
0x35: {  	[spmem:s11] =	stream.linear.scatter [tilespmem:s19], [sflag:$0x3], $0x13C0, $0x38;
	[tilespmem:$0x141C0] =	vst v63  }
0x36: {  	_ =	swait.ge [sflag:s17], $0x13C0  }
0x37: {  	[sflag:s17] =	ssyncset.done $0x0  }
0x38: {  	[sflag:s17] =	ssyncadd.s32 $0xFFFFEC40  }
0x39: {  	[spmem:s12] =	stream.linear.scatter [tilespmem:s19], [sflag:$0x3], $0x13C0, $0x38;
	[tilespmem:$0x141C0] =	vst v63  }
0x3a: {  	_ =	swait.ge [sflag:s17], $0x13C0  }
0x3b: {  	[sflag:s17] =	ssyncset.done $0x0  }
0x3c: {  	[sflag:s17] =	ssyncadd.s32 $0xFFFFEC40  }
0x3d: {  	[spmem:s13] =	stream.linear.scatter [tilespmem:s19], [sflag:$0x3], $0x13C0, $0x38;
	[tilespmem:$0x141C0] =	vst v63  }
0x3e: {  	_ =	swait.ge [sflag:s17], $0x13C0  }
0x3f: {  	[sflag:s17] =	ssyncset.done $0x0  }
0x40: {  	[sflag:s17] =	ssyncadd.s32 $0xFFFFEC40  }
0x41: {  	[spmem:s14] =	stream.linear.scatter [tilespmem:s19], [sflag:$0x3], $0x13C0, $0x38;
	[tilespmem:$0x141C0] =	vst v63  }
0x42: {  	_ =	swait.ge [sflag:s17], $0x13C0  }
0x43: {  	[sflag:s17] =	ssyncset.done $0x0  }
0x44: {  	[sflag:s17] =	ssyncadd.s32 $0xFFFFEC40  }
0x45: {  	s0 =	simm.s32 $0x0;
	[bflag:$0x0] =	sbarrier.arrive $0xFFFF  }
0x46: {  	[tilespmem:s21], [sflag:$0x1] =	stream.indirect.gather [hbm4b:s1+s20], $0x40, s0, s20, $0xb8;
	[tilespmem:$0x141C0] =	vst v63  }
0x47: {  	s2 =	simm.s32 $0x80  }
0x48: {  	[tilespmem:s22], [sflag:$0x2] =	stream.indirect.gather [hbm4b:s1+s20], $0x40, s2, s20, $0xb8;
	[tilespmem:$0x141C0] =	vst v63  }
0x49: {  	_ =	swait.ge [sflag:s23], $0x2000  }
0x4a: {  	[sflag:s23] =	ssyncset.done $0x0  }
0x4b: {  	s18 =	simm.s32 $0x2800;
	[sflag:s23] =	ssyncadd.s32 $0xFFFFE000  }
0x4c: {  	[spmem:s3] =	stream.indirect.scatter.add.f32 [tilespmem:s21], [sflag:$0x3], $0x40, s18, s20, $0xb8;
	[tilespmem:$0x141C0] =	vst v63  }
0x4d: {  	_ =	swait.ge [sflag:s17], $0x2000  }
0x4e: {  	[sflag:s17] =	ssyncset.done $0x0  }
0x4f: {  	s2 =	simm.s32 $0x100;
	[sflag:s17] =	ssyncadd.s32 $0xFFFFE000  }
0x50: {  	[tilespmem:s21], [sflag:$0x1] =	stream.indirect.gather [hbm4b:s1+s20], $0x40, s2, s20, $0xb8;
	[tilespmem:$0x141C0] =	vst v63  }
0x51: {  	_ =	swait.ge [sflag:s24], $0x2000  }
0x52: {  	[sflag:s24] =	ssyncset.done $0x0  }
0x53: {  	s18 =	simm.s32 $0x2880;
	[sflag:s24] =	ssyncadd.s32 $0xFFFFE000  }
0x54: {  	[spmem:s3] =	stream.indirect.scatter.add.f32 [tilespmem:s22], [sflag:$0x3], $0x40, s18, s20, $0xb8;
	[tilespmem:$0x141C0] =	vst v63  }
0x55: {  	_ =	swait.ge [sflag:s17], $0x2000  }
0x56: {  	s31 =	simm.s32 $0x800;
	s30 =	simm.s32 $0x100;
	[sflag:s17] =	ssyncset.done $0x0  }
.LBB2_4:
0x57: {  	s0 =	sadd.s32 $0x80, s30  }
0x58: {  	[sflag:s17] =	ssyncadd.s32 $0xFFFFE000;
	s2 =	smov.u32 s31;
	s18 =	sadd.s32 $0x400, s31  }
0x59: {  	[tilespmem:s22], [sflag:$0x2] =	stream.indirect.gather [hbm4b:s1+s20], $0x40, s0, s20, $0xb8;
	[tilespmem:$0x141C0] =	vst v63  }
0x5a: {  	p0 =	sne.s32 s31, $0x9800;
	_ =	swait.ge [sflag:s23], $0x2000  }
0x5b: {  	[sflag:s23] =	ssyncset.done $0x0  }
0x5c: {  	s0 =	sadd.s32 $0x2800, s30;
	[sflag:s23] =	ssyncadd.s32 $0xFFFFE000  }
0x5d: {  	[spmem:s3] =	stream.indirect.scatter.add.f32 [tilespmem:s21], [sflag:$0x3], $0x40, s0, s20, $0xb8;
	[tilespmem:$0x141C0] =	vst v63  }
0x5e: {  	_ =	swait.ge [sflag:s17], $0x2000  }
0x5f: {  	[sflag:s17] =	ssyncset.done $0x0  }
0x60: {  	s0 =	sadd.s32 $0x100, s30;
	[sflag:s17] =	ssyncadd.s32 $0xFFFFE000  }
0x61: {  	[tilespmem:s21], [sflag:$0x1] =	stream.indirect.gather [hbm4b:s1+s20], $0x40, s0, s20, $0xb8;
	[tilespmem:$0x141C0] =	vst v63  }
0x62: {  	_ =	swait.ge [sflag:s24], $0x2000  }
.Ltmp1:
0x63: {  	[sflag:s24] =	ssyncset.done $0x0;
	(pc) =	sbr.rel @p0 .LBB2_4-.Ltmp1, $4  }
0x64: {  	s0 =	sadd.s32 $0x2880, s30;
	[sflag:s24] =	ssyncadd.s32 $0xFFFFE000  }
0x65: {  	[spmem:s3] =	stream.indirect.scatter.add.f32 [tilespmem:s22], [sflag:$0x3], $0x40, s0, s20, $0xb8;
	[tilespmem:$0x141C0] =	vst v63  }
0x66: {  	_ =	swait.ge [sflag:s17], $0x2000  }
0x67: {  	s31 =	smov.u32 s18;
	s30 =	sshra.s32 s2, $0x2;
	[sflag:s17] =	ssyncset.done $0x0  }
0x68: {  	s0 =	sadd.s32 $0x80, s30;
	[sflag:s17] =	ssyncadd.s32 $0xFFFFE000  }
0x69: {  	[tilespmem:s22], [sflag:$0x2] =	stream.indirect.gather [hbm4b:s1+s20], $0x40, s0, s20, $0xb8;
	[tilespmem:$0x141C0] =	vst v63  }
0x6a: {  	_ =	swait.ge [sflag:s23], $0x2000  }
0x6b: {  	[sflag:s23] =	ssyncset.done $0x0  }
0x6c: {  	s2 =	sadd.s32 $0x2800, s30;
	[sflag:s23] =	ssyncadd.s32 $0xFFFFE000  }
0x6d: {  	[spmem:s3] =	stream.indirect.scatter.add.f32 [tilespmem:s21], [sflag:$0x3], $0x40, s2, s20, $0xb8;
	[tilespmem:$0x141C0] =	vst v63  }
0x6e: {  	_ =	swait.ge [sflag:s17], $0x2000  }
0x6f: {  	[sflag:s17] =	ssyncset.done $0x0  }
0x70: {  	s18 =	sadd.s32 $0x100, s30;
	[sflag:s17] =	ssyncadd.s32 $0xFFFFE000  }
0x71: {  	[tilespmem:s21], [sflag:$0x1] =	stream.indirect.gather [hbm4b:s1+s20], $0x40, s18, s20, $0xb8;
	[tilespmem:$0x141C0] =	vst v63  }
0x72: {  	_ =	swait.ge [sflag:s24], $0x2000  }
0x73: {  	[sflag:s24] =	ssyncset.done $0x0  }
0x74: {  	s30 =	sadd.s32 $0x2880, s30;
	[sflag:s24] =	ssyncadd.s32 $0xFFFFE000  }
0x75: {  	[spmem:s3] =	stream.indirect.scatter.add.f32 [tilespmem:s22], [sflag:$0x3], $0x40, s30, s20, $0xb8;
	[tilespmem:$0x141C0] =	vst v63  }
0x76: {  	_ =	swait.ge [sflag:s17], $0x2000  }
0x77: {  	[sflag:s17] =	ssyncset.done $0x0  }
0x78: {  	[sflag:s17] =	ssyncadd.s32 $0xFFFFE000  }
0x79: {  	[tilespmem:s22], [sflag:$0x2] =	stream.indirect.gather [hbm4b:s1+s20], $0x40, s25, s20, $0xb8;
	[tilespmem:$0x141C0] =	vst v63  }
0x7a: {  	_ =	swait.ge [sflag:s23], $0x2000  }
0x7b: {  	[sflag:s23] =	ssyncset.done $0x0  }
0x7c: {  	[sflag:s23] =	ssyncadd.s32 $0xFFFFE000  }
0x7d: {  	[spmem:s3] =	stream.indirect.scatter.add.f32 [tilespmem:s21], [sflag:$0x3], $0x40, s26, s20, $0xb8;
	[tilespmem:$0x141C0] =	vst v63  }
0x7e: {  	_ =	swait.ge [sflag:s17], $0x2000  }
0x7f: {  	[sflag:s17] =	ssyncset.done $0x0  }
0x80: {  	[sflag:s17] =	ssyncadd.s32 $0xFFFFE000  }
0x81: {  	_ =	swait.ge [sflag:s24], $0x2000  }
0x82: {  	[sflag:s24] =	ssyncset.done $0x0  }
0x83: {  	[sflag:s24] =	ssyncadd.s32 $0xFFFFE000  }
0x84: {  	[spmem:s3] =	stream.indirect.scatter.add.f32 [tilespmem:s22], [sflag:$0x3], $0x40, s28, s20, $0xb8;
	[tilespmem:$0x141C0] =	vst v63  }
0x85: {  	s31 =	stileid.u32;
	_ =	swait.ge [sflag:s17], $0x2000  }
0x86: {  	s29 =	sadd.s32 $0x1, s29;
	s0 =	sshll.u32 s31, $0x6;
	[sflag:s17] =	ssyncset.done $0x0  }
0x87: {  	p0 =	sne.s32 s29, s16;
	s0 =	sor.u32 $0x1C03, s0;
	[sflag:s17] =	ssyncadd.s32 $0xFFFFE000  }
.Ltmp2:
0x88: {  	s2 =	sshrl.u32 s7, $0x3;
	[bflag:$0x0] =	sbarrier.arrive $0xFFFF;
	(pc) =	sbr.rel @p0 .LBB2_1-.Ltmp2, $4  }
0x89: {  	[hbm:s15], [sflag:s0] =	dma.local [spmem:s2], $0x13C0  }
0x8a: {  	_ =	swait.ge [sflag:s17], $0x13C0  }
0x8b: {  	[sflag:s17] =	ssyncset.done $0x0  }
0x8c: {  	[sflag:s17] =	ssyncadd.s32 $0xFFFFEC40  }
0x8d: {  	_ =	sfence.sel $0x180000  }
0x8e: {  	[bflag:$0x0] =	sbarrier.arrive $0xFFFF  }
0x8f: {  	_ =	strace $0x9000004A  }
0x90: {  	s0 =	stileid.u32;
	[bflag:$0x2] =	sbarrier.arrive $0xFFFF  }
0x91: {  	p0 =	sne.s32 s0, $0x0;
	s0 =	rddreg [dreg:$0x4]  }
0x92: {  	s0 =	sadd.s32 @!p0 $0x100000, s0  }
0x93: {  	[sflag:s0] =	ssyncadd.tile.s32 @!p0 $0x1;
	_ =	shalt  }
.Lfunc_end2:
_tile_overlayer_lowered:
.L_overlay_start_2:
0x94: {  	(tag) =	ssettag $0x2  }
0x95: {  	s0 =	rddreg [dreg:$0x0];
	s2 =	stileid.u32  }
0x96: {  	s1 =	rddreg [dreg:$0x1];
	p0 =	sne.s32 s2, $0x0  }
0x97: {  	s3 =	rddreg [dreg:$0x2];
	[bflag:$0x3] =	sbarrier.arrive $0xFFFF;
	s2 =	simm.s32 @!p0 $0x1C03  }
0x98: {  	[timem:s3], [sflag:s2] =	dma.local @!p0 [hbm:s0], s1  }
0x99: {  	s0 =	simm.s32 @!p0 $0x3  }
0x9a: {  	_ =	swait.ge @!p0 [sflag:s0], s1  }
0x9b: {  	s1 =	ssub.s32 @!p0 $0x0, s1;
	[sflag:s0] =	ssyncset.done @!p0 $0x0  }
0x9c: {  	[sflag:s0] =	ssyncadd.s32 @!p0 s1  }
0x9d: {  	[bflag:$0x3] =	sbarrier.arrive $0xFFFF  }
0x9e: {  	_ =	shalt  }

// kernel: kernel.16.cloned.1.call-start
scs
__scs_entry_jumppad:
0x0: {  	(pc) =	sbr.rel $0x88, $3  }
0x1: {  	(tag) =	ssettag $0x0;
	lr =	simm.s32 $0x1  }
0x2: {  	[smem:$0x3F81] =	sst lr;
	_ =	strace $0xD0000000  }
0x3: {  	_ = 	snop  }
0x4: {  	_ = 	snop  }
0x5: {  	_ = 	snop  }
0x6: {  	_ = 	snop  }
0x7: {  	_ = 	snop  }
__scs_overlays_trampoline_lowered:
0x8: {  	[smem:$0x3F90] =	sst s0  }
0x9: {  	[smem:$0x3F91] =	sst s1  }
0xa: {  	[smem:$0x3F92] =	sst s2  }
0xb: {  	[smem:$0x3F93] =	sst s3  }
0xc: {  	[smem:$0x3F94] =	sst s4  }
0xd: {  	[smem:$0x3F95] =	sst s5  }
0xe: {  	[smem:$0x3F96] =	sst s6  }
0xf: {  	[smem:$0x3F97] =	sst s7  }
0x10: {  	[smem:$0x3F98] =	sst s8  }
0x11: {  	[smem:$0x3F99] =	sst s9;
	s0 =	simm.s32 @!p0 $0x0  }
0x12: {  	s1 =	sld [smem:$0x3F7F];
	s0 =	simm.s32 @p0 $0x1  }
0x13: {  	[smem:$0x3F9A] =	sst s0;
	s0 =	simm.s32 @!p1 $0x0  }
0x14: {  	s2 =	sld [smem:$0x3F7E];
	s0 =	simm.s32 @p1 $0x1  }
0x15: {  	[smem:$0x3F9B] =	sst s0;
	s0 =	simm.s32 @!p2 $0x0  }
0x16: {  	s3 =	sld [smem:$0x3FDB];
	s0 =	simm.s32 @p2 $0x1  }
0x17: {  	s4 =	simm.s32 $0x1BF5;
	[smem:$0x3F9D] =	sst s0  }
0x18: {  	s0 =	sld [smem:$0x3F80];
	_ =	swait.ge [sflag:s4], $0x0  }
0x19: {  	s7 =	sld [smem:$0x3F81]  }
0x1a: {  	s8 =	sadd.s32 $0xFFFFE003, lr  }
0x1b: {  	s9 =	sadd.s32 $0xFFFFFEF7, lr;
	s5 =	simm.s32 $0xFFFFFFFF;
	p2 =	slt.u32 s8, $0xFFFFF086  }
0x1c: {  	p1 =	slt.u32 s9, $0xF7A;
	s5 =	simm.s32 @!p2 $0x0  }
0x1d: {  	s5 =	simm.s32 @p1 $0x1;
	p0 =	seq.s32 s7, s2  }
0x1e: {  	s7 =	smul.u32 @!p0 $0xF7A, s2;
	p2 =	seq.s32 @!p0 s5, $0x0  }
0x1f: {  	s9 =	smul.u32 $0xF7A, s1;
	s8 =	simm.s32 @!p0 $0x1BF5;
	p2 =	por !p2, p0  }
0x20: {  	[sflag:s8] =	ssyncset.s32 @!p0 $0xFFFFF086;
	s6 =	sadd.s32 @!p0 s3, s7;
	s7 =	simm.s32 @!p0 $0x108  }
0x21: {  	s3 =	sadd.s32 s3, s9;
	s6 =	sadd.s32 @!p0 $0x88, s6;
	s7 =	simm.s32 @p2 $0x1082  }
0x22: {  	[simem:s7], [sflag:s8] =	dma.local @!p0 [hbm:s6], $0xF7A  }
0x23: {  	s9 =	sor.u32 $0xD0000000, s2;
	s6 =	simm.s32 $0x108;
	_ =	swait.ge @!p0 [sflag:s8], $0x0  }
0x24: {  	s3 =	sadd.s32 $0x88, s3;
	s6 =	simm.s32 @!p1 $0x1082;
	[sflag:s4] =	ssyncset.s32 $0xFFFFF086  }
0x25: {  	[simem:s6], [sflag:s4] =	dma.local [hbm:s3], $0xF7A  }
0x26: {  	[smem:$0x3F81] =	sst s1;
	(tag) =	ssettag s2;
	_ =	strace s9  }
0x27: {  	s1 =	sld [smem:$0x3F91]  }
0x28: {  	s2 =	sld [smem:$0x3F92]  }
0x29: {  	s4 =	sld [smem:$0x3F94]  }
0x2a: {  	p0 =	seq.s32 s5, $0x0;
	s5 =	sld [smem:$0x3F95]  }
0x2b: {  	s6 =	sld [smem:$0x3F96]  }
0x2c: {  	s7 =	sld [smem:$0x3F97]  }
0x2d: {  	s3 =	simm.s32 $0x108;
	s8 =	sld [smem:$0x3F98]  }
0x2e: {  	s3 =	simm.s32 @!p0 $0x1082;
	s9 =	sld [smem:$0x3F99]  }
0x2f: {  	lr =	sadd.s32 s0, s3;
	s0 =	sld [smem:$0x3F90]  }
0x30: {  	s3 =	sld [smem:$0x3F93]  }
0x31: {  	[smem:$0x3F9C] =	sst s10  }
0x32: {  	s10 =	sld [smem:$0x3F9A];
	_ =	sdelay $0x3  }
0x33: {  	p0 =	seq.s32 s10, $0x1;
	s10 =	sld [smem:$0x3F9C];
	_ =	sdelay $0x3  }
0x34: {  	[smem:$0x3F9C] =	sst s10  }
0x35: {  	s10 =	sld [smem:$0x3F9B];
	_ =	sdelay $0x3  }
0x36: {  	p1 =	seq.s32 s10, $0x1;
	s10 =	sld [smem:$0x3F9C];
	_ =	sdelay $0x3  }
0x37: {  	[smem:$0x3F9C] =	sst s10  }
0x38: {  	s10 =	sld [smem:$0x3F9D]  }
0x39: {  	_ = 	snop;
	(pc) =	sbr.ind lr, $3  }
0x3a: {  	_ = 	snop  }
0x3b: {  	_ = 	snop  }
0x3c: {  	p2 =	seq.s32 s10, $0x1;
	s10 =	sld [smem:$0x3F9C]  }
0x3d: {  	_ =	shalt  }
0x3e: {  	_ =	shalt  }
0x3f: {  	_ =	shalt  }
0x40: {  	_ =	shalt  }
0x41: {  	_ =	shalt  }
0x42: {  	_ =	shalt  }
0x43: {  	_ =	shalt  }
0x44: {  	_ =	shalt  }
0x45: {  	_ =	shalt  }
0x46: {  	_ =	shalt  }
0x47: {  	_ =	shalt  }
0x48: {  	_ =	shalt  }
0x49: {  	_ =	shalt  }
0x4a: {  	_ =	shalt  }
0x4b: {  	_ =	shalt  }
0x4c: {  	_ =	shalt  }
0x4d: {  	_ =	shalt  }
0x4e: {  	_ =	shalt  }
0x4f: {  	_ =	shalt  }
0x50: {  	_ =	shalt  }
0x51: {  	_ =	shalt  }
0x52: {  	_ =	shalt  }
0x53: {  	_ =	shalt  }
0x54: {  	_ =	shalt  }
0x55: {  	_ =	shalt  }
0x56: {  	_ =	shalt  }
0x57: {  	_ =	shalt  }
0x58: {  	_ =	shalt  }
0x59: {  	_ =	shalt  }
0x5a: {  	_ =	shalt  }
0x5b: {  	_ =	shalt  }
0x5c: {  	_ =	shalt  }
0x5d: {  	_ =	shalt  }
0x5e: {  	_ =	shalt  }
0x5f: {  	_ =	shalt  }
0x60: {  	_ =	shalt  }
0x61: {  	_ =	shalt  }
0x62: {  	_ =	shalt  }
0x63: {  	_ =	shalt  }
0x64: {  	_ =	shalt  }
0x65: {  	_ =	shalt  }
0x66: {  	_ =	shalt  }
0x67: {  	_ =	shalt  }
0x68: {  	_ =	shalt  }
0x69: {  	_ =	shalt  }
0x6a: {  	_ =	shalt  }
0x6b: {  	_ =	shalt  }
0x6c: {  	_ =	shalt  }
0x6d: {  	_ =	shalt  }
0x6e: {  	_ =	shalt  }
0x6f: {  	_ =	shalt  }
0x70: {  	_ =	shalt  }
0x71: {  	_ =	shalt  }
0x72: {  	_ =	shalt  }
0x73: {  	_ =	shalt  }
0x74: {  	_ =	shalt  }
0x75: {  	_ =	shalt  }
0x76: {  	_ =	shalt  }
0x77: {  	_ =	shalt  }
0x78: {  	_ =	shalt  }
0x79: {  	_ =	shalt  }
0x7a: {  	_ =	shalt  }
0x7b: {  	_ =	shalt  }
0x7c: {  	_ =	shalt  }
0x7d: {  	_ =	shalt  }
0x7e: {  	_ =	shalt  }
0x7f: {  	_ =	shalt  }
0x80: {  	_ =	shalt  }
0x81: {  	_ =	shalt  }
0x82: {  	_ =	shalt  }
0x83: {  	_ =	shalt  }
0x84: {  	_ =	shalt  }
0x85: {  	_ =	shalt  }
0x86: {  	_ =	shalt  }
0x87: {  	_ =	shalt  }
.Lfunc_end0:
.L_simem_size_0:
called_computation.2_lowered:
.L_overlay_start_0:
0x88: {  	s2 =	sld [smem:$0x3FD9]  }
0x89: {  	s3 =	sld [smem:$0x3FFE];
	_ =	sdelay $0x1  }
0x8a: {  	s1 =	srdreg.scid  }
0x8b: {  	s0 =	sand.u32 $0x1, s1  }
0x8c: {  	s14 =	sshll.u32 s0, $0xA;
	s2 =	sadd.s32 s3, s2  }
0x8d: {  	s2 =	sadd.s32 s2, s14  }
0x8e: {  	[smem:$0x3FA8] =	sst s2  }
0x8f: {  	_ = 	snop  }
0x90: {  	s2 =	sld [smem:$0x3FD0];
	_ =	sdelay $0x2  }
0x91: {  	s15 =	simm.s32 $0xA;
	s4 =	simm.s32 $0x10  }
0x92: {  	[smem:s4], [sflag:s15] =	dma.local [hbm:s2], $0x1  }
0x93: {  	_ =	swait.eq [sflag:s15], $0x1  }
0x94: {  	[sflag:s15] =	ssyncset.done $0x0  }
0x95: {  	s16 =	sld [smem:$0x10];
	[sflag:s15] =	ssyncadd.s32 $0xFFFFFFFF  }
0x96: {  	s17 =	sld [smem:$0x13];
	(tm) =	ssettm $0x1  }
0x97: {  	s18 =	sld [smem:$0x3FFB];
	_ =	sdelay $0x3  }
0x98: {  	_ =	strace s18  }
0x99: {  	s4 =	sld [smem:$0x3FFC];
	_ =	sdelay $0x3  }
0x9a: {  	_ =	strace s4  }
0x9b: {  	s4 =	sld [smem:$0x3FFD];
	_ =	sdelay $0x3  }
0x9c: {  	_ =	strace s4  }
0x9d: {  	_ =	strace $0x8FFFFFFF  }
0x9e: {  	s19 =	sld [smem:$0x3FDB];
	_ =	sdelay $0x1  }
0x9f: {  	s5 =	simm.s32 $_scs_section_size  }
0xa0: {  	s6 =	simm.s32 $_size__tile_overlayer_lowered;
	s7 =	simm.s32 $_tile_overlayer_lowered  }
0xa1: {  	s22 =	simm.s32 $0x1BFF;
	s21 =	sshll.u32 s7, $0x1;
	s4 =	sadd.s32 s5, s19  }
0xa2: {  	s8 =	simm.s32 $0x0;
	s20 =	sshll.u32 s6, $0x1;
	s6 =	sadd.s32 s21, s4  }
0xa3: {  	[timem:s8], [sflag:s22] =	dma.local [hbm:s6], s20  }
0xa4: {  	_ =	swait.ge [sflag:s22], s20  }
0xa5: {  	s5 =	ssub.s32 $0x0, s20;
	[sflag:s22] =	ssyncset.done $0x0  }
0xa6: {  	[sflag:s22] =	ssyncadd.s32 s5;
	_ =	sdelay $0x1  }
0xa7: {  	s23 =	simm.s32 $0x1B8B  }
0xa8: {  	_ =	swait.ge [sflag:s23], $0x1  }
0xa9: {  	[sflag:s23] =	ssyncset.done $0x0  }
0xaa: {  	s25 =	simm.s32 $0x1B8E;
	s24 =	sld [smem:$0x3FFE];
	[sflag:s23] =	ssyncadd.s32 $0xFFFFFFFF  }
0xab: {  	s26 =	simm.s32 $execute0_lowered;
	[smem:$0x3FD2] =	sst s25  }
0xac: {  	s6 =	sshll.u32 s26, $0x1;
	_ =	strace $0x8000004C;
	[dreg:$0x1] =	wrdreg $0xFFFFFFFF  }
0xad: {  	s28 =	simm.s32 $_size_execute0_lowered;
	s4 =	sadd.s32 s4, s6;
	[dreg:$0x0] =	wrdreg $0x0  }
0xae: {  	s6 =	sshll.u32 s28, $0x1;
	[dreg:$0x2] =	wrdreg s4  }
0xaf: {  	[dreg:$0x3] =	wrdreg s6  }
0xb0: {  	[dreg:$0x4] =	wrdreg $0xC0  }
0xb1: {  	_ =	task [dreg:s8], $0x5FFFF  }
0xb2: {  	[dreg:$0x1] =	wrdreg $0xFFFFFFFF  }
0xb3: {  	[dreg:$0x0] =	wrdreg $0x60  }
0xb4: {  	[dreg:$0x2] =	wrdreg s16  }
0xb5: {  	[dreg:$0x3] =	wrdreg s17  }
0xb6: {  	[dreg:$0x4] =	wrdreg s24  }
0xb7: {  	[dreg:$0x5] =	wrdreg $0xA3C00  }
0xb8: {  	[dreg:$0x6] =	wrdreg $0x9  }
0xb9: {  	_ =	task.clear_ibuf [dreg:s8], $0x7FFFF;
	_ =	strace $0x9000004C  }
0xba: {  	s29 =	simm.s32 $0x9;
	_ =	strace $0x8000004E  }
0xbb: {  	_ =	swait.ge [sflag:s29], $0x1  }
0xbc: {  	[sflag:s29] =	ssyncadd.s32 $0xFFFFFFFF  }
0xbd: {  	_ =	strace $0x9000004E  }
0xbe: {  	_ =	sfence  }
0xbf: {  	s30 =	sld [smem:$0x0];
	_ =	sdelay $0x2  }
0xc0: {  	s31 =	sshll.u32 s1, $0xD;
	s1 =	sshrl.u32 s1, $0x2  }
0xc1: {  	s3 =	sand.u32 $0x4000, s31;
	s1 =	sadd.s32 s1, s30  }
0xc2: {  	s0 =	sor.u32 s3, s0;
	s1 =	sshll.u32 s1, $0x11  }
0xc3: {  	s0 =	sor.u32 s1, s0  }
0xc4: {  	s0 =	sadd.s32 $0x8F2B, s0  }
0xc5: {  	[sflag:s0] =	ssyncadd.remote.s32 $0x1  }
0xc6: {  	_ =	sfence.sel $0xFFFF  }
0xc7: {  	[dreg:$0x0] =	wrdreg $0xFFFFFFFF;
	(pc) =	sbr.abs _section_cstart, $3  }
0xc8: {  	[dreg:$0x1] =	wrdreg $0xFFFFFFFF  }
0xc9: {  	_ =	task.clear_ibuf [dreg:s8], $0x2FFFF;
	_ =	strace $0x9FFFFFFF  }
0xca: {  	(tm) =	ssettm $0x7FFFFFFF  }
0xcb: {  	_ =	shalt  }
tec
execute0_lowered:
.L_overlay_start_1:
0x0: {  	(tag) =	ssettag $0x1  }
0x1: {  	s1 =	rddreg [dreg:$0x0]  }
0x2: {  	s5 =	rddreg [dreg:$0x1]  }
0x3: {  	s6 =	rddreg [dreg:$0x2]  }
0x4: {  	s3 =	rddreg [dreg:$0x3]  }
0x5: {  	s4 =	srdreg.scid;
	s0 =	stileid.u32  }
0x6: {  	s17 =	simm.s32 $0x3;
	s19 =	simm.s32 $0x9000;
	s20 =	simm.s32 $0x80  }
0x7: {  	s21 =	simm.s32 $0x5000;
	s22 =	simm.s32 $0x7000;
	s23 =	simm.s32 $0x1  }
0x8: {  	s24 =	simm.s32 $0x2;
	s25 =	simm.s32 $0x2780;
	s26 =	simm.s32 $0x4F00  }
0x9: {  	s28 =	simm.s32 $0x4F80;
	s29 =	simm.s32 $0x0;
	s8 =	smul.u32 $0x9E00, s0  }
0xa: {  	s7 =	sand.u32 $0x1, s4;
	s4 =	simm.s32 $0x0;
	s11 =	smul.u32 $0x27800, s0  }
0xb: {  	s9 =	sshll.u32 s7, $0x4;
	s10 =	smul.u32 $0x9E000, s7;
	[smem:$0x7FF] =	sst s4  }
0xc: {  	s7 =	ssub.s32 $0x2, s7;
	s9 =	sor.u32 s0, s9;
	_ =	strace $0x8000004D  }
0xd: {  	s30 =	sshrl.u32 s7, $0x1;
	s31 =	sshrl.u32 s11, $0x2;
	s9 =	smul.u32 $0x500, s9  }
0xe: {  	s10 =	sadd.s32 s8, s10;
	s16 =	ssub.s32 s7, s30;
	s14 =	sadd.s32 s31, s3  }
0xf: {  	s7 =	sadd.s32 s8, s3;
	s10 =	sshrl.u32 s10, $0x3;
	s8 =	sadd.s32 $0x13C0, s14  }
0x10: {  	s11 =	sadd.s32 $0x4F00, s14;
	s13 =	sadd.s32 $0x7680, s14;
	s16 =	smax.u32 s16, $0x1  }
0x11: {  	s12 =	sadd.s32 s9, s6;
	s15 =	sadd.s32 s10, s6;
	s5 =	sadd.s32 s5, s9  }
0x12: {  	s9 =	sadd.s32 $0x2780, s14;
	s10 =	sadd.s32 $0x3B40, s14;
	s6 =	sadd.s32 $0x5000, s12  }
0x13: {  	v0 =	vimm.f32 $0.0e+00;
	s12 =	sadd.s32 $0x62C0, s14;
	s14 =	sadd.s32 $0x8A40, s14;
	s15 =	sadd.s32 $0xF000, s15  }
.LBB2_1:
0x14: {  	[tilespmem:s4], [sflag:$0x3] =	stream.linear.gather [hbm4b:s5+s4], $0x2800, $0x38;
	[tilespmem:$0x141C0] =	vst v63  }
0x15: {  	_ =	swait.ge [sflag:s17], $0x2800  }
0x16: {  	[sflag:s17] =	ssyncset.done $0x0  }
0x17: {  	s0 =	simm.s32 $0x2800;
	[sflag:s17] =	ssyncadd.s32 $0xFFFFD800  }
0x18: {  	[tilespmem:s0], [sflag:$0x3] =	stream.linear.gather [hbm4b:s6+s4], $0x2800, $0x38;
	[tilespmem:$0x141C0] =	vst v63  }
0x19: {  	_ =	swait.ge [sflag:s17], $0x2800  }
0x1a: {  	[sflag:s17] =	ssyncset.done $0x0  }
0x1b: {  	s31 =	simm.s32 $0x100;
	s30 =	simm.s32 $0x0;
	[sflag:s17] =	ssyncadd.s32 $0xFFFFD800  }
.LBB2_2:
0x1c: {  	p0 =	sne.s32 s31, $0x4E00;
	[tilespmem:s30+$0x9030] =	vst v0;
	s0 =	smov.u32 s31;
	s31 =	sadd.s32 $0x100, s31  }
.Ltmp0:
0x1d: {  	[tilespmem:s30+$0x9020] =	vst v0;
	(pc) =	sbr.rel @p0 .LBB2_2-.Ltmp0, $3  }
0x1e: {  	[tilespmem:s30+$0x9000] =	vst v0  }
0x1f: {  	[tilespmem:s30+$0x9010] =	vst v0;
	_ =	sdelay $0x1  }
0x20: {  	s30 =	sshra.s32 s0, $0x2  }
0x21: {  	[tilespmem:s30+$0x9030] =	vst v0  }
0x22: {  	[tilespmem:s30+$0x9020] =	vst v0  }
0x23: {  	[tilespmem:s30+$0x9000] =	vst v0  }
0x24: {  	[tilespmem:s30+$0x9010] =	vst v0  }
0x25: {  	[spmem:s7] =	stream.linear.scatter [tilespmem:s19], [sflag:$0x3], $0x13C0, $0x38;
	[tilespmem:$0x141C0] =	vst v63  }
0x26: {  	_ =	swait.ge [sflag:s17], $0x13C0  }
0x27: {  	[sflag:s17] =	ssyncset.done $0x0  }
0x28: {  	[sflag:s17] =	ssyncadd.s32 $0xFFFFEC40  }
0x29: {  	[spmem:s8] =	stream.linear.scatter [tilespmem:s19], [sflag:$0x3], $0x13C0, $0x38;
	[tilespmem:$0x141C0] =	vst v63  }
0x2a: {  	_ =	swait.ge [sflag:s17], $0x13C0  }
0x2b: {  	[sflag:s17] =	ssyncset.done $0x0  }
0x2c: {  	[sflag:s17] =	ssyncadd.s32 $0xFFFFEC40  }
0x2d: {  	[spmem:s9] =	stream.linear.scatter [tilespmem:s19], [sflag:$0x3], $0x13C0, $0x38;
	[tilespmem:$0x141C0] =	vst v63  }
0x2e: {  	_ =	swait.ge [sflag:s17], $0x13C0  }
0x2f: {  	[sflag:s17] =	ssyncset.done $0x0  }
0x30: {  	[sflag:s17] =	ssyncadd.s32 $0xFFFFEC40  }
0x31: {  	[spmem:s10] =	stream.linear.scatter [tilespmem:s19], [sflag:$0x3], $0x13C0, $0x38;
	[tilespmem:$0x141C0] =	vst v63  }
0x32: {  	_ =	swait.ge [sflag:s17], $0x13C0  }
0x33: {  	[sflag:s17] =	ssyncset.done $0x0  }
0x34: {  	[sflag:s17] =	ssyncadd.s32 $0xFFFFEC40  }
0x35: {  	[spmem:s11] =	stream.linear.scatter [tilespmem:s19], [sflag:$0x3], $0x13C0, $0x38;
	[tilespmem:$0x141C0] =	vst v63  }
0x36: {  	_ =	swait.ge [sflag:s17], $0x13C0  }
0x37: {  	[sflag:s17] =	ssyncset.done $0x0  }
0x38: {  	[sflag:s17] =	ssyncadd.s32 $0xFFFFEC40  }
0x39: {  	[spmem:s12] =	stream.linear.scatter [tilespmem:s19], [sflag:$0x3], $0x13C0, $0x38;
	[tilespmem:$0x141C0] =	vst v63  }
0x3a: {  	_ =	swait.ge [sflag:s17], $0x13C0  }
0x3b: {  	[sflag:s17] =	ssyncset.done $0x0  }
0x3c: {  	[sflag:s17] =	ssyncadd.s32 $0xFFFFEC40  }
0x3d: {  	[spmem:s13] =	stream.linear.scatter [tilespmem:s19], [sflag:$0x3], $0x13C0, $0x38;
	[tilespmem:$0x141C0] =	vst v63  }
0x3e: {  	_ =	swait.ge [sflag:s17], $0x13C0  }
0x3f: {  	[sflag:s17] =	ssyncset.done $0x0  }
0x40: {  	[sflag:s17] =	ssyncadd.s32 $0xFFFFEC40  }
0x41: {  	[spmem:s14] =	stream.linear.scatter [tilespmem:s19], [sflag:$0x3], $0x13C0, $0x38;
	[tilespmem:$0x141C0] =	vst v63  }
0x42: {  	_ =	swait.ge [sflag:s17], $0x13C0  }
0x43: {  	[sflag:s17] =	ssyncset.done $0x0  }
0x44: {  	[sflag:s17] =	ssyncadd.s32 $0xFFFFEC40  }
0x45: {  	s0 =	simm.s32 $0x0;
	[bflag:$0x0] =	sbarrier.arrive $0xFFFF  }
0x46: {  	[tilespmem:s21], [sflag:$0x1] =	stream.indirect.gather [hbm4b:s1+s20], $0x40, s0, s20, $0xb8;
	[tilespmem:$0x141C0] =	vst v63  }
0x47: {  	s2 =	simm.s32 $0x80  }
0x48: {  	[tilespmem:s22], [sflag:$0x2] =	stream.indirect.gather [hbm4b:s1+s20], $0x40, s2, s20, $0xb8;
	[tilespmem:$0x141C0] =	vst v63  }
0x49: {  	_ =	swait.ge [sflag:s23], $0x2000  }
0x4a: {  	[sflag:s23] =	ssyncset.done $0x0  }
0x4b: {  	s18 =	simm.s32 $0x2800;
	[sflag:s23] =	ssyncadd.s32 $0xFFFFE000  }
0x4c: {  	[spmem:s3] =	stream.indirect.scatter.add.f32 [tilespmem:s21], [sflag:$0x3], $0x40, s18, s20, $0xb8;
	[tilespmem:$0x141C0] =	vst v63  }
0x4d: {  	_ =	swait.ge [sflag:s17], $0x2000  }
0x4e: {  	[sflag:s17] =	ssyncset.done $0x0  }
0x4f: {  	s2 =	simm.s32 $0x100;
	[sflag:s17] =	ssyncadd.s32 $0xFFFFE000  }
0x50: {  	[tilespmem:s21], [sflag:$0x1] =	stream.indirect.gather [hbm4b:s1+s20], $0x40, s2, s20, $0xb8;
	[tilespmem:$0x141C0] =	vst v63  }
0x51: {  	_ =	swait.ge [sflag:s24], $0x2000  }
0x52: {  	[sflag:s24] =	ssyncset.done $0x0  }
0x53: {  	s18 =	simm.s32 $0x2880;
	[sflag:s24] =	ssyncadd.s32 $0xFFFFE000  }
0x54: {  	[spmem:s3] =	stream.indirect.scatter.add.f32 [tilespmem:s22], [sflag:$0x3], $0x40, s18, s20, $0xb8;
	[tilespmem:$0x141C0] =	vst v63  }
0x55: {  	_ =	swait.ge [sflag:s17], $0x2000  }
0x56: {  	s31 =	simm.s32 $0x800;
	s30 =	simm.s32 $0x100;
	[sflag:s17] =	ssyncset.done $0x0  }
.LBB2_4:
0x57: {  	s0 =	sadd.s32 $0x80, s30  }
0x58: {  	[sflag:s17] =	ssyncadd.s32 $0xFFFFE000;
	s2 =	smov.u32 s31;
	s18 =	sadd.s32 $0x400, s31  }
0x59: {  	[tilespmem:s22], [sflag:$0x2] =	stream.indirect.gather [hbm4b:s1+s20], $0x40, s0, s20, $0xb8;
	[tilespmem:$0x141C0] =	vst v63  }
0x5a: {  	p0 =	sne.s32 s31, $0x9800;
	_ =	swait.ge [sflag:s23], $0x2000  }
0x5b: {  	[sflag:s23] =	ssyncset.done $0x0  }
0x5c: {  	s0 =	sadd.s32 $0x2800, s30;
	[sflag:s23] =	ssyncadd.s32 $0xFFFFE000  }
0x5d: {  	[spmem:s3] =	stream.indirect.scatter.add.f32 [tilespmem:s21], [sflag:$0x3], $0x40, s0, s20, $0xb8;
	[tilespmem:$0x141C0] =	vst v63  }
0x5e: {  	_ =	swait.ge [sflag:s17], $0x2000  }
0x5f: {  	[sflag:s17] =	ssyncset.done $0x0  }
0x60: {  	s0 =	sadd.s32 $0x100, s30;
	[sflag:s17] =	ssyncadd.s32 $0xFFFFE000  }
0x61: {  	[tilespmem:s21], [sflag:$0x1] =	stream.indirect.gather [hbm4b:s1+s20], $0x40, s0, s20, $0xb8;
	[tilespmem:$0x141C0] =	vst v63  }
0x62: {  	_ =	swait.ge [sflag:s24], $0x2000  }
.Ltmp1:
0x63: {  	[sflag:s24] =	ssyncset.done $0x0;
	(pc) =	sbr.rel @p0 .LBB2_4-.Ltmp1, $4  }
0x64: {  	s0 =	sadd.s32 $0x2880, s30;
	[sflag:s24] =	ssyncadd.s32 $0xFFFFE000  }
0x65: {  	[spmem:s3] =	stream.indirect.scatter.add.f32 [tilespmem:s22], [sflag:$0x3], $0x40, s0, s20, $0xb8;
	[tilespmem:$0x141C0] =	vst v63  }
0x66: {  	_ =	swait.ge [sflag:s17], $0x2000  }
0x67: {  	s31 =	smov.u32 s18;
	s30 =	sshra.s32 s2, $0x2;
	[sflag:s17] =	ssyncset.done $0x0  }
0x68: {  	s0 =	sadd.s32 $0x80, s30;
	[sflag:s17] =	ssyncadd.s32 $0xFFFFE000  }
0x69: {  	[tilespmem:s22], [sflag:$0x2] =	stream.indirect.gather [hbm4b:s1+s20], $0x40, s0, s20, $0xb8;
	[tilespmem:$0x141C0] =	vst v63  }
0x6a: {  	_ =	swait.ge [sflag:s23], $0x2000  }
0x6b: {  	[sflag:s23] =	ssyncset.done $0x0  }
0x6c: {  	s2 =	sadd.s32 $0x2800, s30;
	[sflag:s23] =	ssyncadd.s32 $0xFFFFE000  }
0x6d: {  	[spmem:s3] =	stream.indirect.scatter.add.f32 [tilespmem:s21], [sflag:$0x3], $0x40, s2, s20, $0xb8;
	[tilespmem:$0x141C0] =	vst v63  }
0x6e: {  	_ =	swait.ge [sflag:s17], $0x2000  }
0x6f: {  	[sflag:s17] =	ssyncset.done $0x0  }
0x70: {  	s18 =	sadd.s32 $0x100, s30;
	[sflag:s17] =	ssyncadd.s32 $0xFFFFE000  }
0x71: {  	[tilespmem:s21], [sflag:$0x1] =	stream.indirect.gather [hbm4b:s1+s20], $0x40, s18, s20, $0xb8;
	[tilespmem:$0x141C0] =	vst v63  }
0x72: {  	_ =	swait.ge [sflag:s24], $0x2000  }
0x73: {  	[sflag:s24] =	ssyncset.done $0x0  }
0x74: {  	s30 =	sadd.s32 $0x2880, s30;
	[sflag:s24] =	ssyncadd.s32 $0xFFFFE000  }
0x75: {  	[spmem:s3] =	stream.indirect.scatter.add.f32 [tilespmem:s22], [sflag:$0x3], $0x40, s30, s20, $0xb8;
	[tilespmem:$0x141C0] =	vst v63  }
0x76: {  	_ =	swait.ge [sflag:s17], $0x2000  }
0x77: {  	[sflag:s17] =	ssyncset.done $0x0  }
0x78: {  	[sflag:s17] =	ssyncadd.s32 $0xFFFFE000  }
0x79: {  	[tilespmem:s22], [sflag:$0x2] =	stream.indirect.gather [hbm4b:s1+s20], $0x40, s25, s20, $0xb8;
	[tilespmem:$0x141C0] =	vst v63  }
0x7a: {  	_ =	swait.ge [sflag:s23], $0x2000  }
0x7b: {  	[sflag:s23] =	ssyncset.done $0x0  }
0x7c: {  	[sflag:s23] =	ssyncadd.s32 $0xFFFFE000  }
0x7d: {  	[spmem:s3] =	stream.indirect.scatter.add.f32 [tilespmem:s21], [sflag:$0x3], $0x40, s26, s20, $0xb8;
	[tilespmem:$0x141C0] =	vst v63  }
0x7e: {  	_ =	swait.ge [sflag:s17], $0x2000  }
0x7f: {  	[sflag:s17] =	ssyncset.done $0x0  }
0x80: {  	[sflag:s17] =	ssyncadd.s32 $0xFFFFE000  }
0x81: {  	_ =	swait.ge [sflag:s24], $0x2000  }
0x82: {  	[sflag:s24] =	ssyncset.done $0x0  }
0x83: {  	[sflag:s24] =	ssyncadd.s32 $0xFFFFE000  }
0x84: {  	[spmem:s3] =	stream.indirect.scatter.add.f32 [tilespmem:s22], [sflag:$0x3], $0x40, s28, s20, $0xb8;
	[tilespmem:$0x141C0] =	vst v63  }
0x85: {  	s31 =	stileid.u32;
	_ =	swait.ge [sflag:s17], $0x2000  }
0x86: {  	s29 =	sadd.s32 $0x1, s29;
	s0 =	sshll.u32 s31, $0x6;
	[sflag:s17] =	ssyncset.done $0x0  }
0x87: {  	p0 =	sne.s32 s29, s16;
	s0 =	sor.u32 $0x1C03, s0;
	[sflag:s17] =	ssyncadd.s32 $0xFFFFE000  }
.Ltmp2:
0x88: {  	s2 =	sshrl.u32 s7, $0x3;
	[bflag:$0x0] =	sbarrier.arrive $0xFFFF;
	(pc) =	sbr.rel @p0 .LBB2_1-.Ltmp2, $4  }
0x89: {  	[hbm:s15], [sflag:s0] =	dma.local [spmem:s2], $0x13C0  }
0x8a: {  	_ =	swait.ge [sflag:s17], $0x13C0  }
0x8b: {  	[sflag:s17] =	ssyncset.done $0x0  }
0x8c: {  	[sflag:s17] =	ssyncadd.s32 $0xFFFFEC40  }
0x8d: {  	_ =	sfence.sel $0x180000  }
0x8e: {  	[bflag:$0x0] =	sbarrier.arrive $0xFFFF  }
0x8f: {  	_ =	strace $0x9000004D  }
0x90: {  	s0 =	stileid.u32;
	[bflag:$0x2] =	sbarrier.arrive $0xFFFF  }
0x91: {  	p0 =	sne.s32 s0, $0x0;
	s0 =	rddreg [dreg:$0x4]  }
0x92: {  	s0 =	sadd.s32 @!p0 $0x100000, s0  }
0x93: {  	[sflag:s0] =	ssyncadd.tile.s32 @!p0 $0x1;
	_ =	shalt  }
.Lfunc_end2:
_tile_overlayer_lowered:
.L_overlay_start_2:
0x94: {  	(tag) =	ssettag $0x2  }
0x95: {  	s0 =	rddreg [dreg:$0x0];
	s2 =	stileid.u32  }
0x96: {  	s1 =	rddreg [dreg:$0x1];
	p0 =	sne.s32 s2, $0x0  }
0x97: {  	s3 =	rddreg [dreg:$0x2];
	[bflag:$0x3] =	sbarrier.arrive $0xFFFF;
	s2 =	simm.s32 @!p0 $0x1C03  }
0x98: {  	[timem:s3], [sflag:s2] =	dma.local @!p0 [hbm:s0], s1  }
0x99: {  	s0 =	simm.s32 @!p0 $0x3  }
0x9a: {  	_ =	swait.ge @!p0 [sflag:s0], s1  }
0x9b: {  	s1 =	ssub.s32 @!p0 $0x0, s1;
	[sflag:s0] =	ssyncset.done @!p0 $0x0  }
0x9c: {  	[sflag:s0] =	ssyncadd.s32 @!p0 s1  }
0x9d: {  	[bflag:$0x3] =	sbarrier.arrive $0xFFFF  }
0x9e: {  	_ =	shalt  }

</sc_bundles>
